<compile_context>
chip_gen: v7x
topology: tpu7x:2x2x1
jax: 0.10.2.dev20260603
libtpu: 0.0.44.dev20260713+nightly
codegen_flags: <defaults>
</compile_context>

<pallas_src>
import dataclasses
import functools

import jax
import jax.numpy as jnp
from jax import lax
from jax.experimental import pallas as pl
from jax.experimental.pallas import tpu as pltpu
from jax.experimental.pallas import tpu_sc as plsc

N = 10000
D = 128
NC = 2
NS = 16
NW = NC * NS
LANES = 16

CH = 64
NBUF = 5
N_PAD = 10240


def _sc_params():
    cp = pltpu.CompilerParams()
    if "needs_layout_passes" in pltpu.CompilerParams.__dataclass_fields__:
        cp = dataclasses.replace(cp, needs_layout_passes=False)
    return cp


@functools.lru_cache(maxsize=None)
def _make_agg(nchunks):
    rpt = N_PAD // NS
    mesh = plsc.VectorSubcoreMesh(core_axis_name="c", subcore_axis_name="s")
    assert nchunks >= NBUF
    scratch = (
        [pltpu.VMEM_SHARED((N_PAD, D), jnp.float32)]
        + [pltpu.VMEM((2, CH), jnp.int32) for _ in range(NBUF)]
        + [pltpu.VMEM((CH, D), jnp.float32) for _ in range(NBUF)]
        + [pltpu.SemaphoreType.DMA for _ in range(2 * NBUF)]
    )

    def body(feat_hbm, idx_hbm, sums_hbm, acc_sh, *rest):
        ibs = rest[:NBUF]
        rows = rest[NBUF:2 * NBUF]
        gsems = rest[2 * NBUF:3 * NBUF]
        isems = rest[3 * NBUF:4 * NBUF]
        c = lax.axis_index("c")
        s = lax.axis_index("s")
        wid = c * NS + s
        my_idx = idx_hbm.at[wid]

        def idx_start(j, k):
            pltpu.async_copy(my_idx.at[j], ibs[k], isems[k])

        def idx_wait(j, k):
            pltpu.make_async_copy(my_idx.at[j], ibs[k], isems[k]).wait()

        def gather_start(k):
            pltpu.async_copy(feat_hbm.at[ibs[k].at[0]], rows[k], gsems[k])

        def gather_wait(k):
            pltpu.make_async_copy(
                feat_hbm.at[ibs[k].at[0]], rows[k], gsems[k]).wait()

        def consume(k):
            pltpu.sync_copy(rows[k], acc_sh.at[ibs[k].at[1]], add=True)

        for k in range(NBUF):
            idx_start(k, k)

        zero_lanes = jnp.zeros((LANES,), jnp.float32)
        zbuf = rows[0]

        @pl.loop(0, CH)
        def _(r):
            @pl.loop(0, D, step=LANES)
            def _(k):
                zbuf.at[r, pl.ds(k, LANES)][...] = zero_lanes

        @pl.loop(0, rpt, step=CH)
        def _(r):
            pltpu.sync_copy(zbuf, acc_sh.at[pl.ds(s * rpt + r, CH)])

        plsc.subcore_barrier()

        for k in range(NBUF - 1):
            idx_wait(k, k)
            gather_start(k)

        @pl.loop(0, nchunks, step=NBUF)
        def _(m):
            for i in range(NBUF):
                j = m + i

                @pl.when(j < nchunks)
                def _(j=j, i=i):
                    la = NBUF - 1

                    @pl.when(j + la < nchunks)
                    def _():
                        k2 = (i + la) % NBUF
                        idx_wait(j + la, k2)
                        gather_start(k2)

                    gather_wait(i)
                    consume(i)

                    @pl.when(j + NBUF < nchunks)
                    def _():
                        idx_start(j + NBUF, i)

        plsc.subcore_barrier()

        @pl.loop(0, rpt, step=CH)
        def _(r):
            r0 = s * rpt + r
            pltpu.sync_copy(acc_sh.at[pl.ds(r0, CH)], zbuf)
            pltpu.sync_copy(zbuf, sums_hbm.at[c].at[pl.ds(r0, CH)])

    return pl.kernel(body,
                     out_type=jax.ShapeDtypeStruct((NC, N_PAD, D), jnp.float32),
                     mesh=mesh, scratch_types=scratch,
                     compiler_params=_sc_params())


@functools.lru_cache(maxsize=None)
def _make_counts(nchunks):
    mesh = plsc.VectorSubcoreMesh(core_axis_name="c", subcore_axis_name="s")
    scratch = [
        pltpu.VMEM((nchunks, 2, CH), jnp.int32),
        pltpu.VMEM((1, N_PAD), jnp.float32),
        pltpu.SemaphoreType.DMA,
    ]

    def body(idx_hbm, cnt_hbm, idx_v, hist_v, isem):
        c = lax.axis_index("c")
        s = lax.axis_index("s")
        wid = c * NS + s
        cp = pltpu.async_copy(idx_hbm.at[wid], idx_v, isem)

        zero_lanes = jnp.zeros((LANES,), jnp.float32)

        @pl.loop(0, N_PAD, step=LANES)
        def _(i):
            hist_v.at[0, pl.ds(i, LANES)][...] = zero_lanes

        cp.wait()
        ones = jnp.ones((LANES,), jnp.float32)
        zeros_i = jnp.zeros((LANES,), jnp.int32)

        @pl.loop(0, nchunks)
        def _(j):
            @pl.loop(0, CH, step=LANES)
            def _(i):
                idx = idx_v[j, 1, pl.ds(i, LANES)]
                plsc.addupdate_scatter(hist_v, [zeros_i, idx], ones)

        pltpu.sync_copy(hist_v, cnt_hbm.at[wid])

    return pl.kernel(body,
                     out_type=jax.ShapeDtypeStruct((NW, 1, N_PAD), jnp.float32),
                     mesh=mesh, scratch_types=scratch,
                     compiler_params=_sc_params())


def _dot(a, w):
    return lax.dot_general(a, w, (((1,), (0,)), ((), ())),
                           preferred_element_type=jnp.float32)


BN = 2048


def _combine1(x, p, cnt, wx, wm, b):
    def body(x_ref, p_ref, c_ref, wx_ref, wm_ref, b_ref, o_ref):
        counts = jnp.maximum(jnp.sum(c_ref[...], axis=0), 1.0)
        mean = (p_ref[0] + p_ref[1]) / counts[:, None]
        acc = _dot(x_ref[...], wx_ref[...]) + _dot(mean, wm_ref[...])
        o_ref[...] = jnp.maximum(acc + b_ref[...], 0.0)

    return pl.pallas_call(
        body,
        grid=(N_PAD // BN,),
        in_specs=[
            pl.BlockSpec((BN, D), lambda i: (i, 0)),
            pl.BlockSpec((NC, BN, D), lambda i: (0, i, 0)),
            pl.BlockSpec((NW, BN), lambda i: (0, i)),
            pl.BlockSpec((D, D), lambda i: (0, 0)),
            pl.BlockSpec((D, D), lambda i: (0, 0)),
            pl.BlockSpec((1, D), lambda i: (0, 0)),
        ],
        out_specs=pl.BlockSpec((BN, D), lambda i: (i, 0)),
        out_shape=jax.ShapeDtypeStruct((N, D), jnp.float32),
    )(x, p, cnt, wx, wm, b)


def _combine2(h, p, cnt, wx, wm, b, wl1, bl1, wl2, bl2):
    def body(h_ref, p_ref, c_ref, wx_ref, wm_ref, b_ref,
             wl1_ref, bl1_ref, wl2_ref, bl2_ref, o_ref):
        counts = jnp.maximum(jnp.sum(c_ref[...], axis=0), 1.0)
        mean = (p_ref[0] + p_ref[1]) / counts[:, None]
        acc = _dot(h_ref[...], wx_ref[...]) + _dot(mean, wm_ref[...])
        h2 = jnp.maximum(acc + b_ref[...], 0.0)
        t = jnp.maximum(_dot(h2, wl1_ref[...]) + bl1_ref[...], 0.0)
        o_ref[...] = _dot(t, wl2_ref[...]) + bl2_ref[...]

    return pl.pallas_call(
        body,
        grid=(N_PAD // BN,),
        in_specs=[
            pl.BlockSpec((BN, D), lambda i: (i, 0)),
            pl.BlockSpec((NC, BN, D), lambda i: (0, i, 0)),
            pl.BlockSpec((NW, BN), lambda i: (0, i)),
            pl.BlockSpec((D, D), lambda i: (0, 0)),
            pl.BlockSpec((D, D), lambda i: (0, 0)),
            pl.BlockSpec((1, D), lambda i: (0, 0)),
            pl.BlockSpec((D, 64), lambda i: (0, 0)),
            pl.BlockSpec((1, 64), lambda i: (0, 0)),
            pl.BlockSpec((64, 1), lambda i: (0, 0)),
            pl.BlockSpec((1, 1), lambda i: (0, 0)),
        ],
        out_specs=pl.BlockSpec((BN, 1), lambda i: (i, 0)),
        out_shape=jax.ShapeDtypeStruct((N, 1), jnp.float32),
    )(h, p, cnt, wx, wm, b, wl1, bl1, wl2, bl2)


def kernel(x, edge_index, W1, b1, W2, b2, Wl1, bl1, Wl2, bl2):
    E = edge_index.shape[1]
    epw = E // NW
    nchunks = -(-epw // CH)
    pad = nchunks * CH - epw

    src = edge_index[0].astype(jnp.int32).reshape(NW, epw)
    dst = edge_index[1].astype(jnp.int32).reshape(NW, epw)
    src = jnp.pad(src, ((0, 0), (0, pad)), constant_values=0)
    dst = jnp.pad(dst, ((0, 0), (0, pad)), constant_values=N)
    idx = jnp.stack([src.reshape(NW, nchunks, CH),
                     dst.reshape(NW, nchunks, CH)], axis=2)

    agg = _make_agg(nchunks)
    cnt = _make_counts(nchunks)(idx)
    cnt = cnt.reshape(NW, N_PAD)
    p1 = agg(x, idx)
    h1 = _combine1(x, p1, cnt, W1[:, :D].T, W1[:, D:].T, b1[None, :])
    p2 = agg(h1, idx)
    s = _combine2(h1, p2, cnt, W2[:, :D].T, W2[:, D:].T, b2[None, :],
                  Wl1.T, bl1[None, :], Wl2.T, bl2[None, :])
    return s[:, 0]

# --- scband reference (transcript-rebuilt; emitter-appended) ---
"""Pipeline reference for scband-gcn-regression-69578470195569 (READ-ONLY COPY).

The authoritative reference and input builder live on the scoring server;
editing this copy changes nothing except your own understanding.
"""

import jax, jax.numpy as jnp
import numpy as np

N = 10000
E = 320000
D = 128


def setup_inputs(seed: int = 0) -> dict:
    key = jax.random.key(seed)
    ks = jax.random.split(key, 12)
    x = jax.random.normal(ks[0], (N, D), dtype=jnp.float32)
    edge_index = jax.random.randint(ks[1], (2, E), 0, N, dtype=jnp.int64)
    # SAGEConvCat layer 1: lin_l maps 2*128 -> 128
    W1 = jax.random.normal(ks[2], (128, 2 * D), dtype=jnp.float32) * (1.0 / np.sqrt(2 * D))
    b1 = jnp.zeros((128,), dtype=jnp.float32)
    # SAGEConvCat layer 2: lin_l maps 2*128 -> 128
    W2 = jax.random.normal(ks[3], (128, 2 * 128), dtype=jnp.float32) * (1.0 / np.sqrt(2 * 128))
    b2 = jnp.zeros((128,), dtype=jnp.float32)
    # lin1: 128 -> 64
    Wl1 = jax.random.normal(ks[4], (64, 128), dtype=jnp.float32) * (1.0 / np.sqrt(128))
    bl1 = jnp.zeros((64,), dtype=jnp.float32)
    # lin2: 64 -> 1
    Wl2 = jax.random.normal(ks[5], (1, 64), dtype=jnp.float32) * (1.0 / np.sqrt(64))
    bl2 = jnp.zeros((1,), dtype=jnp.float32)
    return {"x": x, "edge_index": edge_index, "W1": W1, "b1": b1, "W2": W2, "b2": b2,
            "Wl1": Wl1, "bl1": bl1, "Wl2": Wl2, "bl2": bl2}


def _sage_conv_cat(x, edge_index, W, b):
    src = edge_index[0]
    dst = edge_index[1]
    msgs = jnp.take(x, src, axis=0)                      # gather x_j
    summed = jax.ops.segment_sum(msgs, dst, num_segments=N)
    counts = jax.ops.segment_sum(jnp.ones((msgs.shape[0],), dtype=x.dtype), dst, num_segments=N)
    mean = summed / jnp.clip(counts, 1.0, None)[:, None]  # mean aggregation
    out = jnp.concatenate([x, mean], axis=-1)
    out = out @ W.T + b
    return out


def reference(x, edge_index, W1, b1, W2, b2, Wl1, bl1, Wl2, bl2):
    h = _sage_conv_cat(x, edge_index, W1, b1)
    h = jax.nn.relu(h)
    h = _sage_conv_cat(h, edge_index, W2, b2)
    h = jax.nn.relu(h)
    # dropout with training=False is identity
    s = h @ Wl1.T + bl1
    s = jax.nn.relu(s)
    s = s @ Wl2.T + bl2
    s = jnp.squeeze(s)
    return s

if __name__ == "__main__":
    import jax
    _d = setup_inputs()
    print(jax.jit(kernel)(*tuple(_d.values())))

</pallas_src>

<mosaic_0001>
#map = affine_map<(d0, d1) -> (0, 0)>
#map1 = affine_map<(d0, d1) -> (0, 0, 0, 0)>
#map2 = affine_map<(d0, d1) -> (0, 0, 0)>
module attributes {stable_mosaic.version = 14 : i64} {
  func.func @body(%arg0: i32, %arg1: i32, %arg2: memref<10000x128xf32, #tpu.memory_space<hbm>>, %arg3: memref<32x157x2x64xi32, #tpu.memory_space<hbm>>, %arg4: memref<2x10240x128xf32, #tpu.memory_space<hbm>>, %arg5: memref<10240x128xf32, #tpu.memory_space<vmem_shared>>, %arg6: memref<2x64xi32, #tpu.memory_space<vmem>>, %arg7: memref<2x64xi32, #tpu.memory_space<vmem>>, %arg8: memref<2x64xi32, #tpu.memory_space<vmem>>, %arg9: memref<2x64xi32, #tpu.memory_space<vmem>>, %arg10: memref<2x64xi32, #tpu.memory_space<vmem>>, %arg11: memref<64x128xf32, #tpu.memory_space<vmem>>, %arg12: memref<64x128xf32, #tpu.memory_space<vmem>>, %arg13: memref<64x128xf32, #tpu.memory_space<vmem>>, %arg14: memref<64x128xf32, #tpu.memory_space<vmem>>, %arg15: memref<64x128xf32, #tpu.memory_space<vmem>>, %arg16: memref<!tpu.dma_semaphore, #tpu.memory_space<semaphore_mem>>, %arg17: memref<!tpu.dma_semaphore, #tpu.memory_space<semaphore_mem>>, %arg18: memref<!tpu.dma_semaphore, #tpu.memory_space<semaphore_mem>>, %arg19: memref<!tpu.dma_semaphore, #tpu.memory_space<semaphore_mem>>, %arg20: memref<!tpu.dma_semaphore, #tpu.memory_space<semaphore_mem>>, %arg21: memref<!tpu.dma_semaphore, #tpu.memory_space<semaphore_mem>>, %arg22: memref<!tpu.dma_semaphore, #tpu.memory_space<semaphore_mem>>, %arg23: memref<!tpu.dma_semaphore, #tpu.memory_space<semaphore_mem>>, %arg24: memref<!tpu.dma_semaphore, #tpu.memory_space<semaphore_mem>>, %arg25: memref<!tpu.dma_semaphore, #tpu.memory_space<semaphore_mem>>) attributes {dimension_semantics = [#tpu.dimension_semantics<core_parallel>, #tpu.dimension_semantics<subcore_parallel>], iteration_bounds = array<i64: 2, 16>, scalar_prefetch = 0 : i64, scratch_operands = 21 : i64, tpu.core_type = #tpu.core_type<sc_vector_subcore>, window_params = [{transform_indices = #map}, {transform_indices = #map1}, {transform_indices = #map2}]} {
    %mul3A = arith.constant 16 : i32
    %mul3A_0 = arith.muli %arg0, %mul3A : i32
    %add3A = arith.addi %mul3A_0, %arg1 : i32
    %dma_start3A = arith.constant 0 : i32
    %dma_start3A_1 = arith.constant 0 : i32
    %dma_start3A_2 = arith.constant 0 : i32
    %dma_start3A_3 = arith.constant 0 : i32
    %dma_start3A_4 = tpu.memref_slice %arg3[%add3A, %dma_start3A_1, %dma_start3A_2, %dma_start3A_3] : memref<32x157x2x64xi32, #tpu.memory_space<hbm>> -> memref<1x157x2x64xi32, #tpu.memory_space<hbm>>
    %dma_start3A_5 = tpu.memref_squeeze %dma_start3A_4 : memref<1x157x2x64xi32, #tpu.memory_space<hbm>> -> memref<157x2x64xi32, #tpu.memory_space<hbm>>
    %dma_start3A_6 = arith.constant 0 : i32
    %dma_start3A_7 = arith.constant 0 : i32
    %dma_start3A_8 = tpu.memref_slice %dma_start3A_5[%dma_start3A, %dma_start3A_6, %dma_start3A_7] : memref<157x2x64xi32, #tpu.memory_space<hbm>> -> memref<1x2x64xi32, #tpu.memory_space<hbm>>
    %dma_start3A_9 = tpu.memref_squeeze %dma_start3A_8 : memref<1x2x64xi32, #tpu.memory_space<hbm>> -> memref<2x64xi32, #tpu.memory_space<hbm>>
    %dma_start3A_10 = arith.constant 0 : i32
    %dma_start3A_11 = arith.constant 0 : i32
    %dma_start3A_12 = arith.constant 0 : i32
    %dma_start3A_13 = tpu.memref_slice %arg3[%add3A, %dma_start3A_10, %dma_start3A_11, %dma_start3A_12] : memref<32x157x2x64xi32, #tpu.memory_space<hbm>> -> memref<1x157x2x64xi32, #tpu.memory_space<hbm>>
    %dma_start3A_14 = tpu.memref_squeeze %dma_start3A_13 : memref<1x157x2x64xi32, #tpu.memory_space<hbm>> -> memref<157x2x64xi32, #tpu.memory_space<hbm>>
    %dma_start3A_15 = arith.constant 0 : i32
    %dma_start3A_16 = arith.constant 0 : i32
    %dma_start3A_17 = tpu.memref_slice %dma_start3A_14[%dma_start3A, %dma_start3A_15, %dma_start3A_16] : memref<157x2x64xi32, #tpu.memory_space<hbm>> -> memref<1x2x64xi32, #tpu.memory_space<hbm>>
    %dma_start3A_18 = tpu.memref_squeeze %dma_start3A_17 : memref<1x2x64xi32, #tpu.memory_space<hbm>> -> memref<2x64xi32, #tpu.memory_space<hbm>>
    tpu.enqueue_dma source(%dma_start3A_18 : memref<2x64xi32, #tpu.memory_space<hbm>>) target(%arg6 : memref<2x64xi32, #tpu.memory_space<vmem>>) target_semaphore(%arg21 : memref<!tpu.dma_semaphore, #tpu.memory_space<semaphore_mem>>)
    %dma_start3A_19 = arith.constant 1 : i32
    %dma_start3A_20 = arith.constant 0 : i32
    %dma_start3A_21 = arith.constant 0 : i32
    %dma_start3A_22 = arith.constant 0 : i32
    %dma_start3A_23 = tpu.memref_slice %arg3[%add3A, %dma_start3A_20, %dma_start3A_21, %dma_start3A_22] : memref<32x157x2x64xi32, #tpu.memory_space<hbm>> -> memref<1x157x2x64xi32, #tpu.memory_space<hbm>>
    %dma_start3A_24 = tpu.memref_squeeze %dma_start3A_23 : memref<1x157x2x64xi32, #tpu.memory_space<hbm>> -> memref<157x2x64xi32, #tpu.memory_space<hbm>>
    %dma_start3A_25 = arith.constant 0 : i32
    %dma_start3A_26 = arith.constant 0 : i32
    %dma_start3A_27 = tpu.memref_slice %dma_start3A_24[%dma_start3A_19, %dma_start3A_25, %dma_start3A_26] : memref<157x2x64xi32, #tpu.memory_space<hbm>> -> memref<1x2x64xi32, #tpu.memory_space<hbm>>
    %dma_start3A_28 = tpu.memref_squeeze %dma_start3A_27 : memref<1x2x64xi32, #tpu.memory_space<hbm>> -> memref<2x64xi32, #tpu.memory_space<hbm>>
    %dma_start3A_29 = arith.constant 0 : i32
    %dma_start3A_30 = arith.constant 0 : i32
    %dma_start3A_31 = arith.constant 0 : i32
    %dma_start3A_32 = tpu.memref_slice %arg3[%add3A, %dma_start3A_29, %dma_start3A_30, %dma_start3A_31] : memref<32x157x2x64xi32, #tpu.memory_space<hbm>> -> memref<1x157x2x64xi32, #tpu.memory_space<hbm>>
    %dma_start3A_33 = tpu.memref_squeeze %dma_start3A_32 : memref<1x157x2x64xi32, #tpu.memory_space<hbm>> -> memref<157x2x64xi32, #tpu.memory_space<hbm>>
    %dma_start3A_34 = arith.constant 0 : i32
    %dma_start3A_35 = arith.constant 0 : i32
    %dma_start3A_36 = tpu.memref_slice %dma_start3A_33[%dma_start3A_19, %dma_start3A_34, %dma_start3A_35] : memref<157x2x64xi32, #tpu.memory_space<hbm>> -> memref<1x2x64xi32, #tpu.memory_space<hbm>>
    %dma_start3A_37 = tpu.memref_squeeze %dma_start3A_36 : memref<1x2x64xi32, #tpu.memory_space<hbm>> -> memref<2x64xi32, #tpu.memory_space<hbm>>
    tpu.enqueue_dma source(%dma_start3A_37 : memref<2x64xi32, #tpu.memory_space<hbm>>) target(%arg7 : memref<2x64xi32, #tpu.memory_space<vmem>>) target_semaphore(%arg22 : memref<!tpu.dma_semaphore, #tpu.memory_space<semaphore_mem>>)
    %dma_start3A_38 = arith.constant 2 : i32
    %dma_start3A_39 = arith.constant 0 : i32
    %dma_start3A_40 = arith.constant 0 : i32
    %dma_start3A_41 = arith.constant 0 : i32
    %dma_start3A_42 = tpu.memref_slice %arg3[%add3A, %dma_start3A_39, %dma_start3A_40, %dma_start3A_41] : memref<32x157x2x64xi32, #tpu.memory_space<hbm>> -> memref<1x157x2x64xi32, #tpu.memory_space<hbm>>
    %dma_start3A_43 = tpu.memref_squeeze %dma_start3A_42 : memref<1x157x2x64xi32, #tpu.memory_space<hbm>> -> memref<157x2x64xi32, #tpu.memory_space<hbm>>
    %dma_start3A_44 = arith.constant 0 : i32
    %dma_start3A_45 = arith.constant 0 : i32
    %dma_start3A_46 = tpu.memref_slice %dma_start3A_43[%dma_start3A_38, %dma_start3A_44, %dma_start3A_45] : memref<157x2x64xi32, #tpu.memory_space<hbm>> -> memref<1x2x64xi32, #tpu.memory_space<hbm>>
    %dma_start3A_47 = tpu.memref_squeeze %dma_start3A_46 : memref<1x2x64xi32, #tpu.memory_space<hbm>> -> memref<2x64xi32, #tpu.memory_space<hbm>>
    %dma_start3A_48 = arith.constant 0 : i32
    %dma_start3A_49 = arith.constant 0 : i32
    %dma_start3A_50 = arith.constant 0 : i32
    %dma_start3A_51 = tpu.memref_slice %arg3[%add3A, %dma_start3A_48, %dma_start3A_49, %dma_start3A_50] : memref<32x157x2x64xi32, #tpu.memory_space<hbm>> -> memref<1x157x2x64xi32, #tpu.memory_space<hbm>>
    %dma_start3A_52 = tpu.memref_squeeze %dma_start3A_51 : memref<1x157x2x64xi32, #tpu.memory_space<hbm>> -> memref<157x2x64xi32, #tpu.memory_space<hbm>>
    %dma_start3A_53 = arith.constant 0 : i32
    %dma_start3A_54 = arith.constant 0 : i32
    %dma_start3A_55 = tpu.memref_slice %dma_start3A_52[%dma_start3A_38, %dma_start3A_53, %dma_start3A_54] : memref<157x2x64xi32, #tpu.memory_space<hbm>> -> memref<1x2x64xi32, #tpu.memory_space<hbm>>
    %dma_start3A_56 = tpu.memref_squeeze %dma_start3A_55 : memref<1x2x64xi32, #tpu.memory_space<hbm>> -> memref<2x64xi32, #tpu.memory_space<hbm>>
    tpu.enqueue_dma source(%dma_start3A_56 : memref<2x64xi32, #tpu.memory_space<hbm>>) target(%arg8 : memref<2x64xi32, #tpu.memory_space<vmem>>) target_semaphore(%arg23 : memref<!tpu.dma_semaphore, #tpu.memory_space<semaphore_mem>>)
    %dma_start3A_57 = arith.constant 3 : i32
    %dma_start3A_58 = arith.constant 0 : i32
    %dma_start3A_59 = arith.constant 0 : i32
    %dma_start3A_60 = arith.constant 0 : i32
    %dma_start3A_61 = tpu.memref_slice %arg3[%add3A, %dma_start3A_58, %dma_start3A_59, %dma_start3A_60] : memref<32x157x2x64xi32, #tpu.memory_space<hbm>> -> memref<1x157x2x64xi32, #tpu.memory_space<hbm>>
    %dma_start3A_62 = tpu.memref_squeeze %dma_start3A_61 : memref<1x157x2x64xi32, #tpu.memory_space<hbm>> -> memref<157x2x64xi32, #tpu.memory_space<hbm>>
    %dma_start3A_63 = arith.constant 0 : i32
    %dma_start3A_64 = arith.constant 0 : i32
    %dma_start3A_65 = tpu.memref_slice %dma_start3A_62[%dma_start3A_57, %dma_start3A_63, %dma_start3A_64] : memref<157x2x64xi32, #tpu.memory_space<hbm>> -> memref<1x2x64xi32, #tpu.memory_space<hbm>>
    %dma_start3A_66 = tpu.memref_squeeze %dma_start3A_65 : memref<1x2x64xi32, #tpu.memory_space<hbm>> -> memref<2x64xi32, #tpu.memory_space<hbm>>
    %dma_start3A_67 = arith.constant 0 : i32
    %dma_start3A_68 = arith.constant 0 : i32
    %dma_start3A_69 = arith.constant 0 : i32
    %dma_start3A_70 = tpu.memref_slice %arg3[%add3A, %dma_start3A_67, %dma_start3A_68, %dma_start3A_69] : memref<32x157x2x64xi32, #tpu.memory_space<hbm>> -> memref<1x157x2x64xi32, #tpu.memory_space<hbm>>
    %dma_start3A_71 = tpu.memref_squeeze %dma_start3A_70 : memref<1x157x2x64xi32, #tpu.memory_space<hbm>> -> memref<157x2x64xi32, #tpu.memory_space<hbm>>
    %dma_start3A_72 = arith.constant 0 : i32
    %dma_start3A_73 = arith.constant 0 : i32
    %dma_start3A_74 = tpu.memref_slice %dma_start3A_71[%dma_start3A_57, %dma_start3A_72, %dma_start3A_73] : memref<157x2x64xi32, #tpu.memory_space<hbm>> -> memref<1x2x64xi32, #tpu.memory_space<hbm>>
    %dma_start3A_75 = tpu.memref_squeeze %dma_start3A_74 : memref<1x2x64xi32, #tpu.memory_space<hbm>> -> memref<2x64xi32, #tpu.memory_space<hbm>>
    tpu.enqueue_dma source(%dma_start3A_75 : memref<2x64xi32, #tpu.memory_space<hbm>>) target(%arg9 : memref<2x64xi32, #tpu.memory_space<vmem>>) target_semaphore(%arg24 : memref<!tpu.dma_semaphore, #tpu.memory_space<semaphore_mem>>)
    %dma_start3A_76 = arith.constant 4 : i32
    %dma_start3A_77 = arith.constant 0 : i32
    %dma_start3A_78 = arith.constant 0 : i32
    %dma_start3A_79 = arith.constant 0 : i32
    %dma_start3A_80 = tpu.memref_slice %arg3[%add3A, %dma_start3A_77, %dma_start3A_78, %dma_start3A_79] : memref<32x157x2x64xi32, #tpu.memory_space<hbm>> -> memref<1x157x2x64xi32, #tpu.memory_space<hbm>>
    %dma_start3A_81 = tpu.memref_squeeze %dma_start3A_80 : memref<1x157x2x64xi32, #tpu.memory_space<hbm>> -> memref<157x2x64xi32, #tpu.memory_space<hbm>>
    %dma_start3A_82 = arith.constant 0 : i32
    %dma_start3A_83 = arith.constant 0 : i32
    %dma_start3A_84 = tpu.memref_slice %dma_start3A_81[%dma_start3A_76, %dma_start3A_82, %dma_start3A_83] : memref<157x2x64xi32, #tpu.memory_space<hbm>> -> memref<1x2x64xi32, #tpu.memory_space<hbm>>
    %dma_start3A_85 = tpu.memref_squeeze %dma_start3A_84 : memref<1x2x64xi32, #tpu.memory_space<hbm>> -> memref<2x64xi32, #tpu.memory_space<hbm>>
    %dma_start3A_86 = arith.constant 0 : i32
    %dma_start3A_87 = arith.constant 0 : i32
    %dma_start3A_88 = arith.constant 0 : i32
    %dma_start3A_89 = tpu.memref_slice %arg3[%add3A, %dma_start3A_86, %dma_start3A_87, %dma_start3A_88] : memref<32x157x2x64xi32, #tpu.memory_space<hbm>> -> memref<1x157x2x64xi32, #tpu.memory_space<hbm>>
    %dma_start3A_90 = tpu.memref_squeeze %dma_start3A_89 : memref<1x157x2x64xi32, #tpu.memory_space<hbm>> -> memref<157x2x64xi32, #tpu.memory_space<hbm>>
    %dma_start3A_91 = arith.constant 0 : i32
    %dma_start3A_92 = arith.constant 0 : i32
    %dma_start3A_93 = tpu.memref_slice %dma_start3A_90[%dma_start3A_76, %dma_start3A_91, %dma_start3A_92] : memref<157x2x64xi32, #tpu.memory_space<hbm>> -> memref<1x2x64xi32, #tpu.memory_space<hbm>>
    %dma_start3A_94 = tpu.memref_squeeze %dma_start3A_93 : memref<1x2x64xi32, #tpu.memory_space<hbm>> -> memref<2x64xi32, #tpu.memory_space<hbm>>
    tpu.enqueue_dma source(%dma_start3A_94 : memref<2x64xi32, #tpu.memory_space<hbm>>) target(%arg10 : memref<2x64xi32, #tpu.memory_space<vmem>>) target_semaphore(%arg25 : memref<!tpu.dma_semaphore, #tpu.memory_space<semaphore_mem>>)
    %broadcast_in_dim3A = arith.constant 0.000000e+00 : f32
    %broadcast_in_dim3A_95 = vector.broadcast %broadcast_in_dim3A : f32 to vector<16xf32>
    %scan3A = arith.constant 0 : i32
    %scan3A_96 = arith.constant 64 : i32
    %scan3A_97 = arith.addi %scan3A, %scan3A_96 : i32
    %scan3A_98 = arith.constant 1 : i32
    scf.for %scan3A_219 = %scan3A to %scan3A_97 step %scan3A_98  : i32 {
      %mul3A_220 = arith.constant 1 : i32
      %mul3A_221 = arith.muli %scan3A_219, %mul3A_220 : i32
      %add3A_222 = arith.constant 0 : i32
      %add3A_223 = arith.addi %add3A_222, %mul3A_221 : i32
      %scan3A_224 = arith.constant 0 : i32
      %scan3A_225 = arith.constant 8 : i32
      %scan3A_226 = arith.addi %scan3A_224, %scan3A_225 : i32
      %scan3A_227 = arith.constant 1 : i32
      scf.for %scan3A_229 = %scan3A_224 to %scan3A_226 step %scan3A_227  : i32 {
        %mul3A_230 = arith.constant 16 : i32
        %mul3A_231 = arith.muli %scan3A_229, %mul3A_230 : i32
        %add3A_232 = arith.constant 0 : i32
        %add3A_233 = arith.addi %add3A_232, %mul3A_231 : i32
        %swap3A = arith.index_cast %add3A_223 : i32 to index
        %swap3A_234 = arith.index_cast %add3A_233 : i32 to index
        %swap3A_235 = tpu.vector_load %arg11[%swap3A, %swap3A_234] {strides = array<i32>} : memref<64x128xf32, #tpu.memory_space<vmem>>, vector<16xf32>,
        tpu.vector_store %arg11[%swap3A, %swap3A_234], %broadcast_in_dim3A_95 {strides = array<i32>} : memref<64x128xf32, #tpu.memory_space<vmem>>, vector<16xf32>,
      }
      %scan3A_228 = arith.constant 8 : i32
    }
    %scan3A_99 = arith.constant 64 : i32
    %scan3A_100 = arith.constant 0 : i32
    %scan3A_101 = arith.constant 10 : i32
    %scan3A_102 = arith.addi %scan3A_100, %scan3A_101 : i32
    %scan3A_103 = arith.constant 1 : i32
    scf.for %scan3A_219 = %scan3A_100 to %scan3A_102 step %scan3A_103  : i32 {
      %mul3A_220 = arith.constant 64 : i32
      %mul3A_221 = arith.muli %scan3A_219, %mul3A_220 : i32
      %add3A_222 = arith.constant 0 : i32
      %add3A_223 = arith.addi %add3A_222, %mul3A_221 : i32
      %mul3A_224 = arith.constant 640 : i32
      %mul3A_225 = arith.muli %arg1, %mul3A_224 : i32
      %add3A_226 = arith.addi %mul3A_225, %add3A_223 : i32
      "tpu.region"() ({
        %run_scoped3A = tpu.sem_alloc : memref<!tpu.dma_semaphore, #tpu.memory_space<semaphore_mem>>
        %dma_start3A_227 = arith.constant 0 : i32
        %dma_start3A_228 = tpu.memref_slice %arg5[%add3A_226, %dma_start3A_227] : memref<10240x128xf32, #tpu.memory_space<vmem_shared>> -> memref<64x128xf32, #tpu.memory_space<vmem_shared>>
        %dma_start3A_229 = arith.constant 0 : i32
        %dma_start3A_230 = tpu.memref_slice %arg5[%add3A_226, %dma_start3A_229] : memref<10240x128xf32, #tpu.memory_space<vmem_shared>> -> memref<64x128xf32, #tpu.memory_space<vmem_shared>>
        tpu.enqueue_dma source(%arg11 : memref<64x128xf32, #tpu.memory_space<vmem>>) target(%dma_start3A_230 : memref<64x128xf32, #tpu.memory_space<vmem_shared>>) target_semaphore(%run_scoped3A : memref<!tpu.dma_semaphore, #tpu.memory_space<semaphore_mem>>)
        %dma_wait3A_231 = arith.constant 0 : i32
        %dma_wait3A_232 = tpu.memref_slice %arg5[%add3A_226, %dma_wait3A_231] : memref<10240x128xf32, #tpu.memory_space<vmem_shared>> -> memref<64x128xf32, #tpu.memory_space<vmem_shared>>
        %dma_wait3A_233 = arith.constant 0 : i32
        %dma_wait3A_234 = tpu.memref_slice %arg5[%add3A_226, %dma_wait3A_233] : memref<10240x128xf32, #tpu.memory_space<vmem_shared>> -> memref<64x128xf32, #tpu.memory_space<vmem_shared>>
        tpu.wait_dma2 semaphore(%run_scoped3A : memref<!tpu.dma_semaphore, #tpu.memory_space<semaphore_mem>>) src(%arg11 : memref<64x128xf32, #tpu.memory_space<vmem>>) dst(%dma_wait3A_234 : memref<64x128xf32, #tpu.memory_space<vmem_shared>>)
        tpu.yield
      }) : () -> ()
    }
    %scan3A_104 = arith.constant 10 : i32
    %barrier3A = arith.constant 0 : index
    tpu.barrier barrier_id(%barrier3A)
    %dma_wait3A = arith.constant 0 : i32
    %dma_wait3A_105 = arith.constant 0 : i32
    %dma_wait3A_106 = arith.constant 0 : i32
    %dma_wait3A_107 = arith.constant 0 : i32
    %dma_wait3A_108 = tpu.memref_slice %arg3[%add3A, %dma_wait3A_105, %dma_wait3A_106, %dma_wait3A_107] : memref<32x157x2x64xi32, #tpu.memory_space<hbm>> -> memref<1x157x2x64xi32, #tpu.memory_space<hbm>>
    %dma_wait3A_109 = tpu.memref_squeeze %dma_wait3A_108 : memref<1x157x2x64xi32, #tpu.memory_space<hbm>> -> memref<157x2x64xi32, #tpu.memory_space<hbm>>
    %dma_wait3A_110 = arith.constant 0 : i32
    %dma_wait3A_111 = arith.constant 0 : i32
    %dma_wait3A_112 = tpu.memref_slice %dma_wait3A_109[%dma_wait3A, %dma_wait3A_110, %dma_wait3A_111] : memref<157x2x64xi32, #tpu.memory_space<hbm>> -> memref<1x2x64xi32, #tpu.memory_space<hbm>>
    %dma_wait3A_113 = tpu.memref_squeeze %dma_wait3A_112 : memref<1x2x64xi32, #tpu.memory_space<hbm>> -> memref<2x64xi32, #tpu.memory_space<hbm>>
    %dma_wait3A_114 = arith.constant 0 : i32
    %dma_wait3A_115 = arith.constant 0 : i32
    %dma_wait3A_116 = arith.constant 0 : i32
    %dma_wait3A_117 = tpu.memref_slice %arg3[%add3A, %dma_wait3A_114, %dma_wait3A_115, %dma_wait3A_116] : memref<32x157x2x64xi32, #tpu.memory_space<hbm>> -> memref<1x157x2x64xi32, #tpu.memory_space<hbm>>
    %dma_wait3A_118 = tpu.memref_squeeze %dma_wait3A_117 : memref<1x157x2x64xi32, #tpu.memory_space<hbm>> -> memref<157x2x64xi32, #tpu.memory_space<hbm>>
    %dma_wait3A_119 = arith.constant 0 : i32
    %dma_wait3A_120 = arith.constant 0 : i32
    %dma_wait3A_121 = tpu.memref_slice %dma_wait3A_118[%dma_wait3A, %dma_wait3A_119, %dma_wait3A_120] : memref<157x2x64xi32, #tpu.memory_space<hbm>> -> memref<1x2x64xi32, #tpu.memory_space<hbm>>
    %dma_wait3A_122 = tpu.memref_squeeze %dma_wait3A_121 : memref<1x2x64xi32, #tpu.memory_space<hbm>> -> memref<2x64xi32, #tpu.memory_space<hbm>>
    tpu.wait_dma2 semaphore(%arg21 : memref<!tpu.dma_semaphore, #tpu.memory_space<semaphore_mem>>) src(%dma_wait3A_122 : memref<2x64xi32, #tpu.memory_space<hbm>>) dst(%arg6 : memref<2x64xi32, #tpu.memory_space<vmem>>)
    %dma_start3A_123 = arith.constant 0 : i32
    %dma_start3A_124 = arith.constant 0 : i32
    %dma_start3A_125 = tpu.memref_slice %arg6[%dma_start3A_123, %dma_start3A_124] : memref<2x64xi32, #tpu.memory_space<vmem>> -> memref<1x64xi32, #tpu.memory_space<vmem>>
    %dma_start3A_126 = tpu.memref_squeeze %dma_start3A_125 : memref<1x64xi32, #tpu.memory_space<vmem>> -> memref<64xi32, #tpu.memory_space<vmem>>
    %dma_start3A_127 = arith.constant 0 : i32
    %dma_start3A_128 = arith.constant 0 : i32
    %dma_start3A_129 = tpu.memref_slice %arg2[%dma_start3A_127, %dma_start3A_128] : memref<10000x128xf32, #tpu.memory_space<hbm>> -> memref<10000x128xf32, #tpu.memory_space<hbm>>
    tpu.enqueue_indirect_dma source(%dma_start3A_129 : memref<10000x128xf32, #tpu.memory_space<hbm>>) target(%arg11 : memref<64x128xf32, #tpu.memory_space<vmem>>) offsets(%dma_start3A_126 : memref<64xi32, #tpu.memory_space<vmem>>) semaphore(%arg16 : memref<!tpu.dma_semaphore, #tpu.memory_space<semaphore_mem>>)
    %dma_wait3A_130 = arith.constant 1 : i32
    %dma_wait3A_131 = arith.constant 0 : i32
    %dma_wait3A_132 = arith.constant 0 : i32
    %dma_wait3A_133 = arith.constant 0 : i32
    %dma_wait3A_134 = tpu.memref_slice %arg3[%add3A, %dma_wait3A_131, %dma_wait3A_132, %dma_wait3A_133] : memref<32x157x2x64xi32, #tpu.memory_space<hbm>> -> memref<1x157x2x64xi32, #tpu.memory_space<hbm>>
    %dma_wait3A_135 = tpu.memref_squeeze %dma_wait3A_134 : memref<1x157x2x64xi32, #tpu.memory_space<hbm>> -> memref<157x2x64xi32, #tpu.memory_space<hbm>>
    %dma_wait3A_136 = arith.constant 0 : i32
    %dma_wait3A_137 = arith.constant 0 : i32
    %dma_wait3A_138 = tpu.memref_slice %dma_wait3A_135[%dma_wait3A_130, %dma_wait3A_136, %dma_wait3A_137] : memref<157x2x64xi32, #tpu.memory_space<hbm>> -> memref<1x2x64xi32, #tpu.memory_space<hbm>>
    %dma_wait3A_139 = tpu.memref_squeeze %dma_wait3A_138 : memref<1x2x64xi32, #tpu.memory_space<hbm>> -> memref<2x64xi32, #tpu.memory_space<hbm>>
    %dma_wait3A_140 = arith.constant 0 : i32
    %dma_wait3A_141 = arith.constant 0 : i32
    %dma_wait3A_142 = arith.constant 0 : i32
    %dma_wait3A_143 = tpu.memref_slice %arg3[%add3A, %dma_wait3A_140, %dma_wait3A_141, %dma_wait3A_142] : memref<32x157x2x64xi32, #tpu.memory_space<hbm>> -> memref<1x157x2x64xi32, #tpu.memory_space<hbm>>
    %dma_wait3A_144 = tpu.memref_squeeze %dma_wait3A_143 : memref<1x157x2x64xi32, #tpu.memory_space<hbm>> -> memref<157x2x64xi32, #tpu.memory_space<hbm>>
    %dma_wait3A_145 = arith.constant 0 : i32
    %dma_wait3A_146 = arith.constant 0 : i32
    %dma_wait3A_147 = tpu.memref_slice %dma_wait3A_144[%dma_wait3A_130, %dma_wait3A_145, %dma_wait3A_146] : memref<157x2x64xi32, #tpu.memory_space<hbm>> -> memref<1x2x64xi32, #tpu.memory_space<hbm>>
    %dma_wait3A_148 = tpu.memref_squeeze %dma_wait3A_147 : memref<1x2x64xi32, #tpu.memory_space<hbm>> -> memref<2x64xi32, #tpu.memory_space<hbm>>
    tpu.wait_dma2 semaphore(%arg22 : memref<!tpu.dma_semaphore, #tpu.memory_space<semaphore_mem>>) src(%dma_wait3A_148 : memref<2x64xi32, #tpu.memory_space<hbm>>) dst(%arg7 : memref<2x64xi32, #tpu.memory_space<vmem>>)
    %dma_start3A_149 = arith.constant 0 : i32
    %dma_start3A_150 = arith.constant 0 : i32
    %dma_start3A_151 = tpu.memref_slice %arg7[%dma_start3A_149, %dma_start3A_150] : memref<2x64xi32, #tpu.memory_space<vmem>> -> memref<1x64xi32, #tpu.memory_space<vmem>>
    %dma_start3A_152 = tpu.memref_squeeze %dma_start3A_151 : memref<1x64xi32, #tpu.memory_space<vmem>> -> memref<64xi32, #tpu.memory_space<vmem>>
    %dma_start3A_153 = arith.constant 0 : i32
    %dma_start3A_154 = arith.constant 0 : i32
    %dma_start3A_155 = tpu.memref_slice %arg2[%dma_start3A_153, %dma_start3A_154] : memref<10000x128xf32, #tpu.memory_space<hbm>> -> memref<10000x128xf32, #tpu.memory_space<hbm>>
    tpu.enqueue_indirect_dma source(%dma_start3A_155 : memref<10000x128xf32, #tpu.memory_space<hbm>>) target(%arg12 : memref<64x128xf32, #tpu.memory_space<vmem>>) offsets(%dma_start3A_152 : memref<64xi32, #tpu.memory_space<vmem>>) semaphore(%arg17 : memref<!tpu.dma_semaphore, #tpu.memory_space<semaphore_mem>>)
    %dma_wait3A_156 = arith.constant 2 : i32
    %dma_wait3A_157 = arith.constant 0 : i32
    %dma_wait3A_158 = arith.constant 0 : i32
    %dma_wait3A_159 = arith.constant 0 : i32
    %dma_wait3A_160 = tpu.memref_slice %arg3[%add3A, %dma_wait3A_157, %dma_wait3A_158, %dma_wait3A_159] : memref<32x157x2x64xi32, #tpu.memory_space<hbm>> -> memref<1x157x2x64xi32, #tpu.memory_space<hbm>>
    %dma_wait3A_161 = tpu.memref_squeeze %dma_wait3A_160 : memref<1x157x2x64xi32, #tpu.memory_space<hbm>> -> memref<157x2x64xi32, #tpu.memory_space<hbm>>
    %dma_wait3A_162 = arith.constant 0 : i32
    %dma_wait3A_163 = arith.constant 0 : i32
    %dma_wait3A_164 = tpu.memref_slice %dma_wait3A_161[%dma_wait3A_156, %dma_wait3A_162, %dma_wait3A_163] : memref<157x2x64xi32, #tpu.memory_space<hbm>> -> memref<1x2x64xi32, #tpu.memory_space<hbm>>
    %dma_wait3A_165 = tpu.memref_squeeze %dma_wait3A_164 : memref<1x2x64xi32, #tpu.memory_space<hbm>> -> memref<2x64xi32, #tpu.memory_space<hbm>>
    %dma_wait3A_166 = arith.constant 0 : i32
    %dma_wait3A_167 = arith.constant 0 : i32
    %dma_wait3A_168 = arith.constant 0 : i32
    %dma_wait3A_169 = tpu.memref_slice %arg3[%add3A, %dma_wait3A_166, %dma_wait3A_167, %dma_wait3A_168] : memref<32x157x2x64xi32, #tpu.memory_space<hbm>> -> memref<1x157x2x64xi32, #tpu.memory_space<hbm>>
    %dma_wait3A_170 = tpu.memref_squeeze %dma_wait3A_169 : memref<1x157x2x64xi32, #tpu.memory_space<hbm>> -> memref<157x2x64xi32, #tpu.memory_space<hbm>>
    %dma_wait3A_171 = arith.constant 0 : i32
    %dma_wait3A_172 = arith.constant 0 : i32
    %dma_wait3A_173 = tpu.memref_slice %dma_wait3A_170[%dma_wait3A_156, %dma_wait3A_171, %dma_wait3A_172] : memref<157x2x64xi32, #tpu.memory_space<hbm>> -> memref<1x2x64xi32, #tpu.memory_space<hbm>>
    %dma_wait3A_174 = tpu.memref_squeeze %dma_wait3A_173 : memref<1x2x64xi32, #tpu.memory_space<hbm>> -> memref<2x64xi32, #tpu.memory_space<hbm>>
    tpu.wait_dma2 semaphore(%arg23 : memref<!tpu.dma_semaphore, #tpu.memory_space<semaphore_mem>>) src(%dma_wait3A_174 : memref<2x64xi32, #tpu.memory_space<hbm>>) dst(%arg8 : memref<2x64xi32, #tpu.memory_space<vmem>>)
    %dma_start3A_175 = arith.constant 0 : i32
    %dma_start3A_176 = arith.constant 0 : i32
    %dma_start3A_177 = tpu.memref_slice %arg8[%dma_start3A_175, %dma_start3A_176] : memref<2x64xi32, #tpu.memory_space<vmem>> -> memref<1x64xi32, #tpu.memory_space<vmem>>
    %dma_start3A_178 = tpu.memref_squeeze %dma_start3A_177 : memref<1x64xi32, #tpu.memory_space<vmem>> -> memref<64xi32, #tpu.memory_space<vmem>>
    %dma_start3A_179 = arith.constant 0 : i32
    %dma_start3A_180 = arith.constant 0 : i32
    %dma_start3A_181 = tpu.memref_slice %arg2[%dma_start3A_179, %dma_start3A_180] : memref<10000x128xf32, #tpu.memory_space<hbm>> -> memref<10000x128xf32, #tpu.memory_space<hbm>>
    tpu.enqueue_indirect_dma source(%dma_start3A_181 : memref<10000x128xf32, #tpu.memory_space<hbm>>) target(%arg13 : memref<64x128xf32, #tpu.memory_space<vmem>>) offsets(%dma_start3A_178 : memref<64xi32, #tpu.memory_space<vmem>>) semaphore(%arg18 : memref<!tpu.dma_semaphore, #tpu.memory_space<semaphore_mem>>)
    %dma_wait3A_182 = arith.constant 3 : i32
    %dma_wait3A_183 = arith.constant 0 : i32
    %dma_wait3A_184 = arith.constant 0 : i32
    %dma_wait3A_185 = arith.constant 0 : i32
    %dma_wait3A_186 = tpu.memref_slice %arg3[%add3A, %dma_wait3A_183, %dma_wait3A_184, %dma_wait3A_185] : memref<32x157x2x64xi32, #tpu.memory_space<hbm>> -> memref<1x157x2x64xi32, #tpu.memory_space<hbm>>
    %dma_wait3A_187 = tpu.memref_squeeze %dma_wait3A_186 : memref<1x157x2x64xi32, #tpu.memory_space<hbm>> -> memref<157x2x64xi32, #tpu.memory_space<hbm>>
    %dma_wait3A_188 = arith.constant 0 : i32
    %dma_wait3A_189 = arith.constant 0 : i32
    %dma_wait3A_190 = tpu.memref_slice %dma_wait3A_187[%dma_wait3A_182, %dma_wait3A_188, %dma_wait3A_189] : memref<157x2x64xi32, #tpu.memory_space<hbm>> -> memref<1x2x64xi32, #tpu.memory_space<hbm>>
    %dma_wait3A_191 = tpu.memref_squeeze %dma_wait3A_190 : memref<1x2x64xi32, #tpu.memory_space<hbm>> -> memref<2x64xi32, #tpu.memory_space<hbm>>
    %dma_wait3A_192 = arith.constant 0 : i32
    %dma_wait3A_193 = arith.constant 0 : i32
    %dma_wait3A_194 = arith.constant 0 : i32
    %dma_wait3A_195 = tpu.memref_slice %arg3[%add3A, %dma_wait3A_192, %dma_wait3A_193, %dma_wait3A_194] : memref<32x157x2x64xi32, #tpu.memory_space<hbm>> -> memref<1x157x2x64xi32, #tpu.memory_space<hbm>>
    %dma_wait3A_196 = tpu.memref_squeeze %dma_wait3A_195 : memref<1x157x2x64xi32, #tpu.memory_space<hbm>> -> memref<157x2x64xi32, #tpu.memory_space<hbm>>
    %dma_wait3A_197 = arith.constant 0 : i32
    %dma_wait3A_198 = arith.constant 0 : i32
    %dma_wait3A_199 = tpu.memref_slice %dma_wait3A_196[%dma_wait3A_182, %dma_wait3A_197, %dma_wait3A_198] : memref<157x2x64xi32, #tpu.memory_space<hbm>> -> memref<1x2x64xi32, #tpu.memory_space<hbm>>
    %dma_wait3A_200 = tpu.memref_squeeze %dma_wait3A_199 : memref<1x2x64xi32, #tpu.memory_space<hbm>> -> memref<2x64xi32, #tpu.memory_space<hbm>>
    tpu.wait_dma2 semaphore(%arg24 : memref<!tpu.dma_semaphore, #tpu.memory_space<semaphore_mem>>) src(%dma_wait3A_200 : memref<2x64xi32, #tpu.memory_space<hbm>>) dst(%arg9 : memref<2x64xi32, #tpu.memory_space<vmem>>)
    %dma_start3A_201 = arith.constant 0 : i32
    %dma_start3A_202 = arith.constant 0 : i32
    %dma_start3A_203 = tpu.memref_slice %arg9[%dma_start3A_201, %dma_start3A_202] : memref<2x64xi32, #tpu.memory_space<vmem>> -> memref<1x64xi32, #tpu.memory_space<vmem>>
    %dma_start3A_204 = tpu.memref_squeeze %dma_start3A_203 : memref<1x64xi32, #tpu.memory_space<vmem>> -> memref<64xi32, #tpu.memory_space<vmem>>
    %dma_start3A_205 = arith.constant 0 : i32
    %dma_start3A_206 = arith.constant 0 : i32
    %dma_start3A_207 = tpu.memref_slice %arg2[%dma_start3A_205, %dma_start3A_206] : memref<10000x128xf32, #tpu.memory_space<hbm>> -> memref<10000x128xf32, #tpu.memory_space<hbm>>
    tpu.enqueue_indirect_dma source(%dma_start3A_207 : memref<10000x128xf32, #tpu.memory_space<hbm>>) target(%arg14 : memref<64x128xf32, #tpu.memory_space<vmem>>) offsets(%dma_start3A_204 : memref<64xi32, #tpu.memory_space<vmem>>) semaphore(%arg19 : memref<!tpu.dma_semaphore, #tpu.memory_space<semaphore_mem>>)
    %scan3A_208 = arith.constant 0 : i32
    %scan3A_209 = arith.constant 32 : i32
    %scan3A_210 = arith.addi %scan3A_208, %scan3A_209 : i32
    %scan3A_211 = arith.constant 1 : i32
    scf.for %scan3A_219 = %scan3A_208 to %scan3A_210 step %scan3A_211  : i32 {
      %mul3A_220 = arith.constant 5 : i32
      %mul3A_221 = arith.muli %scan3A_219, %mul3A_220 : i32
      %add3A_222 = arith.constant 0 : i32
      %add3A_223 = arith.addi %add3A_222, %mul3A_221 : i32
      %add3A_224 = arith.constant 0 : i32
      %add3A_225 = arith.addi %add3A_223, %add3A_224 : i32
      %lt3A = arith.constant 157 : i32
      %lt3A_226 = arith.cmpi slt, %add3A_225, %lt3A : i32
      %convert_element_type3A = arith.extui %lt3A_226 : i1 to i32
      %cond3A = arith.constant 0 : i32
      %cond3A_227 = arith.cmpi ne, %convert_element_type3A, %cond3A : i32
      scf.if %cond3A_227 {
        %add3A_256 = arith.constant 4 : i32
        %add3A_257 = arith.addi %add3A_225, %add3A_256 : i32
        %lt3A_258 = arith.constant 157 : i32
        %lt3A_259 = arith.cmpi slt, %add3A_257, %lt3A_258 : i32
        %convert_element_type3A_260 = arith.extui %lt3A_259 : i1 to i32
        %cond3A_261 = arith.constant 0 : i32
        %cond3A_262 = arith.cmpi ne, %convert_element_type3A_260, %cond3A_261 : i32
        scf.if %cond3A_262 {
          %add3A_277 = arith.constant 4 : i32
          %add3A_278 = arith.addi %add3A_225, %add3A_277 : i32
          %dma_wait3A_279 = arith.constant 0 : i32
          %dma_wait3A_280 = arith.constant 0 : i32
          %dma_wait3A_281 = arith.constant 0 : i32
          %dma_wait3A_282 = tpu.memref_slice %arg3[%add3A, %dma_wait3A_279, %dma_wait3A_280, %dma_wait3A_281] : memref<32x157x2x64xi32, #tpu.memory_space<hbm>> -> memref<1x157x2x64xi32, #tpu.memory_space<hbm>>
          %dma_wait3A_283 = tpu.memref_squeeze %dma_wait3A_282 : memref<1x157x2x64xi32, #tpu.memory_space<hbm>> -> memref<157x2x64xi32, #tpu.memory_space<hbm>>
          %dma_wait3A_284 = arith.constant 0 : i32
          %dma_wait3A_285 = arith.constant 0 : i32
          %dma_wait3A_286 = tpu.memref_slice %dma_wait3A_283[%add3A_278, %dma_wait3A_284, %dma_wait3A_285] : memref<157x2x64xi32, #tpu.memory_space<hbm>> -> memref<1x2x64xi32, #tpu.memory_space<hbm>>
          %dma_wait3A_287 = tpu.memref_squeeze %dma_wait3A_286 : memref<1x2x64xi32, #tpu.memory_space<hbm>> -> memref<2x64xi32, #tpu.memory_space<hbm>>
          %dma_wait3A_288 = arith.constant 0 : i32
          %dma_wait3A_289 = arith.constant 0 : i32
          %dma_wait3A_290 = arith.constant 0 : i32
          %dma_wait3A_291 = tpu.memref_slice %arg3[%add3A, %dma_wait3A_288, %dma_wait3A_289, %dma_wait3A_290] : memref<32x157x2x64xi32, #tpu.memory_space<hbm>> -> memref<1x157x2x64xi32, #tpu.memory_space<hbm>>
          %dma_wait3A_292 = tpu.memref_squeeze %dma_wait3A_291 : memref<1x157x2x64xi32, #tpu.memory_space<hbm>> -> memref<157x2x64xi32, #tpu.memory_space<hbm>>
          %dma_wait3A_293 = arith.constant 0 : i32
          %dma_wait3A_294 = arith.constant 0 : i32
          %dma_wait3A_295 = tpu.memref_slice %dma_wait3A_292[%add3A_278, %dma_wait3A_293, %dma_wait3A_294] : memref<157x2x64xi32, #tpu.memory_space<hbm>> -> memref<1x2x64xi32, #tpu.memory_space<hbm>>
          %dma_wait3A_296 = tpu.memref_squeeze %dma_wait3A_295 : memref<1x2x64xi32, #tpu.memory_space<hbm>> -> memref<2x64xi32, #tpu.memory_space<hbm>>
          tpu.wait_dma2 semaphore(%arg25 : memref<!tpu.dma_semaphore, #tpu.memory_space<semaphore_mem>>) src(%dma_wait3A_296 : memref<2x64xi32, #tpu.memory_space<hbm>>) dst(%arg10 : memref<2x64xi32, #tpu.memory_space<vmem>>)
          %dma_start3A_297 = arith.constant 0 : i32
          %dma_start3A_298 = arith.constant 0 : i32
          %dma_start3A_299 = tpu.memref_slice %arg10[%dma_start3A_297, %dma_start3A_298] : memref<2x64xi32, #tpu.memory_space<vmem>> -> memref<1x64xi32, #tpu.memory_space<vmem>>
          %dma_start3A_300 = tpu.memref_squeeze %dma_start3A_299 : memref<1x64xi32, #tpu.memory_space<vmem>> -> memref<64xi32, #tpu.memory_space<vmem>>
          %dma_start3A_301 = arith.constant 0 : i32
          %dma_start3A_302 = arith.constant 0 : i32
          %dma_start3A_303 = tpu.memref_slice %arg2[%dma_start3A_301, %dma_start3A_302] : memref<10000x128xf32, #tpu.memory_space<hbm>> -> memref<10000x128xf32, #tpu.memory_space<hbm>>
          tpu.enqueue_indirect_dma source(%dma_start3A_303 : memref<10000x128xf32, #tpu.memory_space<hbm>>) target(%arg15 : memref<64x128xf32, #tpu.memory_space<vmem>>) offsets(%dma_start3A_300 : memref<64xi32, #tpu.memory_space<vmem>>) semaphore(%arg20 : memref<!tpu.dma_semaphore, #tpu.memory_space<semaphore_mem>>)
        } else {
        }
        %dma_wait3A_263 = arith.constant 0 : i32
        %dma_wait3A_264 = arith.constant 0 : i32
        %dma_wait3A_265 = tpu.memref_slice %arg6[%dma_wait3A_263, %dma_wait3A_264] : memref<2x64xi32, #tpu.memory_space<vmem>> -> memref<1x64xi32, #tpu.memory_space<vmem>>
        %dma_wait3A_266 = tpu.memref_squeeze %dma_wait3A_265 : memref<1x64xi32, #tpu.memory_space<vmem>> -> memref<64xi32, #tpu.memory_space<vmem>>
        %dma_wait3A_267 = arith.constant 0 : i32
        %dma_wait3A_268 = arith.constant 0 : i32
        %dma_wait3A_269 = tpu.memref_slice %arg2[%dma_wait3A_267, %dma_wait3A_268] : memref<10000x128xf32, #tpu.memory_space<hbm>> -> memref<10000x128xf32, #tpu.memory_space<hbm>>
        tpu.wait_indirect_dma semaphore(%arg16 : memref<!tpu.dma_semaphore, #tpu.memory_space<semaphore_mem>>) src(%dma_wait3A_269 : memref<10000x128xf32, #tpu.memory_space<hbm>>) dst(%arg11 : memref<64x128xf32, #tpu.memory_space<vmem>>)
        %run_scoped3A = arith.constant 1 : i32
        "tpu.region"() ({
          %run_scoped3A_277 = tpu.sem_alloc : memref<!tpu.dma_semaphore, #tpu.memory_space<semaphore_mem>>
          %dma_start3A_278 = arith.constant 0 : i32
          %dma_start3A_279 = tpu.memref_slice %arg6[%run_scoped3A, %dma_start3A_278] : memref<2x64xi32, #tpu.memory_space<vmem>> -> memref<1x64xi32, #tpu.memory_space<vmem>>
          %dma_start3A_280 = tpu.memref_squeeze %dma_start3A_279 : memref<1x64xi32, #tpu.memory_space<vmem>> -> memref<64xi32, #tpu.memory_space<vmem>>
          %dma_start3A_281 = arith.constant 0 : i32
          %dma_start3A_282 = arith.constant 0 : i32
          %dma_start3A_283 = tpu.memref_slice %arg5[%dma_start3A_281, %dma_start3A_282] : memref<10240x128xf32, #tpu.memory_space<vmem_shared>> -> memref<10240x128xf32, #tpu.memory_space<vmem_shared>>
          tpu.enqueue_indirect_dma source(%arg11 : memref<64x128xf32, #tpu.memory_space<vmem>>) target(%dma_start3A_283 : memref<10240x128xf32, #tpu.memory_space<vmem_shared>>) offsets(%dma_start3A_280 : memref<64xi32, #tpu.memory_space<vmem>>) semaphore(%run_scoped3A_277 : memref<!tpu.dma_semaphore, #tpu.memory_space<semaphore_mem>>) {add = true}
          %dma_wait3A_284 = arith.constant 0 : i32
          %dma_wait3A_285 = tpu.memref_slice %arg6[%run_scoped3A, %dma_wait3A_284] : memref<2x64xi32, #tpu.memory_space<vmem>> -> memref<1x64xi32, #tpu.memory_space<vmem>>
          %dma_wait3A_286 = tpu.memref_squeeze %dma_wait3A_285 : memref<1x64xi32, #tpu.memory_space<vmem>> -> memref<64xi32, #tpu.memory_space<vmem>>
          %dma_wait3A_287 = arith.constant 0 : i32
          %dma_wait3A_288 = arith.constant 0 : i32
          %dma_wait3A_289 = tpu.memref_slice %arg5[%dma_wait3A_287, %dma_wait3A_288] : memref<10240x128xf32, #tpu.memory_space<vmem_shared>> -> memref<10240x128xf32, #tpu.memory_space<vmem_shared>>
          tpu.wait_indirect_dma semaphore(%run_scoped3A_277 : memref<!tpu.dma_semaphore, #tpu.memory_space<semaphore_mem>>) src(%arg11 : memref<64x128xf32, #tpu.memory_space<vmem>>) dst(%dma_wait3A_289 : memref<10240x128xf32, #tpu.memory_space<vmem_shared>>)
          tpu.yield
        }) : () -> ()
        %add3A_270 = arith.constant 5 : i32
        %add3A_271 = arith.addi %add3A_225, %add3A_270 : i32
        %lt3A_272 = arith.constant 157 : i32
        %lt3A_273 = arith.cmpi slt, %add3A_271, %lt3A_272 : i32
        %convert_element_type3A_274 = arith.extui %lt3A_273 : i1 to i32
        %cond3A_275 = arith.constant 0 : i32
        %cond3A_276 = arith.cmpi ne, %convert_element_type3A_274, %cond3A_275 : i32
        scf.if %cond3A_276 {
          %add3A_277 = arith.constant 5 : i32
          %add3A_278 = arith.addi %add3A_225, %add3A_277 : i32
          %dma_start3A_279 = arith.constant 0 : i32
          %dma_start3A_280 = arith.constant 0 : i32
          %dma_start3A_281 = arith.constant 0 : i32
          %dma_start3A_282 = tpu.memref_slice %arg3[%add3A, %dma_start3A_279, %dma_start3A_280, %dma_start3A_281] : memref<32x157x2x64xi32, #tpu.memory_space<hbm>> -> memref<1x157x2x64xi32, #tpu.memory_space<hbm>>
          %dma_start3A_283 = tpu.memref_squeeze %dma_start3A_282 : memref<1x157x2x64xi32, #tpu.memory_space<hbm>> -> memref<157x2x64xi32, #tpu.memory_space<hbm>>
          %dma_start3A_284 = arith.constant 0 : i32
          %dma_start3A_285 = arith.constant 0 : i32
          %dma_start3A_286 = tpu.memref_slice %dma_start3A_283[%add3A_278, %dma_start3A_284, %dma_start3A_285] : memref<157x2x64xi32, #tpu.memory_space<hbm>> -> memref<1x2x64xi32, #tpu.memory_space<hbm>>
          %dma_start3A_287 = tpu.memref_squeeze %dma_start3A_286 : memref<1x2x64xi32, #tpu.memory_space<hbm>> -> memref<2x64xi32, #tpu.memory_space<hbm>>
          %dma_start3A_288 = arith.constant 0 : i32
          %dma_start3A_289 = arith.constant 0 : i32
          %dma_start3A_290 = arith.constant 0 : i32
          %dma_start3A_291 = tpu.memref_slice %arg3[%add3A, %dma_start3A_288, %dma_start3A_289, %dma_start3A_290] : memref<32x157x2x64xi32, #tpu.memory_space<hbm>> -> memref<1x157x2x64xi32, #tpu.memory_space<hbm>>
          %dma_start3A_292 = tpu.memref_squeeze %dma_start3A_291 : memref<1x157x2x64xi32, #tpu.memory_space<hbm>> -> memref<157x2x64xi32, #tpu.memory_space<hbm>>
          %dma_start3A_293 = arith.constant 0 : i32
          %dma_start3A_294 = arith.constant 0 : i32
          %dma_start3A_295 = tpu.memref_slice %dma_start3A_292[%add3A_278, %dma_start3A_293, %dma_start3A_294] : memref<157x2x64xi32, #tpu.memory_space<hbm>> -> memref<1x2x64xi32, #tpu.memory_space<hbm>>
          %dma_start3A_296 = tpu.memref_squeeze %dma_start3A_295 : memref<1x2x64xi32, #tpu.memory_space<hbm>> -> memref<2x64xi32, #tpu.memory_space<hbm>>
          tpu.enqueue_dma source(%dma_start3A_296 : memref<2x64xi32, #tpu.memory_space<hbm>>) target(%arg6 : memref<2x64xi32, #tpu.memory_space<vmem>>) target_semaphore(%arg21 : memref<!tpu.dma_semaphore, #tpu.memory_space<semaphore_mem>>)
        } else {
        }
      } else {
      }
      %add3A_228 = arith.constant 1 : i32
      %add3A_229 = arith.addi %add3A_223, %add3A_228 : i32
      %lt3A_230 = arith.constant 157 : i32
      %lt3A_231 = arith.cmpi slt, %add3A_229, %lt3A_230 : i32
      %convert_element_type3A_232 = arith.extui %lt3A_231 : i1 to i32
      %cond3A_233 = arith.constant 0 : i32
      %cond3A_234 = arith.cmpi ne, %convert_element_type3A_232, %cond3A_233 : i32
      scf.if %cond3A_234 {
        %add3A_256 = arith.constant 4 : i32
        %add3A_257 = arith.addi %add3A_229, %add3A_256 : i32
        %lt3A_258 = arith.constant 157 : i32
        %lt3A_259 = arith.cmpi slt, %add3A_257, %lt3A_258 : i32
        %convert_element_type3A_260 = arith.extui %lt3A_259 : i1 to i32
        %cond3A_261 = arith.constant 0 : i32
        %cond3A_262 = arith.cmpi ne, %convert_element_type3A_260, %cond3A_261 : i32
        scf.if %cond3A_262 {
          %add3A_277 = arith.constant 4 : i32
          %add3A_278 = arith.addi %add3A_229, %add3A_277 : i32
          %dma_wait3A_279 = arith.constant 0 : i32
          %dma_wait3A_280 = arith.constant 0 : i32
          %dma_wait3A_281 = arith.constant 0 : i32
          %dma_wait3A_282 = tpu.memref_slice %arg3[%add3A, %dma_wait3A_279, %dma_wait3A_280, %dma_wait3A_281] : memref<32x157x2x64xi32, #tpu.memory_space<hbm>> -> memref<1x157x2x64xi32, #tpu.memory_space<hbm>>
          %dma_wait3A_283 = tpu.memref_squeeze %dma_wait3A_282 : memref<1x157x2x64xi32, #tpu.memory_space<hbm>> -> memref<157x2x64xi32, #tpu.memory_space<hbm>>
          %dma_wait3A_284 = arith.constant 0 : i32
          %dma_wait3A_285 = arith.constant 0 : i32
          %dma_wait3A_286 = tpu.memref_slice %dma_wait3A_283[%add3A_278, %dma_wait3A_284, %dma_wait3A_285] : memref<157x2x64xi32, #tpu.memory_space<hbm>> -> memref<1x2x64xi32, #tpu.memory_space<hbm>>
          %dma_wait3A_287 = tpu.memref_squeeze %dma_wait3A_286 : memref<1x2x64xi32, #tpu.memory_space<hbm>> -> memref<2x64xi32, #tpu.memory_space<hbm>>
          %dma_wait3A_288 = arith.constant 0 : i32
          %dma_wait3A_289 = arith.constant 0 : i32
          %dma_wait3A_290 = arith.constant 0 : i32
          %dma_wait3A_291 = tpu.memref_slice %arg3[%add3A, %dma_wait3A_288, %dma_wait3A_289, %dma_wait3A_290] : memref<32x157x2x64xi32, #tpu.memory_space<hbm>> -> memref<1x157x2x64xi32, #tpu.memory_space<hbm>>
          %dma_wait3A_292 = tpu.memref_squeeze %dma_wait3A_291 : memref<1x157x2x64xi32, #tpu.memory_space<hbm>> -> memref<157x2x64xi32, #tpu.memory_space<hbm>>
          %dma_wait3A_293 = arith.constant 0 : i32
          %dma_wait3A_294 = arith.constant 0 : i32
          %dma_wait3A_295 = tpu.memref_slice %dma_wait3A_292[%add3A_278, %dma_wait3A_293, %dma_wait3A_294] : memref<157x2x64xi32, #tpu.memory_space<hbm>> -> memref<1x2x64xi32, #tpu.memory_space<hbm>>
          %dma_wait3A_296 = tpu.memref_squeeze %dma_wait3A_295 : memref<1x2x64xi32, #tpu.memory_space<hbm>> -> memref<2x64xi32, #tpu.memory_space<hbm>>
          tpu.wait_dma2 semaphore(%arg21 : memref<!tpu.dma_semaphore, #tpu.memory_space<semaphore_mem>>) src(%dma_wait3A_296 : memref<2x64xi32, #tpu.memory_space<hbm>>) dst(%arg6 : memref<2x64xi32, #tpu.memory_space<vmem>>)
          %dma_start3A_297 = arith.constant 0 : i32
          %dma_start3A_298 = arith.constant 0 : i32
          %dma_start3A_299 = tpu.memref_slice %arg6[%dma_start3A_297, %dma_start3A_298] : memref<2x64xi32, #tpu.memory_space<vmem>> -> memref<1x64xi32, #tpu.memory_space<vmem>>
          %dma_start3A_300 = tpu.memref_squeeze %dma_start3A_299 : memref<1x64xi32, #tpu.memory_space<vmem>> -> memref<64xi32, #tpu.memory_space<vmem>>
          %dma_start3A_301 = arith.constant 0 : i32
          %dma_start3A_302 = arith.constant 0 : i32
          %dma_start3A_303 = tpu.memref_slice %arg2[%dma_start3A_301, %dma_start3A_302] : memref<10000x128xf32, #tpu.memory_space<hbm>> -> memref<10000x128xf32, #tpu.memory_space<hbm>>
          tpu.enqueue_indirect_dma source(%dma_start3A_303 : memref<10000x128xf32, #tpu.memory_space<hbm>>) target(%arg11 : memref<64x128xf32, #tpu.memory_space<vmem>>) offsets(%dma_start3A_300 : memref<64xi32, #tpu.memory_space<vmem>>) semaphore(%arg16 : memref<!tpu.dma_semaphore, #tpu.memory_space<semaphore_mem>>)
        } else {
        }
        %dma_wait3A_263 = arith.constant 0 : i32
        %dma_wait3A_264 = arith.constant 0 : i32
        %dma_wait3A_265 = tpu.memref_slice %arg7[%dma_wait3A_263, %dma_wait3A_264] : memref<2x64xi32, #tpu.memory_space<vmem>> -> memref<1x64xi32, #tpu.memory_space<vmem>>
        %dma_wait3A_266 = tpu.memref_squeeze %dma_wait3A_265 : memref<1x64xi32, #tpu.memory_space<vmem>> -> memref<64xi32, #tpu.memory_space<vmem>>
        %dma_wait3A_267 = arith.constant 0 : i32
        %dma_wait3A_268 = arith.constant 0 : i32
        %dma_wait3A_269 = tpu.memref_slice %arg2[%dma_wait3A_267, %dma_wait3A_268] : memref<10000x128xf32, #tpu.memory_space<hbm>> -> memref<10000x128xf32, #tpu.memory_space<hbm>>
        tpu.wait_indirect_dma semaphore(%arg17 : memref<!tpu.dma_semaphore, #tpu.memory_space<semaphore_mem>>) src(%dma_wait3A_269 : memref<10000x128xf32, #tpu.memory_space<hbm>>) dst(%arg12 : memref<64x128xf32, #tpu.memory_space<vmem>>)
        %run_scoped3A = arith.constant 1 : i32
        "tpu.region"() ({
          %run_scoped3A_277 = tpu.sem_alloc : memref<!tpu.dma_semaphore, #tpu.memory_space<semaphore_mem>>
          %dma_start3A_278 = arith.constant 0 : i32
          %dma_start3A_279 = tpu.memref_slice %arg7[%run_scoped3A, %dma_start3A_278] : memref<2x64xi32, #tpu.memory_space<vmem>> -> memref<1x64xi32, #tpu.memory_space<vmem>>
          %dma_start3A_280 = tpu.memref_squeeze %dma_start3A_279 : memref<1x64xi32, #tpu.memory_space<vmem>> -> memref<64xi32, #tpu.memory_space<vmem>>
          %dma_start3A_281 = arith.constant 0 : i32
          %dma_start3A_282 = arith.constant 0 : i32
          %dma_start3A_283 = tpu.memref_slice %arg5[%dma_start3A_281, %dma_start3A_282] : memref<10240x128xf32, #tpu.memory_space<vmem_shared>> -> memref<10240x128xf32, #tpu.memory_space<vmem_shared>>
          tpu.enqueue_indirect_dma source(%arg12 : memref<64x128xf32, #tpu.memory_space<vmem>>) target(%dma_start3A_283 : memref<10240x128xf32, #tpu.memory_space<vmem_shared>>) offsets(%dma_start3A_280 : memref<64xi32, #tpu.memory_space<vmem>>) semaphore(%run_scoped3A_277 : memref<!tpu.dma_semaphore, #tpu.memory_space<semaphore_mem>>) {add = true}
          %dma_wait3A_284 = arith.constant 0 : i32
          %dma_wait3A_285 = tpu.memref_slice %arg7[%run_scoped3A, %dma_wait3A_284] : memref<2x64xi32, #tpu.memory_space<vmem>> -> memref<1x64xi32, #tpu.memory_space<vmem>>
          %dma_wait3A_286 = tpu.memref_squeeze %dma_wait3A_285 : memref<1x64xi32, #tpu.memory_space<vmem>> -> memref<64xi32, #tpu.memory_space<vmem>>
          %dma_wait3A_287 = arith.constant 0 : i32
          %dma_wait3A_288 = arith.constant 0 : i32
          %dma_wait3A_289 = tpu.memref_slice %arg5[%dma_wait3A_287, %dma_wait3A_288] : memref<10240x128xf32, #tpu.memory_space<vmem_shared>> -> memref<10240x128xf32, #tpu.memory_space<vmem_shared>>
          tpu.wait_indirect_dma semaphore(%run_scoped3A_277 : memref<!tpu.dma_semaphore, #tpu.memory_space<semaphore_mem>>) src(%arg12 : memref<64x128xf32, #tpu.memory_space<vmem>>) dst(%dma_wait3A_289 : memref<10240x128xf32, #tpu.memory_space<vmem_shared>>)
          tpu.yield
        }) : () -> ()
        %add3A_270 = arith.constant 5 : i32
        %add3A_271 = arith.addi %add3A_229, %add3A_270 : i32
        %lt3A_272 = arith.constant 157 : i32
        %lt3A_273 = arith.cmpi slt, %add3A_271, %lt3A_272 : i32
        %convert_element_type3A_274 = arith.extui %lt3A_273 : i1 to i32
        %cond3A_275 = arith.constant 0 : i32
        %cond3A_276 = arith.cmpi ne, %convert_element_type3A_274, %cond3A_275 : i32
        scf.if %cond3A_276 {
          %add3A_277 = arith.constant 5 : i32
          %add3A_278 = arith.addi %add3A_229, %add3A_277 : i32
          %dma_start3A_279 = arith.constant 0 : i32
          %dma_start3A_280 = arith.constant 0 : i32
          %dma_start3A_281 = arith.constant 0 : i32
          %dma_start3A_282 = tpu.memref_slice %arg3[%add3A, %dma_start3A_279, %dma_start3A_280, %dma_start3A_281] : memref<32x157x2x64xi32, #tpu.memory_space<hbm>> -> memref<1x157x2x64xi32, #tpu.memory_space<hbm>>
          %dma_start3A_283 = tpu.memref_squeeze %dma_start3A_282 : memref<1x157x2x64xi32, #tpu.memory_space<hbm>> -> memref<157x2x64xi32, #tpu.memory_space<hbm>>
          %dma_start3A_284 = arith.constant 0 : i32
          %dma_start3A_285 = arith.constant 0 : i32
          %dma_start3A_286 = tpu.memref_slice %dma_start3A_283[%add3A_278, %dma_start3A_284, %dma_start3A_285] : memref<157x2x64xi32, #tpu.memory_space<hbm>> -> memref<1x2x64xi32, #tpu.memory_space<hbm>>
          %dma_start3A_287 = tpu.memref_squeeze %dma_start3A_286 : memref<1x2x64xi32, #tpu.memory_space<hbm>> -> memref<2x64xi32, #tpu.memory_space<hbm>>
          %dma_start3A_288 = arith.constant 0 : i32
          %dma_start3A_289 = arith.constant 0 : i32
          %dma_start3A_290 = arith.constant 0 : i32
          %dma_start3A_291 = tpu.memref_slice %arg3[%add3A, %dma_start3A_288, %dma_start3A_289, %dma_start3A_290] : memref<32x157x2x64xi32, #tpu.memory_space<hbm>> -> memref<1x157x2x64xi32, #tpu.memory_space<hbm>>
          %dma_start3A_292 = tpu.memref_squeeze %dma_start3A_291 : memref<1x157x2x64xi32, #tpu.memory_space<hbm>> -> memref<157x2x64xi32, #tpu.memory_space<hbm>>
          %dma_start3A_293 = arith.constant 0 : i32
          %dma_start3A_294 = arith.constant 0 : i32
          %dma_start3A_295 = tpu.memref_slice %dma_start3A_292[%add3A_278, %dma_start3A_293, %dma_start3A_294] : memref<157x2x64xi32, #tpu.memory_space<hbm>> -> memref<1x2x64xi32, #tpu.memory_space<hbm>>
          %dma_start3A_296 = tpu.memref_squeeze %dma_start3A_295 : memref<1x2x64xi32, #tpu.memory_space<hbm>> -> memref<2x64xi32, #tpu.memory_space<hbm>>
          tpu.enqueue_dma source(%dma_start3A_296 : memref<2x64xi32, #tpu.memory_space<hbm>>) target(%arg7 : memref<2x64xi32, #tpu.memory_space<vmem>>) target_semaphore(%arg22 : memref<!tpu.dma_semaphore, #tpu.memory_space<semaphore_mem>>)
        } else {
        }
      } else {
      }
      %add3A_235 = arith.constant 2 : i32
      %add3A_236 = arith.addi %add3A_223, %add3A_235 : i32
      %lt3A_237 = arith.constant 157 : i32
      %lt3A_238 = arith.cmpi slt, %add3A_236, %lt3A_237 : i32
      %convert_element_type3A_239 = arith.extui %lt3A_238 : i1 to i32
      %cond3A_240 = arith.constant 0 : i32
      %cond3A_241 = arith.cmpi ne, %convert_element_type3A_239, %cond3A_240 : i32
      scf.if %cond3A_241 {
        %add3A_256 = arith.constant 4 : i32
        %add3A_257 = arith.addi %add3A_236, %add3A_256 : i32
        %lt3A_258 = arith.constant 157 : i32
        %lt3A_259 = arith.cmpi slt, %add3A_257, %lt3A_258 : i32
        %convert_element_type3A_260 = arith.extui %lt3A_259 : i1 to i32
        %cond3A_261 = arith.constant 0 : i32
        %cond3A_262 = arith.cmpi ne, %convert_element_type3A_260, %cond3A_261 : i32
        scf.if %cond3A_262 {
          %add3A_277 = arith.constant 4 : i32
          %add3A_278 = arith.addi %add3A_236, %add3A_277 : i32
          %dma_wait3A_279 = arith.constant 0 : i32
          %dma_wait3A_280 = arith.constant 0 : i32
          %dma_wait3A_281 = arith.constant 0 : i32
          %dma_wait3A_282 = tpu.memref_slice %arg3[%add3A, %dma_wait3A_279, %dma_wait3A_280, %dma_wait3A_281] : memref<32x157x2x64xi32, #tpu.memory_space<hbm>> -> memref<1x157x2x64xi32, #tpu.memory_space<hbm>>
          %dma_wait3A_283 = tpu.memref_squeeze %dma_wait3A_282 : memref<1x157x2x64xi32, #tpu.memory_space<hbm>> -> memref<157x2x64xi32, #tpu.memory_space<hbm>>
          %dma_wait3A_284 = arith.constant 0 : i32
          %dma_wait3A_285 = arith.constant 0 : i32
          %dma_wait3A_286 = tpu.memref_slice %dma_wait3A_283[%add3A_278, %dma_wait3A_284, %dma_wait3A_285] : memref<157x2x64xi32, #tpu.memory_space<hbm>> -> memref<1x2x64xi32, #tpu.memory_space<hbm>>
          %dma_wait3A_287 = tpu.memref_squeeze %dma_wait3A_286 : memref<1x2x64xi32, #tpu.memory_space<hbm>> -> memref<2x64xi32, #tpu.memory_space<hbm>>
          %dma_wait3A_288 = arith.constant 0 : i32
          %dma_wait3A_289 = arith.constant 0 : i32
          %dma_wait3A_290 = arith.constant 0 : i32
          %dma_wait3A_291 = tpu.memref_slice %arg3[%add3A, %dma_wait3A_288, %dma_wait3A_289, %dma_wait3A_290] : memref<32x157x2x64xi32, #tpu.memory_space<hbm>> -> memref<1x157x2x64xi32, #tpu.memory_space<hbm>>
          %dma_wait3A_292 = tpu.memref_squeeze %dma_wait3A_291 : memref<1x157x2x64xi32, #tpu.memory_space<hbm>> -> memref<157x2x64xi32, #tpu.memory_space<hbm>>
          %dma_wait3A_293 = arith.constant 0 : i32
          %dma_wait3A_294 = arith.constant 0 : i32
          %dma_wait3A_295 = tpu.memref_slice %dma_wait3A_292[%add3A_278, %dma_wait3A_293, %dma_wait3A_294] : memref<157x2x64xi32, #tpu.memory_space<hbm>> -> memref<1x2x64xi32, #tpu.memory_space<hbm>>
          %dma_wait3A_296 = tpu.memref_squeeze %dma_wait3A_295 : memref<1x2x64xi32, #tpu.memory_space<hbm>> -> memref<2x64xi32, #tpu.memory_space<hbm>>
          tpu.wait_dma2 semaphore(%arg22 : memref<!tpu.dma_semaphore, #tpu.memory_space<semaphore_mem>>) src(%dma_wait3A_296 : memref<2x64xi32, #tpu.memory_space<hbm>>) dst(%arg7 : memref<2x64xi32, #tpu.memory_space<vmem>>)
          %dma_start3A_297 = arith.constant 0 : i32
          %dma_start3A_298 = arith.constant 0 : i32
          %dma_start3A_299 = tpu.memref_slice %arg7[%dma_start3A_297, %dma_start3A_298] : memref<2x64xi32, #tpu.memory_space<vmem>> -> memref<1x64xi32, #tpu.memory_space<vmem>>
          %dma_start3A_300 = tpu.memref_squeeze %dma_start3A_299 : memref<1x64xi32, #tpu.memory_space<vmem>> -> memref<64xi32, #tpu.memory_space<vmem>>
          %dma_start3A_301 = arith.constant 0 : i32
          %dma_start3A_302 = arith.constant 0 : i32
          %dma_start3A_303 = tpu.memref_slice %arg2[%dma_start3A_301, %dma_start3A_302] : memref<10000x128xf32, #tpu.memory_space<hbm>> -> memref<10000x128xf32, #tpu.memory_space<hbm>>
          tpu.enqueue_indirect_dma source(%dma_start3A_303 : memref<10000x128xf32, #tpu.memory_space<hbm>>) target(%arg12 : memref<64x128xf32, #tpu.memory_space<vmem>>) offsets(%dma_start3A_300 : memref<64xi32, #tpu.memory_space<vmem>>) semaphore(%arg17 : memref<!tpu.dma_semaphore, #tpu.memory_space<semaphore_mem>>)
        } else {
        }
        %dma_wait3A_263 = arith.constant 0 : i32
        %dma_wait3A_264 = arith.constant 0 : i32
        %dma_wait3A_265 = tpu.memref_slice %arg8[%dma_wait3A_263, %dma_wait3A_264] : memref<2x64xi32, #tpu.memory_space<vmem>> -> memref<1x64xi32, #tpu.memory_space<vmem>>
        %dma_wait3A_266 = tpu.memref_squeeze %dma_wait3A_265 : memref<1x64xi32, #tpu.memory_space<vmem>> -> memref<64xi32, #tpu.memory_space<vmem>>
        %dma_wait3A_267 = arith.constant 0 : i32
        %dma_wait3A_268 = arith.constant 0 : i32
        %dma_wait3A_269 = tpu.memref_slice %arg2[%dma_wait3A_267, %dma_wait3A_268] : memref<10000x128xf32, #tpu.memory_space<hbm>> -> memref<10000x128xf32, #tpu.memory_space<hbm>>
        tpu.wait_indirect_dma semaphore(%arg18 : memref<!tpu.dma_semaphore, #tpu.memory_space<semaphore_mem>>) src(%dma_wait3A_269 : memref<10000x128xf32, #tpu.memory_space<hbm>>) dst(%arg13 : memref<64x128xf32, #tpu.memory_space<vmem>>)
        %run_scoped3A = arith.constant 1 : i32
        "tpu.region"() ({
          %run_scoped3A_277 = tpu.sem_alloc : memref<!tpu.dma_semaphore, #tpu.memory_space<semaphore_mem>>
          %dma_start3A_278 = arith.constant 0 : i32
          %dma_start3A_279 = tpu.memref_slice %arg8[%run_scoped3A, %dma_start3A_278] : memref<2x64xi32, #tpu.memory_space<vmem>> -> memref<1x64xi32, #tpu.memory_space<vmem>>
          %dma_start3A_280 = tpu.memref_squeeze %dma_start3A_279 : memref<1x64xi32, #tpu.memory_space<vmem>> -> memref<64xi32, #tpu.memory_space<vmem>>
          %dma_start3A_281 = arith.constant 0 : i32
          %dma_start3A_282 = arith.constant 0 : i32
          %dma_start3A_283 = tpu.memref_slice %arg5[%dma_start3A_281, %dma_start3A_282] : memref<10240x128xf32, #tpu.memory_space<vmem_shared>> -> memref<10240x128xf32, #tpu.memory_space<vmem_shared>>
          tpu.enqueue_indirect_dma source(%arg13 : memref<64x128xf32, #tpu.memory_space<vmem>>) target(%dma_start3A_283 : memref<10240x128xf32, #tpu.memory_space<vmem_shared>>) offsets(%dma_start3A_280 : memref<64xi32, #tpu.memory_space<vmem>>) semaphore(%run_scoped3A_277 : memref<!tpu.dma_semaphore, #tpu.memory_space<semaphore_mem>>) {add = true}
          %dma_wait3A_284 = arith.constant 0 : i32
          %dma_wait3A_285 = tpu.memref_slice %arg8[%run_scoped3A, %dma_wait3A_284] : memref<2x64xi32, #tpu.memory_space<vmem>> -> memref<1x64xi32, #tpu.memory_space<vmem>>
          %dma_wait3A_286 = tpu.memref_squeeze %dma_wait3A_285 : memref<1x64xi32, #tpu.memory_space<vmem>> -> memref<64xi32, #tpu.memory_space<vmem>>
          %dma_wait3A_287 = arith.constant 0 : i32
          %dma_wait3A_288 = arith.constant 0 : i32
          %dma_wait3A_289 = tpu.memref_slice %arg5[%dma_wait3A_287, %dma_wait3A_288] : memref<10240x128xf32, #tpu.memory_space<vmem_shared>> -> memref<10240x128xf32, #tpu.memory_space<vmem_shared>>
          tpu.wait_indirect_dma semaphore(%run_scoped3A_277 : memref<!tpu.dma_semaphore, #tpu.memory_space<semaphore_mem>>) src(%arg13 : memref<64x128xf32, #tpu.memory_space<vmem>>) dst(%dma_wait3A_289 : memref<10240x128xf32, #tpu.memory_space<vmem_shared>>)
          tpu.yield
        }) : () -> ()
        %add3A_270 = arith.constant 5 : i32
        %add3A_271 = arith.addi %add3A_236, %add3A_270 : i32
        %lt3A_272 = arith.constant 157 : i32
        %lt3A_273 = arith.cmpi slt, %add3A_271, %lt3A_272 : i32
        %convert_element_type3A_274 = arith.extui %lt3A_273 : i1 to i32
        %cond3A_275 = arith.constant 0 : i32
        %cond3A_276 = arith.cmpi ne, %convert_element_type3A_274, %cond3A_275 : i32
        scf.if %cond3A_276 {
          %add3A_277 = arith.constant 5 : i32
          %add3A_278 = arith.addi %add3A_236, %add3A_277 : i32
          %dma_start3A_279 = arith.constant 0 : i32
          %dma_start3A_280 = arith.constant 0 : i32
          %dma_start3A_281 = arith.constant 0 : i32
          %dma_start3A_282 = tpu.memref_slice %arg3[%add3A, %dma_start3A_279, %dma_start3A_280, %dma_start3A_281] : memref<32x157x2x64xi32, #tpu.memory_space<hbm>> -> memref<1x157x2x64xi32, #tpu.memory_space<hbm>>
          %dma_start3A_283 = tpu.memref_squeeze %dma_start3A_282 : memref<1x157x2x64xi32, #tpu.memory_space<hbm>> -> memref<157x2x64xi32, #tpu.memory_space<hbm>>
          %dma_start3A_284 = arith.constant 0 : i32
          %dma_start3A_285 = arith.constant 0 : i32
          %dma_start3A_286 = tpu.memref_slice %dma_start3A_283[%add3A_278, %dma_start3A_284, %dma_start3A_285] : memref<157x2x64xi32, #tpu.memory_space<hbm>> -> memref<1x2x64xi32, #tpu.memory_space<hbm>>
          %dma_start3A_287 = tpu.memref_squeeze %dma_start3A_286 : memref<1x2x64xi32, #tpu.memory_space<hbm>> -> memref<2x64xi32, #tpu.memory_space<hbm>>
          %dma_start3A_288 = arith.constant 0 : i32
          %dma_start3A_289 = arith.constant 0 : i32
          %dma_start3A_290 = arith.constant 0 : i32
          %dma_start3A_291 = tpu.memref_slice %arg3[%add3A, %dma_start3A_288, %dma_start3A_289, %dma_start3A_290] : memref<32x157x2x64xi32, #tpu.memory_space<hbm>> -> memref<1x157x2x64xi32, #tpu.memory_space<hbm>>
          %dma_start3A_292 = tpu.memref_squeeze %dma_start3A_291 : memref<1x157x2x64xi32, #tpu.memory_space<hbm>> -> memref<157x2x64xi32, #tpu.memory_space<hbm>>
          %dma_start3A_293 = arith.constant 0 : i32
          %dma_start3A_294 = arith.constant 0 : i32
          %dma_start3A_295 = tpu.memref_slice %dma_start3A_292[%add3A_278, %dma_start3A_293, %dma_start3A_294] : memref<157x2x64xi32, #tpu.memory_space<hbm>> -> memref<1x2x64xi32, #tpu.memory_space<hbm>>
          %dma_start3A_296 = tpu.memref_squeeze %dma_start3A_295 : memref<1x2x64xi32, #tpu.memory_space<hbm>> -> memref<2x64xi32, #tpu.memory_space<hbm>>
          tpu.enqueue_dma source(%dma_start3A_296 : memref<2x64xi32, #tpu.memory_space<hbm>>) target(%arg8 : memref<2x64xi32, #tpu.memory_space<vmem>>) target_semaphore(%arg23 : memref<!tpu.dma_semaphore, #tpu.memory_space<semaphore_mem>>)
        } else {
        }
      } else {
      }
      %add3A_242 = arith.constant 3 : i32
      %add3A_243 = arith.addi %add3A_223, %add3A_242 : i32
      %lt3A_244 = arith.constant 157 : i32
      %lt3A_245 = arith.cmpi slt, %add3A_243, %lt3A_244 : i32
      %convert_element_type3A_246 = arith.extui %lt3A_245 : i1 to i32
      %cond3A_247 = arith.constant 0 : i32
      %cond3A_248 = arith.cmpi ne, %convert_element_type3A_246, %cond3A_247 : i32
      scf.if %cond3A_248 {
        %add3A_256 = arith.constant 4 : i32
        %add3A_257 = arith.addi %add3A_243, %add3A_256 : i32
        %lt3A_258 = arith.constant 157 : i32
        %lt3A_259 = arith.cmpi slt, %add3A_257, %lt3A_258 : i32
        %convert_element_type3A_260 = arith.extui %lt3A_259 : i1 to i32
        %cond3A_261 = arith.constant 0 : i32
        %cond3A_262 = arith.cmpi ne, %convert_element_type3A_260, %cond3A_261 : i32
        scf.if %cond3A_262 {
          %add3A_277 = arith.constant 4 : i32
          %add3A_278 = arith.addi %add3A_243, %add3A_277 : i32
          %dma_wait3A_279 = arith.constant 0 : i32
          %dma_wait3A_280 = arith.constant 0 : i32
          %dma_wait3A_281 = arith.constant 0 : i32
          %dma_wait3A_282 = tpu.memref_slice %arg3[%add3A, %dma_wait3A_279, %dma_wait3A_280, %dma_wait3A_281] : memref<32x157x2x64xi32, #tpu.memory_space<hbm>> -> memref<1x157x2x64xi32, #tpu.memory_space<hbm>>
          %dma_wait3A_283 = tpu.memref_squeeze %dma_wait3A_282 : memref<1x157x2x64xi32, #tpu.memory_space<hbm>> -> memref<157x2x64xi32, #tpu.memory_space<hbm>>
          %dma_wait3A_284 = arith.constant 0 : i32
          %dma_wait3A_285 = arith.constant 0 : i32
          %dma_wait3A_286 = tpu.memref_slice %dma_wait3A_283[%add3A_278, %dma_wait3A_284, %dma_wait3A_285] : memref<157x2x64xi32, #tpu.memory_space<hbm>> -> memref<1x2x64xi32, #tpu.memory_space<hbm>>
          %dma_wait3A_287 = tpu.memref_squeeze %dma_wait3A_286 : memref<1x2x64xi32, #tpu.memory_space<hbm>> -> memref<2x64xi32, #tpu.memory_space<hbm>>
          %dma_wait3A_288 = arith.constant 0 : i32
          %dma_wait3A_289 = arith.constant 0 : i32
          %dma_wait3A_290 = arith.constant 0 : i32
          %dma_wait3A_291 = tpu.memref_slice %arg3[%add3A, %dma_wait3A_288, %dma_wait3A_289, %dma_wait3A_290] : memref<32x157x2x64xi32, #tpu.memory_space<hbm>> -> memref<1x157x2x64xi32, #tpu.memory_space<hbm>>
          %dma_wait3A_292 = tpu.memref_squeeze %dma_wait3A_291 : memref<1x157x2x64xi32, #tpu.memory_space<hbm>> -> memref<157x2x64xi32, #tpu.memory_space<hbm>>
          %dma_wait3A_293 = arith.constant 0 : i32
          %dma_wait3A_294 = arith.constant 0 : i32
          %dma_wait3A_295 = tpu.memref_slice %dma_wait3A_292[%add3A_278, %dma_wait3A_293, %dma_wait3A_294] : memref<157x2x64xi32, #tpu.memory_space<hbm>> -> memref<1x2x64xi32, #tpu.memory_space<hbm>>
          %dma_wait3A_296 = tpu.memref_squeeze %dma_wait3A_295 : memref<1x2x64xi32, #tpu.memory_space<hbm>> -> memref<2x64xi32, #tpu.memory_space<hbm>>
          tpu.wait_dma2 semaphore(%arg23 : memref<!tpu.dma_semaphore, #tpu.memory_space<semaphore_mem>>) src(%dma_wait3A_296 : memref<2x64xi32, #tpu.memory_space<hbm>>) dst(%arg8 : memref<2x64xi32, #tpu.memory_space<vmem>>)
          %dma_start3A_297 = arith.constant 0 : i32
          %dma_start3A_298 = arith.constant 0 : i32
          %dma_start3A_299 = tpu.memref_slice %arg8[%dma_start3A_297, %dma_start3A_298] : memref<2x64xi32, #tpu.memory_space<vmem>> -> memref<1x64xi32, #tpu.memory_space<vmem>>
          %dma_start3A_300 = tpu.memref_squeeze %dma_start3A_299 : memref<1x64xi32, #tpu.memory_space<vmem>> -> memref<64xi32, #tpu.memory_space<vmem>>
          %dma_start3A_301 = arith.constant 0 : i32
          %dma_start3A_302 = arith.constant 0 : i32
          %dma_start3A_303 = tpu.memref_slice %arg2[%dma_start3A_301, %dma_start3A_302] : memref<10000x128xf32, #tpu.memory_space<hbm>> -> memref<10000x128xf32, #tpu.memory_space<hbm>>
          tpu.enqueue_indirect_dma source(%dma_start3A_303 : memref<10000x128xf32, #tpu.memory_space<hbm>>) target(%arg13 : memref<64x128xf32, #tpu.memory_space<vmem>>) offsets(%dma_start3A_300 : memref<64xi32, #tpu.memory_space<vmem>>) semaphore(%arg18 : memref<!tpu.dma_semaphore, #tpu.memory_space<semaphore_mem>>)
        } else {
        }
        %dma_wait3A_263 = arith.constant 0 : i32
        %dma_wait3A_264 = arith.constant 0 : i32
        %dma_wait3A_265 = tpu.memref_slice %arg9[%dma_wait3A_263, %dma_wait3A_264] : memref<2x64xi32, #tpu.memory_space<vmem>> -> memref<1x64xi32, #tpu.memory_space<vmem>>
        %dma_wait3A_266 = tpu.memref_squeeze %dma_wait3A_265 : memref<1x64xi32, #tpu.memory_space<vmem>> -> memref<64xi32, #tpu.memory_space<vmem>>
        %dma_wait3A_267 = arith.constant 0 : i32
        %dma_wait3A_268 = arith.constant 0 : i32
        %dma_wait3A_269 = tpu.memref_slice %arg2[%dma_wait3A_267, %dma_wait3A_268] : memref<10000x128xf32, #tpu.memory_space<hbm>> -> memref<10000x128xf32, #tpu.memory_space<hbm>>
        tpu.wait_indirect_dma semaphore(%arg19 : memref<!tpu.dma_semaphore, #tpu.memory_space<semaphore_mem>>) src(%dma_wait3A_269 : memref<10000x128xf32, #tpu.memory_space<hbm>>) dst(%arg14 : memref<64x128xf32, #tpu.memory_space<vmem>>)
        %run_scoped3A = arith.constant 1 : i32
        "tpu.region"() ({
          %run_scoped3A_277 = tpu.sem_alloc : memref<!tpu.dma_semaphore, #tpu.memory_space<semaphore_mem>>
          %dma_start3A_278 = arith.constant 0 : i32
          %dma_start3A_279 = tpu.memref_slice %arg9[%run_scoped3A, %dma_start3A_278] : memref<2x64xi32, #tpu.memory_space<vmem>> -> memref<1x64xi32, #tpu.memory_space<vmem>>
          %dma_start3A_280 = tpu.memref_squeeze %dma_start3A_279 : memref<1x64xi32, #tpu.memory_space<vmem>> -> memref<64xi32, #tpu.memory_space<vmem>>
          %dma_start3A_281 = arith.constant 0 : i32
          %dma_start3A_282 = arith.constant 0 : i32
          %dma_start3A_283 = tpu.memref_slice %arg5[%dma_start3A_281, %dma_start3A_282] : memref<10240x128xf32, #tpu.memory_space<vmem_shared>> -> memref<10240x128xf32, #tpu.memory_space<vmem_shared>>
          tpu.enqueue_indirect_dma source(%arg14 : memref<64x128xf32, #tpu.memory_space<vmem>>) target(%dma_start3A_283 : memref<10240x128xf32, #tpu.memory_space<vmem_shared>>) offsets(%dma_start3A_280 : memref<64xi32, #tpu.memory_space<vmem>>) semaphore(%run_scoped3A_277 : memref<!tpu.dma_semaphore, #tpu.memory_space<semaphore_mem>>) {add = true}
          %dma_wait3A_284 = arith.constant 0 : i32
          %dma_wait3A_285 = tpu.memref_slice %arg9[%run_scoped3A, %dma_wait3A_284] : memref<2x64xi32, #tpu.memory_space<vmem>> -> memref<1x64xi32, #tpu.memory_space<vmem>>
          %dma_wait3A_286 = tpu.memref_squeeze %dma_wait3A_285 : memref<1x64xi32, #tpu.memory_space<vmem>> -> memref<64xi32, #tpu.memory_space<vmem>>
          %dma_wait3A_287 = arith.constant 0 : i32
          %dma_wait3A_288 = arith.constant 0 : i32
          %dma_wait3A_289 = tpu.memref_slice %arg5[%dma_wait3A_287, %dma_wait3A_288] : memref<10240x128xf32, #tpu.memory_space<vmem_shared>> -> memref<10240x128xf32, #tpu.memory_space<vmem_shared>>
          tpu.wait_indirect_dma semaphore(%run_scoped3A_277 : memref<!tpu.dma_semaphore, #tpu.memory_space<semaphore_mem>>) src(%arg14 : memref<64x128xf32, #tpu.memory_space<vmem>>) dst(%dma_wait3A_289 : memref<10240x128xf32, #tpu.memory_space<vmem_shared>>)
          tpu.yield
        }) : () -> ()
        %add3A_270 = arith.constant 5 : i32
        %add3A_271 = arith.addi %add3A_243, %add3A_270 : i32
        %lt3A_272 = arith.constant 157 : i32
        %lt3A_273 = arith.cmpi slt, %add3A_271, %lt3A_272 : i32
        %convert_element_type3A_274 = arith.extui %lt3A_273 : i1 to i32
        %cond3A_275 = arith.constant 0 : i32
        %cond3A_276 = arith.cmpi ne, %convert_element_type3A_274, %cond3A_275 : i32
        scf.if %cond3A_276 {
          %add3A_277 = arith.constant 5 : i32
          %add3A_278 = arith.addi %add3A_243, %add3A_277 : i32
          %dma_start3A_279 = arith.constant 0 : i32
          %dma_start3A_280 = arith.constant 0 : i32
          %dma_start3A_281 = arith.constant 0 : i32
          %dma_start3A_282 = tpu.memref_slice %arg3[%add3A, %dma_start3A_279, %dma_start3A_280, %dma_start3A_281] : memref<32x157x2x64xi32, #tpu.memory_space<hbm>> -> memref<1x157x2x64xi32, #tpu.memory_space<hbm>>
          %dma_start3A_283 = tpu.memref_squeeze %dma_start3A_282 : memref<1x157x2x64xi32, #tpu.memory_space<hbm>> -> memref<157x2x64xi32, #tpu.memory_space<hbm>>
          %dma_start3A_284 = arith.constant 0 : i32
          %dma_start3A_285 = arith.constant 0 : i32
          %dma_start3A_286 = tpu.memref_slice %dma_start3A_283[%add3A_278, %dma_start3A_284, %dma_start3A_285] : memref<157x2x64xi32, #tpu.memory_space<hbm>> -> memref<1x2x64xi32, #tpu.memory_space<hbm>>
          %dma_start3A_287 = tpu.memref_squeeze %dma_start3A_286 : memref<1x2x64xi32, #tpu.memory_space<hbm>> -> memref<2x64xi32, #tpu.memory_space<hbm>>
          %dma_start3A_288 = arith.constant 0 : i32
          %dma_start3A_289 = arith.constant 0 : i32
          %dma_start3A_290 = arith.constant 0 : i32
          %dma_start3A_291 = tpu.memref_slice %arg3[%add3A, %dma_start3A_288, %dma_start3A_289, %dma_start3A_290] : memref<32x157x2x64xi32, #tpu.memory_space<hbm>> -> memref<1x157x2x64xi32, #tpu.memory_space<hbm>>
          %dma_start3A_292 = tpu.memref_squeeze %dma_start3A_291 : memref<1x157x2x64xi32, #tpu.memory_space<hbm>> -> memref<157x2x64xi32, #tpu.memory_space<hbm>>
          %dma_start3A_293 = arith.constant 0 : i32
          %dma_start3A_294 = arith.constant 0 : i32
          %dma_start3A_295 = tpu.memref_slice %dma_start3A_292[%add3A_278, %dma_start3A_293, %dma_start3A_294] : memref<157x2x64xi32, #tpu.memory_space<hbm>> -> memref<1x2x64xi32, #tpu.memory_space<hbm>>
          %dma_start3A_296 = tpu.memref_squeeze %dma_start3A_295 : memref<1x2x64xi32, #tpu.memory_space<hbm>> -> memref<2x64xi32, #tpu.memory_space<hbm>>
          tpu.enqueue_dma source(%dma_start3A_296 : memref<2x64xi32, #tpu.memory_space<hbm>>) target(%arg9 : memref<2x64xi32, #tpu.memory_space<vmem>>) target_semaphore(%arg24 : memref<!tpu.dma_semaphore, #tpu.memory_space<semaphore_mem>>)
        } else {
        }
      } else {
      }
      %add3A_249 = arith.constant 4 : i32
      %add3A_250 = arith.addi %add3A_223, %add3A_249 : i32
      %lt3A_251 = arith.constant 157 : i32
      %lt3A_252 = arith.cmpi slt, %add3A_250, %lt3A_251 : i32
      %convert_element_type3A_253 = arith.extui %lt3A_252 : i1 to i32
      %cond3A_254 = arith.constant 0 : i32
      %cond3A_255 = arith.cmpi ne, %convert_element_type3A_253, %cond3A_254 : i32
      scf.if %cond3A_255 {
        %add3A_256 = arith.constant 4 : i32
        %add3A_257 = arith.addi %add3A_250, %add3A_256 : i32
        %lt3A_258 = arith.constant 157 : i32
        %lt3A_259 = arith.cmpi slt, %add3A_257, %lt3A_258 : i32
        %convert_element_type3A_260 = arith.extui %lt3A_259 : i1 to i32
        %cond3A_261 = arith.constant 0 : i32
        %cond3A_262 = arith.cmpi ne, %convert_element_type3A_260, %cond3A_261 : i32
        scf.if %cond3A_262 {
          %add3A_277 = arith.constant 4 : i32
          %add3A_278 = arith.addi %add3A_250, %add3A_277 : i32
          %dma_wait3A_279 = arith.constant 0 : i32
          %dma_wait3A_280 = arith.constant 0 : i32
          %dma_wait3A_281 = arith.constant 0 : i32
          %dma_wait3A_282 = tpu.memref_slice %arg3[%add3A, %dma_wait3A_279, %dma_wait3A_280, %dma_wait3A_281] : memref<32x157x2x64xi32, #tpu.memory_space<hbm>> -> memref<1x157x2x64xi32, #tpu.memory_space<hbm>>
          %dma_wait3A_283 = tpu.memref_squeeze %dma_wait3A_282 : memref<1x157x2x64xi32, #tpu.memory_space<hbm>> -> memref<157x2x64xi32, #tpu.memory_space<hbm>>
          %dma_wait3A_284 = arith.constant 0 : i32
          %dma_wait3A_285 = arith.constant 0 : i32
          %dma_wait3A_286 = tpu.memref_slice %dma_wait3A_283[%add3A_278, %dma_wait3A_284, %dma_wait3A_285] : memref<157x2x64xi32, #tpu.memory_space<hbm>> -> memref<1x2x64xi32, #tpu.memory_space<hbm>>
          %dma_wait3A_287 = tpu.memref_squeeze %dma_wait3A_286 : memref<1x2x64xi32, #tpu.memory_space<hbm>> -> memref<2x64xi32, #tpu.memory_space<hbm>>
          %dma_wait3A_288 = arith.constant 0 : i32
          %dma_wait3A_289 = arith.constant 0 : i32
          %dma_wait3A_290 = arith.constant 0 : i32
          %dma_wait3A_291 = tpu.memref_slice %arg3[%add3A, %dma_wait3A_288, %dma_wait3A_289, %dma_wait3A_290] : memref<32x157x2x64xi32, #tpu.memory_space<hbm>> -> memref<1x157x2x64xi32, #tpu.memory_space<hbm>>
          %dma_wait3A_292 = tpu.memref_squeeze %dma_wait3A_291 : memref<1x157x2x64xi32, #tpu.memory_space<hbm>> -> memref<157x2x64xi32, #tpu.memory_space<hbm>>
          %dma_wait3A_293 = arith.constant 0 : i32
          %dma_wait3A_294 = arith.constant 0 : i32
          %dma_wait3A_295 = tpu.memref_slice %dma_wait3A_292[%add3A_278, %dma_wait3A_293, %dma_wait3A_294] : memref<157x2x64xi32, #tpu.memory_space<hbm>> -> memref<1x2x64xi32, #tpu.memory_space<hbm>>
          %dma_wait3A_296 = tpu.memref_squeeze %dma_wait3A_295 : memref<1x2x64xi32, #tpu.memory_space<hbm>> -> memref<2x64xi32, #tpu.memory_space<hbm>>
          tpu.wait_dma2 semaphore(%arg24 : memref<!tpu.dma_semaphore, #tpu.memory_space<semaphore_mem>>) src(%dma_wait3A_296 : memref<2x64xi32, #tpu.memory_space<hbm>>) dst(%arg9 : memref<2x64xi32, #tpu.memory_space<vmem>>)
          %dma_start3A_297 = arith.constant 0 : i32
          %dma_start3A_298 = arith.constant 0 : i32
          %dma_start3A_299 = tpu.memref_slice %arg9[%dma_start3A_297, %dma_start3A_298] : memref<2x64xi32, #tpu.memory_space<vmem>> -> memref<1x64xi32, #tpu.memory_space<vmem>>
          %dma_start3A_300 = tpu.memref_squeeze %dma_start3A_299 : memref<1x64xi32, #tpu.memory_space<vmem>> -> memref<64xi32, #tpu.memory_space<vmem>>
          %dma_start3A_301 = arith.constant 0 : i32
          %dma_start3A_302 = arith.constant 0 : i32
          %dma_start3A_303 = tpu.memref_slice %arg2[%dma_start3A_301, %dma_start3A_302] : memref<10000x128xf32, #tpu.memory_space<hbm>> -> memref<10000x128xf32, #tpu.memory_space<hbm>>
          tpu.enqueue_indirect_dma source(%dma_start3A_303 : memref<10000x128xf32, #tpu.memory_space<hbm>>) target(%arg14 : memref<64x128xf32, #tpu.memory_space<vmem>>) offsets(%dma_start3A_300 : memref<64xi32, #tpu.memory_space<vmem>>) semaphore(%arg19 : memref<!tpu.dma_semaphore, #tpu.memory_space<semaphore_mem>>)
        } else {
        }
        %dma_wait3A_263 = arith.constant 0 : i32
        %dma_wait3A_264 = arith.constant 0 : i32
        %dma_wait3A_265 = tpu.memref_slice %arg10[%dma_wait3A_263, %dma_wait3A_264] : memref<2x64xi32, #tpu.memory_space<vmem>> -> memref<1x64xi32, #tpu.memory_space<vmem>>
        %dma_wait3A_266 = tpu.memref_squeeze %dma_wait3A_265 : memref<1x64xi32, #tpu.memory_space<vmem>> -> memref<64xi32, #tpu.memory_space<vmem>>
        %dma_wait3A_267 = arith.constant 0 : i32
        %dma_wait3A_268 = arith.constant 0 : i32
        %dma_wait3A_269 = tpu.memref_slice %arg2[%dma_wait3A_267, %dma_wait3A_268] : memref<10000x128xf32, #tpu.memory_space<hbm>> -> memref<10000x128xf32, #tpu.memory_space<hbm>>
        tpu.wait_indirect_dma semaphore(%arg20 : memref<!tpu.dma_semaphore, #tpu.memory_space<semaphore_mem>>) src(%dma_wait3A_269 : memref<10000x128xf32, #tpu.memory_space<hbm>>) dst(%arg15 : memref<64x128xf32, #tpu.memory_space<vmem>>)
        %run_scoped3A = arith.constant 1 : i32
        "tpu.region"() ({
          %run_scoped3A_277 = tpu.sem_alloc : memref<!tpu.dma_semaphore, #tpu.memory_space<semaphore_mem>>
          %dma_start3A_278 = arith.constant 0 : i32
          %dma_start3A_279 = tpu.memref_slice %arg10[%run_scoped3A, %dma_start3A_278] : memref<2x64xi32, #tpu.memory_space<vmem>> -> memref<1x64xi32, #tpu.memory_space<vmem>>
          %dma_start3A_280 = tpu.memref_squeeze %dma_start3A_279 : memref<1x64xi32, #tpu.memory_space<vmem>> -> memref<64xi32, #tpu.memory_space<vmem>>
          %dma_start3A_281 = arith.constant 0 : i32
          %dma_start3A_282 = arith.constant 0 : i32
          %dma_start3A_283 = tpu.memref_slice %arg5[%dma_start3A_281, %dma_start3A_282] : memref<10240x128xf32, #tpu.memory_space<vmem_shared>> -> memref<10240x128xf32, #tpu.memory_space<vmem_shared>>
          tpu.enqueue_indirect_dma source(%arg15 : memref<64x128xf32, #tpu.memory_space<vmem>>) target(%dma_start3A_283 : memref<10240x128xf32, #tpu.memory_space<vmem_shared>>) offsets(%dma_start3A_280 : memref<64xi32, #tpu.memory_space<vmem>>) semaphore(%run_scoped3A_277 : memref<!tpu.dma_semaphore, #tpu.memory_space<semaphore_mem>>) {add = true}
          %dma_wait3A_284 = arith.constant 0 : i32
          %dma_wait3A_285 = tpu.memref_slice %arg10[%run_scoped3A, %dma_wait3A_284] : memref<2x64xi32, #tpu.memory_space<vmem>> -> memref<1x64xi32, #tpu.memory_space<vmem>>
          %dma_wait3A_286 = tpu.memref_squeeze %dma_wait3A_285 : memref<1x64xi32, #tpu.memory_space<vmem>> -> memref<64xi32, #tpu.memory_space<vmem>>
          %dma_wait3A_287 = arith.constant 0 : i32
          %dma_wait3A_288 = arith.constant 0 : i32
          %dma_wait3A_289 = tpu.memref_slice %arg5[%dma_wait3A_287, %dma_wait3A_288] : memref<10240x128xf32, #tpu.memory_space<vmem_shared>> -> memref<10240x128xf32, #tpu.memory_space<vmem_shared>>
          tpu.wait_indirect_dma semaphore(%run_scoped3A_277 : memref<!tpu.dma_semaphore, #tpu.memory_space<semaphore_mem>>) src(%arg15 : memref<64x128xf32, #tpu.memory_space<vmem>>) dst(%dma_wait3A_289 : memref<10240x128xf32, #tpu.memory_space<vmem_shared>>)
          tpu.yield
        }) : () -> ()
        %add3A_270 = arith.constant 5 : i32
        %add3A_271 = arith.addi %add3A_250, %add3A_270 : i32
        %lt3A_272 = arith.constant 157 : i32
        %lt3A_273 = arith.cmpi slt, %add3A_271, %lt3A_272 : i32
        %convert_element_type3A_274 = arith.extui %lt3A_273 : i1 to i32
        %cond3A_275 = arith.constant 0 : i32
        %cond3A_276 = arith.cmpi ne, %convert_element_type3A_274, %cond3A_275 : i32
        scf.if %cond3A_276 {
          %add3A_277 = arith.constant 5 : i32
          %add3A_278 = arith.addi %add3A_250, %add3A_277 : i32
          %dma_start3A_279 = arith.constant 0 : i32
          %dma_start3A_280 = arith.constant 0 : i32
          %dma_start3A_281 = arith.constant 0 : i32
          %dma_start3A_282 = tpu.memref_slice %arg3[%add3A, %dma_start3A_279, %dma_start3A_280, %dma_start3A_281] : memref<32x157x2x64xi32, #tpu.memory_space<hbm>> -> memref<1x157x2x64xi32, #tpu.memory_space<hbm>>
          %dma_start3A_283 = tpu.memref_squeeze %dma_start3A_282 : memref<1x157x2x64xi32, #tpu.memory_space<hbm>> -> memref<157x2x64xi32, #tpu.memory_space<hbm>>
          %dma_start3A_284 = arith.constant 0 : i32
          %dma_start3A_285 = arith.constant 0 : i32
          %dma_start3A_286 = tpu.memref_slice %dma_start3A_283[%add3A_278, %dma_start3A_284, %dma_start3A_285] : memref<157x2x64xi32, #tpu.memory_space<hbm>> -> memref<1x2x64xi32, #tpu.memory_space<hbm>>
          %dma_start3A_287 = tpu.memref_squeeze %dma_start3A_286 : memref<1x2x64xi32, #tpu.memory_space<hbm>> -> memref<2x64xi32, #tpu.memory_space<hbm>>
          %dma_start3A_288 = arith.constant 0 : i32
          %dma_start3A_289 = arith.constant 0 : i32
          %dma_start3A_290 = arith.constant 0 : i32
          %dma_start3A_291 = tpu.memref_slice %arg3[%add3A, %dma_start3A_288, %dma_start3A_289, %dma_start3A_290] : memref<32x157x2x64xi32, #tpu.memory_space<hbm>> -> memref<1x157x2x64xi32, #tpu.memory_space<hbm>>
          %dma_start3A_292 = tpu.memref_squeeze %dma_start3A_291 : memref<1x157x2x64xi32, #tpu.memory_space<hbm>> -> memref<157x2x64xi32, #tpu.memory_space<hbm>>
          %dma_start3A_293 = arith.constant 0 : i32
          %dma_start3A_294 = arith.constant 0 : i32
          %dma_start3A_295 = tpu.memref_slice %dma_start3A_292[%add3A_278, %dma_start3A_293, %dma_start3A_294] : memref<157x2x64xi32, #tpu.memory_space<hbm>> -> memref<1x2x64xi32, #tpu.memory_space<hbm>>
          %dma_start3A_296 = tpu.memref_squeeze %dma_start3A_295 : memref<1x2x64xi32, #tpu.memory_space<hbm>> -> memref<2x64xi32, #tpu.memory_space<hbm>>
          tpu.enqueue_dma source(%dma_start3A_296 : memref<2x64xi32, #tpu.memory_space<hbm>>) target(%arg10 : memref<2x64xi32, #tpu.memory_space<vmem>>) target_semaphore(%arg25 : memref<!tpu.dma_semaphore, #tpu.memory_space<semaphore_mem>>)
        } else {
        }
      } else {
      }
    }
    %scan3A_212 = arith.constant 32 : i32
    %barrier3A_213 = arith.constant 0 : index
    tpu.barrier barrier_id(%barrier3A_213)
    %scan3A_214 = arith.constant 0 : i32
    %scan3A_215 = arith.constant 10 : i32
    %scan3A_216 = arith.addi %scan3A_214, %scan3A_215 : i32
    %scan3A_217 = arith.constant 1 : i32
    scf.for %scan3A_219 = %scan3A_214 to %scan3A_216 step %scan3A_217  : i32 {
      %mul3A_220 = arith.constant 64 : i32
      %mul3A_221 = arith.muli %scan3A_219, %mul3A_220 : i32
      %add3A_222 = arith.constant 0 : i32
      %add3A_223 = arith.addi %add3A_222, %mul3A_221 : i32
      %mul3A_224 = arith.constant 640 : i32
      %mul3A_225 = arith.muli %arg1, %mul3A_224 : i32
      %add3A_226 = arith.addi %mul3A_225, %add3A_223 : i32
      "tpu.region"() ({
        %run_scoped3A = tpu.sem_alloc : memref<!tpu.dma_semaphore, #tpu.memory_space<semaphore_mem>>
        %dma_start3A_227 = arith.constant 0 : i32
        %dma_start3A_228 = tpu.memref_slice %arg5[%add3A_226, %dma_start3A_227] : memref<10240x128xf32, #tpu.memory_space<vmem_shared>> -> memref<64x128xf32, #tpu.memory_space<vmem_shared>>
        %dma_start3A_229 = arith.constant 0 : i32
        %dma_start3A_230 = tpu.memref_slice %arg5[%add3A_226, %dma_start3A_229] : memref<10240x128xf32, #tpu.memory_space<vmem_shared>> -> memref<64x128xf32, #tpu.memory_space<vmem_shared>>
        tpu.enqueue_dma source(%dma_start3A_230 : memref<64x128xf32, #tpu.memory_space<vmem_shared>>) target(%arg11 : memref<64x128xf32, #tpu.memory_space<vmem>>) target_semaphore(%run_scoped3A : memref<!tpu.dma_semaphore, #tpu.memory_space<semaphore_mem>>)
        %dma_wait3A_231 = arith.constant 0 : i32
        %dma_wait3A_232 = tpu.memref_slice %arg5[%add3A_226, %dma_wait3A_231] : memref<10240x128xf32, #tpu.memory_space<vmem_shared>> -> memref<64x128xf32, #tpu.memory_space<vmem_shared>>
        %dma_wait3A_233 = arith.constant 0 : i32
        %dma_wait3A_234 = tpu.memref_slice %arg5[%add3A_226, %dma_wait3A_233] : memref<10240x128xf32, #tpu.memory_space<vmem_shared>> -> memref<64x128xf32, #tpu.memory_space<vmem_shared>>
        tpu.wait_dma2 semaphore(%run_scoped3A : memref<!tpu.dma_semaphore, #tpu.memory_space<semaphore_mem>>) src(%dma_wait3A_234 : memref<64x128xf32, #tpu.memory_space<vmem_shared>>) dst(%arg11 : memref<64x128xf32, #tpu.memory_space<vmem>>)
        tpu.yield
      }) : () -> ()
      "tpu.region"() ({
        %run_scoped3A = tpu.sem_alloc : memref<!tpu.dma_semaphore, #tpu.memory_space<semaphore_mem>>
        %dma_start3A_227 = arith.constant 0 : i32
        %dma_start3A_228 = arith.constant 0 : i32
        %dma_start3A_229 = tpu.memref_slice %arg4[%arg0, %dma_start3A_227, %dma_start3A_228] : memref<2x10240x128xf32, #tpu.memory_space<hbm>> -> memref<1x10240x128xf32, #tpu.memory_space<hbm>>
        %dma_start3A_230 = tpu.memref_squeeze %dma_start3A_229 : memref<1x10240x128xf32, #tpu.memory_space<hbm>> -> memref<10240x128xf32, #tpu.memory_space<hbm>>
        %dma_start3A_231 = arith.constant 0 : i32
        %dma_start3A_232 = tpu.memref_slice %dma_start3A_230[%add3A_226, %dma_start3A_231] : memref<10240x128xf32, #tpu.memory_space<hbm>> -> memref<64x128xf32, #tpu.memory_space<hbm>>
        %dma_start3A_233 = arith.constant 0 : i32
        %dma_start3A_234 = arith.constant 0 : i32
        %dma_start3A_235 = tpu.memref_slice %arg4[%arg0, %dma_start3A_233, %dma_start3A_234] : memref<2x10240x128xf32, #tpu.memory_space<hbm>> -> memref<1x10240x128xf32, #tpu.memory_space<hbm>>
        %dma_start3A_236 = tpu.memref_squeeze %dma_start3A_235 : memref<1x10240x128xf32, #tpu.memory_space<hbm>> -> memref<10240x128xf32, #tpu.memory_space<hbm>>
        %dma_start3A_237 = arith.constant 0 : i32
        %dma_start3A_238 = tpu.memref_slice %dma_start3A_236[%add3A_226, %dma_start3A_237] : memref<10240x128xf32, #tpu.memory_space<hbm>> -> memref<64x128xf32, #tpu.memory_space<hbm>>
        tpu.enqueue_dma source(%arg11 : memref<64x128xf32, #tpu.memory_space<vmem>>) target(%dma_start3A_238 : memref<64x128xf32, #tpu.memory_space<hbm>>) target_semaphore(%run_scoped3A : memref<!tpu.dma_semaphore, #tpu.memory_space<semaphore_mem>>)
        %dma_wait3A_239 = arith.constant 0 : i32
        %dma_wait3A_240 = arith.constant 0 : i32
        %dma_wait3A_241 = tpu.memref_slice %arg4[%arg0, %dma_wait3A_239, %dma_wait3A_240] : memref<2x10240x128xf32, #tpu.memory_space<hbm>> -> memref<1x10240x128xf32, #tpu.memory_space<hbm>>
        %dma_wait3A_242 = tpu.memref_squeeze %dma_wait3A_241 : memref<1x10240x128xf32, #tpu.memory_space<hbm>> -> memref<10240x128xf32, #tpu.memory_space<hbm>>
        %dma_wait3A_243 = arith.constant 0 : i32
        %dma_wait3A_244 = tpu.memref_slice %dma_wait3A_242[%add3A_226, %dma_wait3A_243] : memref<10240x128xf32, #tpu.memory_space<hbm>> -> memref<64x128xf32, #tpu.memory_space<hbm>>
        %dma_wait3A_245 = arith.constant 0 : i32
        %dma_wait3A_246 = arith.constant 0 : i32
        %dma_wait3A_247 = tpu.memref_slice %arg4[%arg0, %dma_wait3A_245, %dma_wait3A_246] : memref<2x10240x128xf32, #tpu.memory_space<hbm>> -> memref<1x10240x128xf32, #tpu.memory_space<hbm>>
        %dma_wait3A_248 = tpu.memref_squeeze %dma_wait3A_247 : memref<1x10240x128xf32, #tpu.memory_space<hbm>> -> memref<10240x128xf32, #tpu.memory_space<hbm>>
        %dma_wait3A_249 = arith.constant 0 : i32
        %dma_wait3A_250 = tpu.memref_slice %dma_wait3A_248[%add3A_226, %dma_wait3A_249] : memref<10240x128xf32, #tpu.memory_space<hbm>> -> memref<64x128xf32, #tpu.memory_space<hbm>>
        tpu.wait_dma2 semaphore(%run_scoped3A : memref<!tpu.dma_semaphore, #tpu.memory_space<semaphore_mem>>) src(%arg11 : memref<64x128xf32, #tpu.memory_space<vmem>>) dst(%dma_wait3A_250 : memref<64x128xf32, #tpu.memory_space<hbm>>)
        tpu.yield
      }) : () -> ()
    }
    %scan3A_218 = arith.constant 10 : i32
    return
  }
}

#map = affine_map<(d0, d1) -> (0, 0, 0, 0)>
#map1 = affine_map<(d0, d1) -> (0, 0, 0)>
module attributes {stable_mosaic.version = 14 : i64} {
  func.func @body(%arg0: i32, %arg1: i32, %arg2: memref<32x157x2x64xi32, #tpu.memory_space<hbm>>, %arg3: memref<32x1x10240xf32, #tpu.memory_space<hbm>>, %arg4: memref<157x2x64xi32, #tpu.memory_space<vmem>>, %arg5: memref<1x10240xf32, #tpu.memory_space<vmem>>, %arg6: memref<!tpu.dma_semaphore, #tpu.memory_space<semaphore_mem>>) attributes {dimension_semantics = [#tpu.dimension_semantics<core_parallel>, #tpu.dimension_semantics<subcore_parallel>], iteration_bounds = array<i64: 2, 16>, scalar_prefetch = 0 : i64, scratch_operands = 3 : i64, tpu.core_type = #tpu.core_type<sc_vector_subcore>, window_params = [{transform_indices = #map}, {transform_indices = #map1}]} {
    %mul3A = arith.constant 16 : i32
    %mul3A_0 = arith.muli %arg0, %mul3A : i32
    %add3A = arith.addi %mul3A_0, %arg1 : i32
    %dma_start3A = arith.constant 0 : i32
    %dma_start3A_1 = arith.constant 0 : i32
    %dma_start3A_2 = arith.constant 0 : i32
    %dma_start3A_3 = tpu.memref_slice %arg2[%add3A, %dma_start3A, %dma_start3A_1, %dma_start3A_2] : memref<32x157x2x64xi32, #tpu.memory_space<hbm>> -> memref<1x157x2x64xi32, #tpu.memory_space<hbm>>
    %dma_start3A_4 = tpu.memref_squeeze %dma_start3A_3 : memref<1x157x2x64xi32, #tpu.memory_space<hbm>> -> memref<157x2x64xi32, #tpu.memory_space<hbm>>
    %dma_start3A_5 = arith.constant 0 : i32
    %dma_start3A_6 = arith.constant 0 : i32
    %dma_start3A_7 = arith.constant 0 : i32
    %dma_start3A_8 = tpu.memref_slice %arg2[%add3A, %dma_start3A_5, %dma_start3A_6, %dma_start3A_7] : memref<32x157x2x64xi32, #tpu.memory_space<hbm>> -> memref<1x157x2x64xi32, #tpu.memory_space<hbm>>
    %dma_start3A_9 = tpu.memref_squeeze %dma_start3A_8 : memref<1x157x2x64xi32, #tpu.memory_space<hbm>> -> memref<157x2x64xi32, #tpu.memory_space<hbm>>
    tpu.enqueue_dma source(%dma_start3A_9 : memref<157x2x64xi32, #tpu.memory_space<hbm>>) target(%arg4 : memref<157x2x64xi32, #tpu.memory_space<vmem>>) target_semaphore(%arg6 : memref<!tpu.dma_semaphore, #tpu.memory_space<semaphore_mem>>)
    %broadcast_in_dim3A = arith.constant 0.000000e+00 : f32
    %broadcast_in_dim3A_10 = vector.broadcast %broadcast_in_dim3A : f32 to vector<16xf32>
    %scan3A = arith.constant 0 : i32
    %scan3A_11 = arith.constant 640 : i32
    %scan3A_12 = arith.addi %scan3A, %scan3A_11 : i32
    %scan3A_13 = arith.constant 1 : i32
    scf.for %scan3A_33 = %scan3A to %scan3A_12 step %scan3A_13  : i32 {
      %mul3A_34 = arith.constant 16 : i32
      %mul3A_35 = arith.muli %scan3A_33, %mul3A_34 : i32
      %add3A_36 = arith.constant 0 : i32
      %add3A_37 = arith.addi %add3A_36, %mul3A_35 : i32
      %swap3A = arith.constant 0 : i32
      %swap3A_38 = arith.index_cast %swap3A : i32 to index
      %swap3A_39 = arith.index_cast %add3A_37 : i32 to index
      %swap3A_40 = tpu.vector_load %arg5[%swap3A_38, %swap3A_39] {strides = array<i32>} : memref<1x10240xf32, #tpu.memory_space<vmem>>, vector<16xf32>,
      tpu.vector_store %arg5[%swap3A_38, %swap3A_39], %broadcast_in_dim3A_10 {strides = array<i32>} : memref<1x10240xf32, #tpu.memory_space<vmem>>, vector<16xf32>,
    }
    %scan3A_14 = arith.constant 640 : i32
    %dma_wait3A = arith.constant 0 : i32
    %dma_wait3A_15 = arith.constant 0 : i32
    %dma_wait3A_16 = arith.constant 0 : i32
    %dma_wait3A_17 = tpu.memref_slice %arg2[%add3A, %dma_wait3A, %dma_wait3A_15, %dma_wait3A_16] : memref<32x157x2x64xi32, #tpu.memory_space<hbm>> -> memref<1x157x2x64xi32, #tpu.memory_space<hbm>>
    %dma_wait3A_18 = tpu.memref_squeeze %dma_wait3A_17 : memref<1x157x2x64xi32, #tpu.memory_space<hbm>> -> memref<157x2x64xi32, #tpu.memory_space<hbm>>
    %dma_wait3A_19 = arith.constant 0 : i32
    %dma_wait3A_20 = arith.constant 0 : i32
    %dma_wait3A_21 = arith.constant 0 : i32
    %dma_wait3A_22 = tpu.memref_slice %arg2[%add3A, %dma_wait3A_19, %dma_wait3A_20, %dma_wait3A_21] : memref<32x157x2x64xi32, #tpu.memory_space<hbm>> -> memref<1x157x2x64xi32, #tpu.memory_space<hbm>>
    %dma_wait3A_23 = tpu.memref_squeeze %dma_wait3A_22 : memref<1x157x2x64xi32, #tpu.memory_space<hbm>> -> memref<157x2x64xi32, #tpu.memory_space<hbm>>
    tpu.wait_dma2 semaphore(%arg6 : memref<!tpu.dma_semaphore, #tpu.memory_space<semaphore_mem>>) src(%dma_wait3A_23 : memref<157x2x64xi32, #tpu.memory_space<hbm>>) dst(%arg4 : memref<157x2x64xi32, #tpu.memory_space<vmem>>)
    %broadcast_in_dim3A_24 = arith.constant 1.000000e+00 : f32
    %broadcast_in_dim3A_25 = vector.broadcast %broadcast_in_dim3A_24 : f32 to vector<16xf32>
    %broadcast_in_dim3A_26 = arith.constant 0 : i32
    %broadcast_in_dim3A_27 = vector.broadcast %broadcast_in_dim3A_26 : i32 to vector<16xi32>
    %scan3A_28 = arith.constant 0 : i32
    %scan3A_29 = arith.constant 157 : i32
    %scan3A_30 = arith.addi %scan3A_28, %scan3A_29 : i32
    %scan3A_31 = arith.constant 1 : i32
    scf.for %scan3A_33 = %scan3A_28 to %scan3A_30 step %scan3A_31  : i32 {
      %mul3A_34 = arith.constant 1 : i32
      %mul3A_35 = arith.muli %scan3A_33, %mul3A_34 : i32
      %add3A_36 = arith.constant 0 : i32
      %add3A_37 = arith.addi %add3A_36, %mul3A_35 : i32
      %scan3A_38 = arith.constant 0 : i32
      %scan3A_39 = arith.constant 4 : i32
      %scan3A_40 = arith.addi %scan3A_38, %scan3A_39 : i32
      %scan3A_41 = arith.constant 1 : i32
      scf.for %scan3A_43 = %scan3A_38 to %scan3A_40 step %scan3A_41  : i32 {
        %mul3A_44 = arith.constant 16 : i32
        %mul3A_45 = arith.muli %scan3A_43, %mul3A_44 : i32
        %add3A_46 = arith.constant 0 : i32
        %add3A_47 = arith.addi %add3A_46, %mul3A_45 : i32
        %get3A = arith.constant 1 : i32
        %get3A_48 = arith.index_cast %add3A_37 : i32 to index
        %get3A_49 = arith.index_cast %get3A : i32 to index
        %get3A_50 = arith.index_cast %add3A_47 : i32 to index
        %get3A_51 = tpu.vector_load %arg4[%get3A_48, %get3A_49, %get3A_50] {strides = array<i32>} : memref<157x2x64xi32, #tpu.memory_space<vmem>>, vector<16xi32>,
        tpu.vector_store_idx %arg5[%broadcast_in_dim3A_27, %get3A_51], %broadcast_in_dim3A_25 {add = true} : memref<1x10240xf32, #tpu.memory_space<vmem>>[vector<16xi32>, vector<16xi32>], vector<16xf32>,
      }
      %scan3A_42 = arith.constant 4 : i32
    }
    %scan3A_32 = arith.constant 157 : i32
    "tpu.region"() ({
      %run_scoped3A = tpu.sem_alloc : memref<!tpu.dma_semaphore, #tpu.memory_space<semaphore_mem>>
      %dma_start3A_33 = arith.constant 0 : i32
      %dma_start3A_34 = arith.constant 0 : i32
      %dma_start3A_35 = tpu.memref_slice %arg3[%add3A, %dma_start3A_33, %dma_start3A_34] : memref<32x1x10240xf32, #tpu.memory_space<hbm>> -> memref<1x1x10240xf32, #tpu.memory_space<hbm>>
      %dma_start3A_36 = tpu.memref_squeeze %dma_start3A_35 : memref<1x1x10240xf32, #tpu.memory_space<hbm>> -> memref<1x10240xf32, #tpu.memory_space<hbm>>
      %dma_start3A_37 = arith.constant 0 : i32
      %dma_start3A_38 = arith.constant 0 : i32
      %dma_start3A_39 = tpu.memref_slice %arg3[%add3A, %dma_start3A_37, %dma_start3A_38] : memref<32x1x10240xf32, #tpu.memory_space<hbm>> -> memref<1x1x10240xf32, #tpu.memory_space<hbm>>
      %dma_start3A_40 = tpu.memref_squeeze %dma_start3A_39 : memref<1x1x10240xf32, #tpu.memory_space<hbm>> -> memref<1x10240xf32, #tpu.memory_space<hbm>>
      tpu.enqueue_dma source(%arg5 : memref<1x10240xf32, #tpu.memory_space<vmem>>) target(%dma_start3A_40 : memref<1x10240xf32, #tpu.memory_space<hbm>>) target_semaphore(%run_scoped3A : memref<!tpu.dma_semaphore, #tpu.memory_space<semaphore_mem>>)
      %dma_wait3A_41 = arith.constant 0 : i32
      %dma_wait3A_42 = arith.constant 0 : i32
      %dma_wait3A_43 = tpu.memref_slice %arg3[%add3A, %dma_wait3A_41, %dma_wait3A_42] : memref<32x1x10240xf32, #tpu.memory_space<hbm>> -> memref<1x1x10240xf32, #tpu.memory_space<hbm>>
      %dma_wait3A_44 = tpu.memref_squeeze %dma_wait3A_43 : memref<1x1x10240xf32, #tpu.memory_space<hbm>> -> memref<1x10240xf32, #tpu.memory_space<hbm>>
      %dma_wait3A_45 = arith.constant 0 : i32
      %dma_wait3A_46 = arith.constant 0 : i32
      %dma_wait3A_47 = tpu.memref_slice %arg3[%add3A, %dma_wait3A_45, %dma_wait3A_46] : memref<32x1x10240xf32, #tpu.memory_space<hbm>> -> memref<1x1x10240xf32, #tpu.memory_space<hbm>>
      %dma_wait3A_48 = tpu.memref_squeeze %dma_wait3A_47 : memref<1x1x10240xf32, #tpu.memory_space<hbm>> -> memref<1x10240xf32, #tpu.memory_space<hbm>>
      tpu.wait_dma2 semaphore(%run_scoped3A : memref<!tpu.dma_semaphore, #tpu.memory_space<semaphore_mem>>) src(%arg5 : memref<1x10240xf32, #tpu.memory_space<vmem>>) dst(%dma_wait3A_48 : memref<1x10240xf32, #tpu.memory_space<hbm>>)
      tpu.yield
    }) : () -> ()
    return
  }
}

#map = affine_map<(d0, d1) -> (0, 0)>
#map1 = affine_map<(d0, d1) -> (0, 0, 0, 0)>
#map2 = affine_map<(d0, d1) -> (0, 0, 0)>
module attributes {stable_mosaic.version = 14 : i64} {
  func.func @body(%arg0: i32, %arg1: i32, %arg2: memref<10000x128xf32, #tpu.memory_space<hbm>>, %arg3: memref<32x157x2x64xi32, #tpu.memory_space<hbm>>, %arg4: memref<2x10240x128xf32, #tpu.memory_space<hbm>>, %arg5: memref<10240x128xf32, #tpu.memory_space<vmem_shared>>, %arg6: memref<2x64xi32, #tpu.memory_space<vmem>>, %arg7: memref<2x64xi32, #tpu.memory_space<vmem>>, %arg8: memref<2x64xi32, #tpu.memory_space<vmem>>, %arg9: memref<2x64xi32, #tpu.memory_space<vmem>>, %arg10: memref<2x64xi32, #tpu.memory_space<vmem>>, %arg11: memref<64x128xf32, #tpu.memory_space<vmem>>, %arg12: memref<64x128xf32, #tpu.memory_space<vmem>>, %arg13: memref<64x128xf32, #tpu.memory_space<vmem>>, %arg14: memref<64x128xf32, #tpu.memory_space<vmem>>, %arg15: memref<64x128xf32, #tpu.memory_space<vmem>>, %arg16: memref<!tpu.dma_semaphore, #tpu.memory_space<semaphore_mem>>, %arg17: memref<!tpu.dma_semaphore, #tpu.memory_space<semaphore_mem>>, %arg18: memref<!tpu.dma_semaphore, #tpu.memory_space<semaphore_mem>>, %arg19: memref<!tpu.dma_semaphore, #tpu.memory_space<semaphore_mem>>, %arg20: memref<!tpu.dma_semaphore, #tpu.memory_space<semaphore_mem>>, %arg21: memref<!tpu.dma_semaphore, #tpu.memory_space<semaphore_mem>>, %arg22: memref<!tpu.dma_semaphore, #tpu.memory_space<semaphore_mem>>, %arg23: memref<!tpu.dma_semaphore, #tpu.memory_space<semaphore_mem>>, %arg24: memref<!tpu.dma_semaphore, #tpu.memory_space<semaphore_mem>>, %arg25: memref<!tpu.dma_semaphore, #tpu.memory_space<semaphore_mem>>) attributes {dimension_semantics = [#tpu.dimension_semantics<core_parallel>, #tpu.dimension_semantics<subcore_parallel>], iteration_bounds = array<i64: 2, 16>, scalar_prefetch = 0 : i64, scratch_operands = 21 : i64, tpu.core_type = #tpu.core_type<sc_vector_subcore>, window_params = [{transform_indices = #map}, {transform_indices = #map1}, {transform_indices = #map2}]} {
    %mul3A = arith.constant 16 : i32
    %mul3A_0 = arith.muli %arg0, %mul3A : i32
    %add3A = arith.addi %mul3A_0, %arg1 : i32
    %dma_start3A = arith.constant 0 : i32
    %dma_start3A_1 = arith.constant 0 : i32
    %dma_start3A_2 = arith.constant 0 : i32
    %dma_start3A_3 = arith.constant 0 : i32
    %dma_start3A_4 = tpu.memref_slice %arg3[%add3A, %dma_start3A_1, %dma_start3A_2, %dma_start3A_3] : memref<32x157x2x64xi32, #tpu.memory_space<hbm>> -> memref<1x157x2x64xi32, #tpu.memory_space<hbm>>
    %dma_start3A_5 = tpu.memref_squeeze %dma_start3A_4 : memref<1x157x2x64xi32, #tpu.memory_space<hbm>> -> memref<157x2x64xi32, #tpu.memory_space<hbm>>
    %dma_start3A_6 = arith.constant 0 : i32
    %dma_start3A_7 = arith.constant 0 : i32
    %dma_start3A_8 = tpu.memref_slice %dma_start3A_5[%dma_start3A, %dma_start3A_6, %dma_start3A_7] : memref<157x2x64xi32, #tpu.memory_space<hbm>> -> memref<1x2x64xi32, #tpu.memory_space<hbm>>
    %dma_start3A_9 = tpu.memref_squeeze %dma_start3A_8 : memref<1x2x64xi32, #tpu.memory_space<hbm>> -> memref<2x64xi32, #tpu.memory_space<hbm>>
    %dma_start3A_10 = arith.constant 0 : i32
    %dma_start3A_11 = arith.constant 0 : i32
    %dma_start3A_12 = arith.constant 0 : i32
    %dma_start3A_13 = tpu.memref_slice %arg3[%add3A, %dma_start3A_10, %dma_start3A_11, %dma_start3A_12] : memref<32x157x2x64xi32, #tpu.memory_space<hbm>> -> memref<1x157x2x64xi32, #tpu.memory_space<hbm>>
    %dma_start3A_14 = tpu.memref_squeeze %dma_start3A_13 : memref<1x157x2x64xi32, #tpu.memory_space<hbm>> -> memref<157x2x64xi32, #tpu.memory_space<hbm>>
    %dma_start3A_15 = arith.constant 0 : i32
    %dma_start3A_16 = arith.constant 0 : i32
    %dma_start3A_17 = tpu.memref_slice %dma_start3A_14[%dma_start3A, %dma_start3A_15, %dma_start3A_16] : memref<157x2x64xi32, #tpu.memory_space<hbm>> -> memref<1x2x64xi32, #tpu.memory_space<hbm>>
    %dma_start3A_18 = tpu.memref_squeeze %dma_start3A_17 : memref<1x2x64xi32, #tpu.memory_space<hbm>> -> memref<2x64xi32, #tpu.memory_space<hbm>>
    tpu.enqueue_dma source(%dma_start3A_18 : memref<2x64xi32, #tpu.memory_space<hbm>>) target(%arg6 : memref<2x64xi32, #tpu.memory_space<vmem>>) target_semaphore(%arg21 : memref<!tpu.dma_semaphore, #tpu.memory_space<semaphore_mem>>)
    %dma_start3A_19 = arith.constant 1 : i32
    %dma_start3A_20 = arith.constant 0 : i32
    %dma_start3A_21 = arith.constant 0 : i32
    %dma_start3A_22 = arith.constant 0 : i32
    %dma_start3A_23 = tpu.memref_slice %arg3[%add3A, %dma_start3A_20, %dma_start3A_21, %dma_start3A_22] : memref<32x157x2x64xi32, #tpu.memory_space<hbm>> -> memref<1x157x2x64xi32, #tpu.memory_space<hbm>>
    %dma_start3A_24 = tpu.memref_squeeze %dma_start3A_23 : memref<1x157x2x64xi32, #tpu.memory_space<hbm>> -> memref<157x2x64xi32, #tpu.memory_space<hbm>>
    %dma_start3A_25 = arith.constant 0 : i32
    %dma_start3A_26 = arith.constant 0 : i32
    %dma_start3A_27 = tpu.memref_slice %dma_start3A_24[%dma_start3A_19, %dma_start3A_25, %dma_start3A_26] : memref<157x2x64xi32, #tpu.memory_space<hbm>> -> memref<1x2x64xi32, #tpu.memory_space<hbm>>
    %dma_start3A_28 = tpu.memref_squeeze %dma_start3A_27 : memref<1x2x64xi32, #tpu.memory_space<hbm>> -> memref<2x64xi32, #tpu.memory_space<hbm>>
    %dma_start3A_29 = arith.constant 0 : i32
    %dma_start3A_30 = arith.constant 0 : i32
    %dma_start3A_31 = arith.constant 0 : i32
    %dma_start3A_32 = tpu.memref_slice %arg3[%add3A, %dma_start3A_29, %dma_start3A_30, %dma_start3A_31] : memref<32x157x2x64xi32, #tpu.memory_space<hbm>> -> memref<1x157x2x64xi32, #tpu.memory_space<hbm>>
    %dma_start3A_33 = tpu.memref_squeeze %dma_start3A_32 : memref<1x157x2x64xi32, #tpu.memory_space<hbm>> -> memref<157x2x64xi32, #tpu.memory_space<hbm>>
    %dma_start3A_34 = arith.constant 0 : i32
    %dma_start3A_35 = arith.constant 0 : i32
    %dma_start3A_36 = tpu.memref_slice %dma_start3A_33[%dma_start3A_19, %dma_start3A_34, %dma_start3A_35] : memref<157x2x64xi32, #tpu.memory_space<hbm>> -> memref<1x2x64xi32, #tpu.memory_space<hbm>>
    %dma_start3A_37 = tpu.memref_squeeze %dma_start3A_36 : memref<1x2x64xi32, #tpu.memory_space<hbm>> -> memref<2x64xi32, #tpu.memory_space<hbm>>
    tpu.enqueue_dma source(%dma_start3A_37 : memref<2x64xi32, #tpu.memory_space<hbm>>) target(%arg7 : memref<2x64xi32, #tpu.memory_space<vmem>>) target_semaphore(%arg22 : memref<!tpu.dma_semaphore, #tpu.memory_space<semaphore_mem>>)
    %dma_start3A_38 = arith.constant 2 : i32
    %dma_start3A_39 = arith.constant 0 : i32
    %dma_start3A_40 = arith.constant 0 : i32
    %dma_start3A_41 = arith.constant 0 : i32
    %dma_start3A_42 = tpu.memref_slice %arg3[%add3A, %dma_start3A_39, %dma_start3A_40, %dma_start3A_41] : memref<32x157x2x64xi32, #tpu.memory_space<hbm>> -> memref<1x157x2x64xi32, #tpu.memory_space<hbm>>
    %dma_start3A_43 = tpu.memref_squeeze %dma_start3A_42 : memref<1x157x2x64xi32, #tpu.memory_space<hbm>> -> memref<157x2x64xi32, #tpu.memory_space<hbm>>
    %dma_start3A_44 = arith.constant 0 : i32
    %dma_start3A_45 = arith.constant 0 : i32
    %dma_start3A_46 = tpu.memref_slice %dma_start3A_43[%dma_start3A_38, %dma_start3A_44, %dma_start3A_45] : memref<157x2x64xi32, #tpu.memory_space<hbm>> -> memref<1x2x64xi32, #tpu.memory_space<hbm>>
    %dma_start3A_47 = tpu.memref_squeeze %dma_start3A_46 : memref<1x2x64xi32, #tpu.memory_space<hbm>> -> memref<2x64xi32, #tpu.memory_space<hbm>>
    %dma_start3A_48 = arith.constant 0 : i32
    %dma_start3A_49 = arith.constant 0 : i32
    %dma_start3A_50 = arith.constant 0 : i32
    %dma_start3A_51 = tpu.memref_slice %arg3[%add3A, %dma_start3A_48, %dma_start3A_49, %dma_start3A_50] : memref<32x157x2x64xi32, #tpu.memory_space<hbm>> -> memref<1x157x2x64xi32, #tpu.memory_space<hbm>>
    %dma_start3A_52 = tpu.memref_squeeze %dma_start3A_51 : memref<1x157x2x64xi32, #tpu.memory_space<hbm>> -> memref<157x2x64xi32, #tpu.memory_space<hbm>>
    %dma_start3A_53 = arith.constant 0 : i32
    %dma_start3A_54 = arith.constant 0 : i32
    %dma_start3A_55 = tpu.memref_slice %dma_start3A_52[%dma_start3A_38, %dma_start3A_53, %dma_start3A_54] : memref<157x2x64xi32, #tpu.memory_space<hbm>> -> memref<1x2x64xi32, #tpu.memory_space<hbm>>
    %dma_start3A_56 = tpu.memref_squeeze %dma_start3A_55 : memref<1x2x64xi32, #tpu.memory_space<hbm>> -> memref<2x64xi32, #tpu.memory_space<hbm>>
    tpu.enqueue_dma source(%dma_start3A_56 : memref<2x64xi32, #tpu.memory_space<hbm>>) target(%arg8 : memref<2x64xi32, #tpu.memory_space<vmem>>) target_semaphore(%arg23 : memref<!tpu.dma_semaphore, #tpu.memory_space<semaphore_mem>>)
    %dma_start3A_57 = arith.constant 3 : i32
    %dma_start3A_58 = arith.constant 0 : i32
    %dma_start3A_59 = arith.constant 0 : i32
    %dma_start3A_60 = arith.constant 0 : i32
    %dma_start3A_61 = tpu.memref_slice %arg3[%add3A, %dma_start3A_58, %dma_start3A_59, %dma_start3A_60] : memref<32x157x2x64xi32, #tpu.memory_space<hbm>> -> memref<1x157x2x64xi32, #tpu.memory_space<hbm>>
    %dma_start3A_62 = tpu.memref_squeeze %dma_start3A_61 : memref<1x157x2x64xi32, #tpu.memory_space<hbm>> -> memref<157x2x64xi32, #tpu.memory_space<hbm>>
    %dma_start3A_63 = arith.constant 0 : i32
    %dma_start3A_64 = arith.constant 0 : i32
    %dma_start3A_65 = tpu.memref_slice %dma_start3A_62[%dma_start3A_57, %dma_start3A_63, %dma_start3A_64] : memref<157x2x64xi32, #tpu.memory_space<hbm>> -> memref<1x2x64xi32, #tpu.memory_space<hbm>>
    %dma_start3A_66 = tpu.memref_squeeze %dma_start3A_65 : memref<1x2x64xi32, #tpu.memory_space<hbm>> -> memref<2x64xi32, #tpu.memory_space<hbm>>
    %dma_start3A_67 = arith.constant 0 : i32
    %dma_start3A_68 = arith.constant 0 : i32
    %dma_start3A_69 = arith.constant 0 : i32
    %dma_start3A_70 = tpu.memref_slice %arg3[%add3A, %dma_start3A_67, %dma_start3A_68, %dma_start3A_69] : memref<32x157x2x64xi32, #tpu.memory_space<hbm>> -> memref<1x157x2x64xi32, #tpu.memory_space<hbm>>
    %dma_start3A_71 = tpu.memref_squeeze %dma_start3A_70 : memref<1x157x2x64xi32, #tpu.memory_space<hbm>> -> memref<157x2x64xi32, #tpu.memory_space<hbm>>
    %dma_start3A_72 = arith.constant 0 : i32
    %dma_start3A_73 = arith.constant 0 : i32
    %dma_start3A_74 = tpu.memref_slice %dma_start3A_71[%dma_start3A_57, %dma_start3A_72, %dma_start3A_73] : memref<157x2x64xi32, #tpu.memory_space<hbm>> -> memref<1x2x64xi32, #tpu.memory_space<hbm>>
    %dma_start3A_75 = tpu.memref_squeeze %dma_start3A_74 : memref<1x2x64xi32, #tpu.memory_space<hbm>> -> memref<2x64xi32, #tpu.memory_space<hbm>>
    tpu.enqueue_dma source(%dma_start3A_75 : memref<2x64xi32, #tpu.memory_space<hbm>>) target(%arg9 : memref<2x64xi32, #tpu.memory_space<vmem>>) target_semaphore(%arg24 : memref<!tpu.dma_semaphore, #tpu.memory_space<semaphore_mem>>)
    %dma_start3A_76 = arith.constant 4 : i32
    %dma_start3A_77 = arith.constant 0 : i32
    %dma_start3A_78 = arith.constant 0 : i32
    %dma_start3A_79 = arith.constant 0 : i32
    %dma_start3A_80 = tpu.memref_slice %arg3[%add3A, %dma_start3A_77, %dma_start3A_78, %dma_start3A_79] : memref<32x157x2x64xi32, #tpu.memory_space<hbm>> -> memref<1x157x2x64xi32, #tpu.memory_space<hbm>>
    %dma_start3A_81 = tpu.memref_squeeze %dma_start3A_80 : memref<1x157x2x64xi32, #tpu.memory_space<hbm>> -> memref<157x2x64xi32, #tpu.memory_space<hbm>>
    %dma_start3A_82 = arith.constant 0 : i32
    %dma_start3A_83 = arith.constant 0 : i32
    %dma_start3A_84 = tpu.memref_slice %dma_start3A_81[%dma_start3A_76, %dma_start3A_82, %dma_start3A_83] : memref<157x2x64xi32, #tpu.memory_space<hbm>> -> memref<1x2x64xi32, #tpu.memory_space<hbm>>
    %dma_start3A_85 = tpu.memref_squeeze %dma_start3A_84 : memref<1x2x64xi32, #tpu.memory_space<hbm>> -> memref<2x64xi32, #tpu.memory_space<hbm>>
    %dma_start3A_86 = arith.constant 0 : i32
    %dma_start3A_87 = arith.constant 0 : i32
    %dma_start3A_88 = arith.constant 0 : i32
    %dma_start3A_89 = tpu.memref_slice %arg3[%add3A, %dma_start3A_86, %dma_start3A_87, %dma_start3A_88] : memref<32x157x2x64xi32, #tpu.memory_space<hbm>> -> memref<1x157x2x64xi32, #tpu.memory_space<hbm>>
    %dma_start3A_90 = tpu.memref_squeeze %dma_start3A_89 : memref<1x157x2x64xi32, #tpu.memory_space<hbm>> -> memref<157x2x64xi32, #tpu.memory_space<hbm>>
    %dma_start3A_91 = arith.constant 0 : i32
    %dma_start3A_92 = arith.constant 0 : i32
    %dma_start3A_93 = tpu.memref_slice %dma_start3A_90[%dma_start3A_76, %dma_start3A_91, %dma_start3A_92] : memref<157x2x64xi32, #tpu.memory_space<hbm>> -> memref<1x2x64xi32, #tpu.memory_space<hbm>>
    %dma_start3A_94 = tpu.memref_squeeze %dma_start3A_93 : memref<1x2x64xi32, #tpu.memory_space<hbm>> -> memref<2x64xi32, #tpu.memory_space<hbm>>
    tpu.enqueue_dma source(%dma_start3A_94 : memref<2x64xi32, #tpu.memory_space<hbm>>) target(%arg10 : memref<2x64xi32, #tpu.memory_space<vmem>>) target_semaphore(%arg25 : memref<!tpu.dma_semaphore, #tpu.memory_space<semaphore_mem>>)
    %broadcast_in_dim3A = arith.constant 0.000000e+00 : f32
    %broadcast_in_dim3A_95 = vector.broadcast %broadcast_in_dim3A : f32 to vector<16xf32>
    %scan3A = arith.constant 0 : i32
    %scan3A_96 = arith.constant 64 : i32
    %scan3A_97 = arith.addi %scan3A, %scan3A_96 : i32
    %scan3A_98 = arith.constant 1 : i32
    scf.for %scan3A_219 = %scan3A to %scan3A_97 step %scan3A_98  : i32 {
      %mul3A_220 = arith.constant 1 : i32
      %mul3A_221 = arith.muli %scan3A_219, %mul3A_220 : i32
      %add3A_222 = arith.constant 0 : i32
      %add3A_223 = arith.addi %add3A_222, %mul3A_221 : i32
      %scan3A_224 = arith.constant 0 : i32
      %scan3A_225 = arith.constant 8 : i32
      %scan3A_226 = arith.addi %scan3A_224, %scan3A_225 : i32
      %scan3A_227 = arith.constant 1 : i32
      scf.for %scan3A_229 = %scan3A_224 to %scan3A_226 step %scan3A_227  : i32 {
        %mul3A_230 = arith.constant 16 : i32
        %mul3A_231 = arith.muli %scan3A_229, %mul3A_230 : i32
        %add3A_232 = arith.constant 0 : i32
        %add3A_233 = arith.addi %add3A_232, %mul3A_231 : i32
        %swap3A = arith.index_cast %add3A_223 : i32 to index
        %swap3A_234 = arith.index_cast %add3A_233 : i32 to index
        %swap3A_235 = tpu.vector_load %arg11[%swap3A, %swap3A_234] {strides = array<i32>} : memref<64x128xf32, #tpu.memory_space<vmem>>, vector<16xf32>,
        tpu.vector_store %arg11[%swap3A, %swap3A_234], %broadcast_in_dim3A_95 {strides = array<i32>} : memref<64x128xf32, #tpu.memory_space<vmem>>, vector<16xf32>,
      }
      %scan3A_228 = arith.constant 8 : i32
    }
    %scan3A_99 = arith.constant 64 : i32
    %scan3A_100 = arith.constant 0 : i32
    %scan3A_101 = arith.constant 10 : i32
    %scan3A_102 = arith.addi %scan3A_100, %scan3A_101 : i32
    %scan3A_103 = arith.constant 1 : i32
    scf.for %scan3A_219 = %scan3A_100 to %scan3A_102 step %scan3A_103  : i32 {
      %mul3A_220 = arith.constant 64 : i32
      %mul3A_221 = arith.muli %scan3A_219, %mul3A_220 : i32
      %add3A_222 = arith.constant 0 : i32
      %add3A_223 = arith.addi %add3A_222, %mul3A_221 : i32
      %mul3A_224 = arith.constant 640 : i32
      %mul3A_225 = arith.muli %arg1, %mul3A_224 : i32
      %add3A_226 = arith.addi %mul3A_225, %add3A_223 : i32
      "tpu.region"() ({
        %run_scoped3A = tpu.sem_alloc : memref<!tpu.dma_semaphore, #tpu.memory_space<semaphore_mem>>
        %dma_start3A_227 = arith.constant 0 : i32
        %dma_start3A_228 = tpu.memref_slice %arg5[%add3A_226, %dma_start3A_227] : memref<10240x128xf32, #tpu.memory_space<vmem_shared>> -> memref<64x128xf32, #tpu.memory_space<vmem_shared>>
        %dma_start3A_229 = arith.constant 0 : i32
        %dma_start3A_230 = tpu.memref_slice %arg5[%add3A_226, %dma_start3A_229] : memref<10240x128xf32, #tpu.memory_space<vmem_shared>> -> memref<64x128xf32, #tpu.memory_space<vmem_shared>>
        tpu.enqueue_dma source(%arg11 : memref<64x128xf32, #tpu.memory_space<vmem>>) target(%dma_start3A_230 : memref<64x128xf32, #tpu.memory_space<vmem_shared>>) target_semaphore(%run_scoped3A : memref<!tpu.dma_semaphore, #tpu.memory_space<semaphore_mem>>)
        %dma_wait3A_231 = arith.constant 0 : i32
        %dma_wait3A_232 = tpu.memref_slice %arg5[%add3A_226, %dma_wait3A_231] : memref<10240x128xf32, #tpu.memory_space<vmem_shared>> -> memref<64x128xf32, #tpu.memory_space<vmem_shared>>
        %dma_wait3A_233 = arith.constant 0 : i32
        %dma_wait3A_234 = tpu.memref_slice %arg5[%add3A_226, %dma_wait3A_233] : memref<10240x128xf32, #tpu.memory_space<vmem_shared>> -> memref<64x128xf32, #tpu.memory_space<vmem_shared>>
        tpu.wait_dma2 semaphore(%run_scoped3A : memref<!tpu.dma_semaphore, #tpu.memory_space<semaphore_mem>>) src(%arg11 : memref<64x128xf32, #tpu.memory_space<vmem>>) dst(%dma_wait3A_234 : memref<64x128xf32, #tpu.memory_space<vmem_shared>>)
        tpu.yield
      }) : () -> ()
    }
    %scan3A_104 = arith.constant 10 : i32
    %barrier3A = arith.constant 0 : index
    tpu.barrier barrier_id(%barrier3A)
    %dma_wait3A = arith.constant 0 : i32
    %dma_wait3A_105 = arith.constant 0 : i32
    %dma_wait3A_106 = arith.constant 0 : i32
    %dma_wait3A_107 = arith.constant 0 : i32
    %dma_wait3A_108 = tpu.memref_slice %arg3[%add3A, %dma_wait3A_105, %dma_wait3A_106, %dma_wait3A_107] : memref<32x157x2x64xi32, #tpu.memory_space<hbm>> -> memref<1x157x2x64xi32, #tpu.memory_space<hbm>>
    %dma_wait3A_109 = tpu.memref_squeeze %dma_wait3A_108 : memref<1x157x2x64xi32, #tpu.memory_space<hbm>> -> memref<157x2x64xi32, #tpu.memory_space<hbm>>
    %dma_wait3A_110 = arith.constant 0 : i32
    %dma_wait3A_111 = arith.constant 0 : i32
    %dma_wait3A_112 = tpu.memref_slice %dma_wait3A_109[%dma_wait3A, %dma_wait3A_110, %dma_wait3A_111] : memref<157x2x64xi32, #tpu.memory_space<hbm>> -> memref<1x2x64xi32, #tpu.memory_space<hbm>>
    %dma_wait3A_113 = tpu.memref_squeeze %dma_wait3A_112 : memref<1x2x64xi32, #tpu.memory_space<hbm>> -> memref<2x64xi32, #tpu.memory_space<hbm>>
    %dma_wait3A_114 = arith.constant 0 : i32
    %dma_wait3A_115 = arith.constant 0 : i32
    %dma_wait3A_116 = arith.constant 0 : i32
    %dma_wait3A_117 = tpu.memref_slice %arg3[%add3A, %dma_wait3A_114, %dma_wait3A_115, %dma_wait3A_116] : memref<32x157x2x64xi32, #tpu.memory_space<hbm>> -> memref<1x157x2x64xi32, #tpu.memory_space<hbm>>
    %dma_wait3A_118 = tpu.memref_squeeze %dma_wait3A_117 : memref<1x157x2x64xi32, #tpu.memory_space<hbm>> -> memref<157x2x64xi32, #tpu.memory_space<hbm>>
    %dma_wait3A_119 = arith.constant 0 : i32
    %dma_wait3A_120 = arith.constant 0 : i32
    %dma_wait3A_121 = tpu.memref_slice %dma_wait3A_118[%dma_wait3A, %dma_wait3A_119, %dma_wait3A_120] : memref<157x2x64xi32, #tpu.memory_space<hbm>> -> memref<1x2x64xi32, #tpu.memory_space<hbm>>
    %dma_wait3A_122 = tpu.memref_squeeze %dma_wait3A_121 : memref<1x2x64xi32, #tpu.memory_space<hbm>> -> memref<2x64xi32, #tpu.memory_space<hbm>>
    tpu.wait_dma2 semaphore(%arg21 : memref<!tpu.dma_semaphore, #tpu.memory_space<semaphore_mem>>) src(%dma_wait3A_122 : memref<2x64xi32, #tpu.memory_space<hbm>>) dst(%arg6 : memref<2x64xi32, #tpu.memory_space<vmem>>)
    %dma_start3A_123 = arith.constant 0 : i32
    %dma_start3A_124 = arith.constant 0 : i32
    %dma_start3A_125 = tpu.memref_slice %arg6[%dma_start3A_123, %dma_start3A_124] : memref<2x64xi32, #tpu.memory_space<vmem>> -> memref<1x64xi32, #tpu.memory_space<vmem>>
    %dma_start3A_126 = tpu.memref_squeeze %dma_start3A_125 : memref<1x64xi32, #tpu.memory_space<vmem>> -> memref<64xi32, #tpu.memory_space<vmem>>
    %dma_start3A_127 = arith.constant 0 : i32
    %dma_start3A_128 = arith.constant 0 : i32
    %dma_start3A_129 = tpu.memref_slice %arg2[%dma_start3A_127, %dma_start3A_128] : memref<10000x128xf32, #tpu.memory_space<hbm>> -> memref<10000x128xf32, #tpu.memory_space<hbm>>
    tpu.enqueue_indirect_dma source(%dma_start3A_129 : memref<10000x128xf32, #tpu.memory_space<hbm>>) target(%arg11 : memref<64x128xf32, #tpu.memory_space<vmem>>) offsets(%dma_start3A_126 : memref<64xi32, #tpu.memory_space<vmem>>) semaphore(%arg16 : memref<!tpu.dma_semaphore, #tpu.memory_space<semaphore_mem>>)
    %dma_wait3A_130 = arith.constant 1 : i32
    %dma_wait3A_131 = arith.constant 0 : i32
    %dma_wait3A_132 = arith.constant 0 : i32
    %dma_wait3A_133 = arith.constant 0 : i32
    %dma_wait3A_134 = tpu.memref_slice %arg3[%add3A, %dma_wait3A_131, %dma_wait3A_132, %dma_wait3A_133] : memref<32x157x2x64xi32, #tpu.memory_space<hbm>> -> memref<1x157x2x64xi32, #tpu.memory_space<hbm>>
    %dma_wait3A_135 = tpu.memref_squeeze %dma_wait3A_134 : memref<1x157x2x64xi32, #tpu.memory_space<hbm>> -> memref<157x2x64xi32, #tpu.memory_space<hbm>>
    %dma_wait3A_136 = arith.constant 0 : i32
    %dma_wait3A_137 = arith.constant 0 : i32
    %dma_wait3A_138 = tpu.memref_slice %dma_wait3A_135[%dma_wait3A_130, %dma_wait3A_136, %dma_wait3A_137] : memref<157x2x64xi32, #tpu.memory_space<hbm>> -> memref<1x2x64xi32, #tpu.memory_space<hbm>>
    %dma_wait3A_139 = tpu.memref_squeeze %dma_wait3A_138 : memref<1x2x64xi32, #tpu.memory_space<hbm>> -> memref<2x64xi32, #tpu.memory_space<hbm>>
    %dma_wait3A_140 = arith.constant 0 : i32
    %dma_wait3A_141 = arith.constant 0 : i32
    %dma_wait3A_142 = arith.constant 0 : i32
    %dma_wait3A_143 = tpu.memref_slice %arg3[%add3A, %dma_wait3A_140, %dma_wait3A_141, %dma_wait3A_142] : memref<32x157x2x64xi32, #tpu.memory_space<hbm>> -> memref<1x157x2x64xi32, #tpu.memory_space<hbm>>
    %dma_wait3A_144 = tpu.memref_squeeze %dma_wait3A_143 : memref<1x157x2x64xi32, #tpu.memory_space<hbm>> -> memref<157x2x64xi32, #tpu.memory_space<hbm>>
    %dma_wait3A_145 = arith.constant 0 : i32
    %dma_wait3A_146 = arith.constant 0 : i32
    %dma_wait3A_147 = tpu.memref_slice %dma_wait3A_144[%dma_wait3A_130, %dma_wait3A_145, %dma_wait3A_146] : memref<157x2x64xi32, #tpu.memory_space<hbm>> -> memref<1x2x64xi32, #tpu.memory_space<hbm>>
    %dma_wait3A_148 = tpu.memref_squeeze %dma_wait3A_147 : memref<1x2x64xi32, #tpu.memory_space<hbm>> -> memref<2x64xi32, #tpu.memory_space<hbm>>
    tpu.wait_dma2 semaphore(%arg22 : memref<!tpu.dma_semaphore, #tpu.memory_space<semaphore_mem>>) src(%dma_wait3A_148 : memref<2x64xi32, #tpu.memory_space<hbm>>) dst(%arg7 : memref<2x64xi32, #tpu.memory_space<vmem>>)
    %dma_start3A_149 = arith.constant 0 : i32
    %dma_start3A_150 = arith.constant 0 : i32
    %dma_start3A_151 = tpu.memref_slice %arg7[%dma_start3A_149, %dma_start3A_150] : memref<2x64xi32, #tpu.memory_space<vmem>> -> memref<1x64xi32, #tpu.memory_space<vmem>>
    %dma_start3A_152 = tpu.memref_squeeze %dma_start3A_151 : memref<1x64xi32, #tpu.memory_space<vmem>> -> memref<64xi32, #tpu.memory_space<vmem>>
    %dma_start3A_153 = arith.constant 0 : i32
    %dma_start3A_154 = arith.constant 0 : i32
    %dma_start3A_155 = tpu.memref_slice %arg2[%dma_start3A_153, %dma_start3A_154] : memref<10000x128xf32, #tpu.memory_space<hbm>> -> memref<10000x128xf32, #tpu.memory_space<hbm>>
    tpu.enqueue_indirect_dma source(%dma_start3A_155 : memref<10000x128xf32, #tpu.memory_space<hbm>>) target(%arg12 : memref<64x128xf32, #tpu.memory_space<vmem>>) offsets(%dma_start3A_152 : memref<64xi32, #tpu.memory_space<vmem>>) semaphore(%arg17 : memref<!tpu.dma_semaphore, #tpu.memory_space<semaphore_mem>>)
    %dma_wait3A_156 = arith.constant 2 : i32
    %dma_wait3A_157 = arith.constant 0 : i32
    %dma_wait3A_158 = arith.constant 0 : i32
    %dma_wait3A_159 = arith.constant 0 : i32
    %dma_wait3A_160 = tpu.memref_slice %arg3[%add3A, %dma_wait3A_157, %dma_wait3A_158, %dma_wait3A_159] : memref<32x157x2x64xi32, #tpu.memory_space<hbm>> -> memref<1x157x2x64xi32, #tpu.memory_space<hbm>>
    %dma_wait3A_161 = tpu.memref_squeeze %dma_wait3A_160 : memref<1x157x2x64xi32, #tpu.memory_space<hbm>> -> memref<157x2x64xi32, #tpu.memory_space<hbm>>
    %dma_wait3A_162 = arith.constant 0 : i32
    %dma_wait3A_163 = arith.constant 0 : i32
    %dma_wait3A_164 = tpu.memref_slice %dma_wait3A_161[%dma_wait3A_156, %dma_wait3A_162, %dma_wait3A_163] : memref<157x2x64xi32, #tpu.memory_space<hbm>> -> memref<1x2x64xi32, #tpu.memory_space<hbm>>
    %dma_wait3A_165 = tpu.memref_squeeze %dma_wait3A_164 : memref<1x2x64xi32, #tpu.memory_space<hbm>> -> memref<2x64xi32, #tpu.memory_space<hbm>>
    %dma_wait3A_166 = arith.constant 0 : i32
    %dma_wait3A_167 = arith.constant 0 : i32
    %dma_wait3A_168 = arith.constant 0 : i32
    %dma_wait3A_169 = tpu.memref_slice %arg3[%add3A, %dma_wait3A_166, %dma_wait3A_167, %dma_wait3A_168] : memref<32x157x2x64xi32, #tpu.memory_space<hbm>> -> memref<1x157x2x64xi32, #tpu.memory_space<hbm>>
    %dma_wait3A_170 = tpu.memref_squeeze %dma_wait3A_169 : memref<1x157x2x64xi32, #tpu.memory_space<hbm>> -> memref<157x2x64xi32, #tpu.memory_space<hbm>>
    %dma_wait3A_171 = arith.constant 0 : i32
    %dma_wait3A_172 = arith.constant 0 : i32
    %dma_wait3A_173 = tpu.memref_slice %dma_wait3A_170[%dma_wait3A_156, %dma_wait3A_171, %dma_wait3A_172] : memref<157x2x64xi32, #tpu.memory_space<hbm>> -> memref<1x2x64xi32, #tpu.memory_space<hbm>>
    %dma_wait3A_174 = tpu.memref_squeeze %dma_wait3A_173 : memref<1x2x64xi32, #tpu.memory_space<hbm>> -> memref<2x64xi32, #tpu.memory_space<hbm>>
    tpu.wait_dma2 semaphore(%arg23 : memref<!tpu.dma_semaphore, #tpu.memory_space<semaphore_mem>>) src(%dma_wait3A_174 : memref<2x64xi32, #tpu.memory_space<hbm>>) dst(%arg8 : memref<2x64xi32, #tpu.memory_space<vmem>>)
    %dma_start3A_175 = arith.constant 0 : i32
    %dma_start3A_176 = arith.constant 0 : i32
    %dma_start3A_177 = tpu.memref_slice %arg8[%dma_start3A_175, %dma_start3A_176] : memref<2x64xi32, #tpu.memory_space<vmem>> -> memref<1x64xi32, #tpu.memory_space<vmem>>
    %dma_start3A_178 = tpu.memref_squeeze %dma_start3A_177 : memref<1x64xi32, #tpu.memory_space<vmem>> -> memref<64xi32, #tpu.memory_space<vmem>>
    %dma_start3A_179 = arith.constant 0 : i32
    %dma_start3A_180 = arith.constant 0 : i32
    %dma_start3A_181 = tpu.memref_slice %arg2[%dma_start3A_179, %dma_start3A_180] : memref<10000x128xf32, #tpu.memory_space<hbm>> -> memref<10000x128xf32, #tpu.memory_space<hbm>>
    tpu.enqueue_indirect_dma source(%dma_start3A_181 : memref<10000x128xf32, #tpu.memory_space<hbm>>) target(%arg13 : memref<64x128xf32, #tpu.memory_space<vmem>>) offsets(%dma_start3A_178 : memref<64xi32, #tpu.memory_space<vmem>>) semaphore(%arg18 : memref<!tpu.dma_semaphore, #tpu.memory_space<semaphore_mem>>)
    %dma_wait3A_182 = arith.constant 3 : i32
    %dma_wait3A_183 = arith.constant 0 : i32
    %dma_wait3A_184 = arith.constant 0 : i32
    %dma_wait3A_185 = arith.constant 0 : i32
    %dma_wait3A_186 = tpu.memref_slice %arg3[%add3A, %dma_wait3A_183, %dma_wait3A_184, %dma_wait3A_185] : memref<32x157x2x64xi32, #tpu.memory_space<hbm>> -> memref<1x157x2x64xi32, #tpu.memory_space<hbm>>
    %dma_wait3A_187 = tpu.memref_squeeze %dma_wait3A_186 : memref<1x157x2x64xi32, #tpu.memory_space<hbm>> -> memref<157x2x64xi32, #tpu.memory_space<hbm>>
    %dma_wait3A_188 = arith.constant 0 : i32
    %dma_wait3A_189 = arith.constant 0 : i32
    %dma_wait3A_190 = tpu.memref_slice %dma_wait3A_187[%dma_wait3A_182, %dma_wait3A_188, %dma_wait3A_189] : memref<157x2x64xi32, #tpu.memory_space<hbm>> -> memref<1x2x64xi32, #tpu.memory_space<hbm>>
    %dma_wait3A_191 = tpu.memref_squeeze %dma_wait3A_190 : memref<1x2x64xi32, #tpu.memory_space<hbm>> -> memref<2x64xi32, #tpu.memory_space<hbm>>
    %dma_wait3A_192 = arith.constant 0 : i32
    %dma_wait3A_193 = arith.constant 0 : i32
    %dma_wait3A_194 = arith.constant 0 : i32
    %dma_wait3A_195 = tpu.memref_slice %arg3[%add3A, %dma_wait3A_192, %dma_wait3A_193, %dma_wait3A_194] : memref<32x157x2x64xi32, #tpu.memory_space<hbm>> -> memref<1x157x2x64xi32, #tpu.memory_space<hbm>>
    %dma_wait3A_196 = tpu.memref_squeeze %dma_wait3A_195 : memref<1x157x2x64xi32, #tpu.memory_space<hbm>> -> memref<157x2x64xi32, #tpu.memory_space<hbm>>
    %dma_wait3A_197 = arith.constant 0 : i32
    %dma_wait3A_198 = arith.constant 0 : i32
    %dma_wait3A_199 = tpu.memref_slice %dma_wait3A_196[%dma_wait3A_182, %dma_wait3A_197, %dma_wait3A_198] : memref<157x2x64xi32, #tpu.memory_space<hbm>> -> memref<1x2x64xi32, #tpu.memory_space<hbm>>
    %dma_wait3A_200 = tpu.memref_squeeze %dma_wait3A_199 : memref<1x2x64xi32, #tpu.memory_space<hbm>> -> memref<2x64xi32, #tpu.memory_space<hbm>>
    tpu.wait_dma2 semaphore(%arg24 : memref<!tpu.dma_semaphore, #tpu.memory_space<semaphore_mem>>) src(%dma_wait3A_200 : memref<2x64xi32, #tpu.memory_space<hbm>>) dst(%arg9 : memref<2x64xi32, #tpu.memory_space<vmem>>)
    %dma_start3A_201 = arith.constant 0 : i32
    %dma_start3A_202 = arith.constant 0 : i32
    %dma_start3A_203 = tpu.memref_slice %arg9[%dma_start3A_201, %dma_start3A_202] : memref<2x64xi32, #tpu.memory_space<vmem>> -> memref<1x64xi32, #tpu.memory_space<vmem>>
    %dma_start3A_204 = tpu.memref_squeeze %dma_start3A_203 : memref<1x64xi32, #tpu.memory_space<vmem>> -> memref<64xi32, #tpu.memory_space<vmem>>
    %dma_start3A_205 = arith.constant 0 : i32
    %dma_start3A_206 = arith.constant 0 : i32
    %dma_start3A_207 = tpu.memref_slice %arg2[%dma_start3A_205, %dma_start3A_206] : memref<10000x128xf32, #tpu.memory_space<hbm>> -> memref<10000x128xf32, #tpu.memory_space<hbm>>
    tpu.enqueue_indirect_dma source(%dma_start3A_207 : memref<10000x128xf32, #tpu.memory_space<hbm>>) target(%arg14 : memref<64x128xf32, #tpu.memory_space<vmem>>) offsets(%dma_start3A_204 : memref<64xi32, #tpu.memory_space<vmem>>) semaphore(%arg19 : memref<!tpu.dma_semaphore, #tpu.memory_space<semaphore_mem>>)
    %scan3A_208 = arith.constant 0 : i32
    %scan3A_209 = arith.constant 32 : i32
    %scan3A_210 = arith.addi %scan3A_208, %scan3A_209 : i32
    %scan3A_211 = arith.constant 1 : i32
    scf.for %scan3A_219 = %scan3A_208 to %scan3A_210 step %scan3A_211  : i32 {
      %mul3A_220 = arith.constant 5 : i32
      %mul3A_221 = arith.muli %scan3A_219, %mul3A_220 : i32
      %add3A_222 = arith.constant 0 : i32
      %add3A_223 = arith.addi %add3A_222, %mul3A_221 : i32
      %add3A_224 = arith.constant 0 : i32
      %add3A_225 = arith.addi %add3A_223, %add3A_224 : i32
      %lt3A = arith.constant 157 : i32
      %lt3A_226 = arith.cmpi slt, %add3A_225, %lt3A : i32
      %convert_element_type3A = arith.extui %lt3A_226 : i1 to i32
      %cond3A = arith.constant 0 : i32
      %cond3A_227 = arith.cmpi ne, %convert_element_type3A, %cond3A : i32
      scf.if %cond3A_227 {
        %add3A_256 = arith.constant 4 : i32
        %add3A_257 = arith.addi %add3A_225, %add3A_256 : i32
        %lt3A_258 = arith.constant 157 : i32
        %lt3A_259 = arith.cmpi slt, %add3A_257, %lt3A_258 : i32
        %convert_element_type3A_260 = arith.extui %lt3A_259 : i1 to i32
        %cond3A_261 = arith.constant 0 : i32
        %cond3A_262 = arith.cmpi ne, %convert_element_type3A_260, %cond3A_261 : i32
        scf.if %cond3A_262 {
          %add3A_277 = arith.constant 4 : i32
          %add3A_278 = arith.addi %add3A_225, %add3A_277 : i32
          %dma_wait3A_279 = arith.constant 0 : i32
          %dma_wait3A_280 = arith.constant 0 : i32
          %dma_wait3A_281 = arith.constant 0 : i32
          %dma_wait3A_282 = tpu.memref_slice %arg3[%add3A, %dma_wait3A_279, %dma_wait3A_280, %dma_wait3A_281] : memref<32x157x2x64xi32, #tpu.memory_space<hbm>> -> memref<1x157x2x64xi32, #tpu.memory_space<hbm>>
          %dma_wait3A_283 = tpu.memref_squeeze %dma_wait3A_282 : memref<1x157x2x64xi32, #tpu.memory_space<hbm>> -> memref<157x2x64xi32, #tpu.memory_space<hbm>>
          %dma_wait3A_284 = arith.constant 0 : i32
          %dma_wait3A_285 = arith.constant 0 : i32
          %dma_wait3A_286 = tpu.memref_slice %dma_wait3A_283[%add3A_278, %dma_wait3A_284, %dma_wait3A_285] : memref<157x2x64xi32, #tpu.memory_space<hbm>> -> memref<1x2x64xi32, #tpu.memory_space<hbm>>
          %dma_wait3A_287 = tpu.memref_squeeze %dma_wait3A_286 : memref<1x2x64xi32, #tpu.memory_space<hbm>> -> memref<2x64xi32, #tpu.memory_space<hbm>>
          %dma_wait3A_288 = arith.constant 0 : i32
          %dma_wait3A_289 = arith.constant 0 : i32
          %dma_wait3A_290 = arith.constant 0 : i32
          %dma_wait3A_291 = tpu.memref_slice %arg3[%add3A, %dma_wait3A_288, %dma_wait3A_289, %dma_wait3A_290] : memref<32x157x2x64xi32, #tpu.memory_space<hbm>> -> memref<1x157x2x64xi32, #tpu.memory_space<hbm>>
          %dma_wait3A_292 = tpu.memref_squeeze %dma_wait3A_291 : memref<1x157x2x64xi32, #tpu.memory_space<hbm>> -> memref<157x2x64xi32, #tpu.memory_space<hbm>>
          %dma_wait3A_293 = arith.constant 0 : i32
          %dma_wait3A_294 = arith.constant 0 : i32
          %dma_wait3A_295 = tpu.memref_slice %dma_wait3A_292[%add3A_278, %dma_wait3A_293, %dma_wait3A_294] : memref<157x2x64xi32, #tpu.memory_space<hbm>> -> memref<1x2x64xi32, #tpu.memory_space<hbm>>
          %dma_wait3A_296 = tpu.memref_squeeze %dma_wait3A_295 : memref<1x2x64xi32, #tpu.memory_space<hbm>> -> memref<2x64xi32, #tpu.memory_space<hbm>>
          tpu.wait_dma2 semaphore(%arg25 : memref<!tpu.dma_semaphore, #tpu.memory_space<semaphore_mem>>) src(%dma_wait3A_296 : memref<2x64xi32, #tpu.memory_space<hbm>>) dst(%arg10 : memref<2x64xi32, #tpu.memory_space<vmem>>)
          %dma_start3A_297 = arith.constant 0 : i32
          %dma_start3A_298 = arith.constant 0 : i32
          %dma_start3A_299 = tpu.memref_slice %arg10[%dma_start3A_297, %dma_start3A_298] : memref<2x64xi32, #tpu.memory_space<vmem>> -> memref<1x64xi32, #tpu.memory_space<vmem>>
          %dma_start3A_300 = tpu.memref_squeeze %dma_start3A_299 : memref<1x64xi32, #tpu.memory_space<vmem>> -> memref<64xi32, #tpu.memory_space<vmem>>
          %dma_start3A_301 = arith.constant 0 : i32
          %dma_start3A_302 = arith.constant 0 : i32
          %dma_start3A_303 = tpu.memref_slice %arg2[%dma_start3A_301, %dma_start3A_302] : memref<10000x128xf32, #tpu.memory_space<hbm>> -> memref<10000x128xf32, #tpu.memory_space<hbm>>
          tpu.enqueue_indirect_dma source(%dma_start3A_303 : memref<10000x128xf32, #tpu.memory_space<hbm>>) target(%arg15 : memref<64x128xf32, #tpu.memory_space<vmem>>) offsets(%dma_start3A_300 : memref<64xi32, #tpu.memory_space<vmem>>) semaphore(%arg20 : memref<!tpu.dma_semaphore, #tpu.memory_space<semaphore_mem>>)
        } else {
        }
        %dma_wait3A_263 = arith.constant 0 : i32
        %dma_wait3A_264 = arith.constant 0 : i32
        %dma_wait3A_265 = tpu.memref_slice %arg6[%dma_wait3A_263, %dma_wait3A_264] : memref<2x64xi32, #tpu.memory_space<vmem>> -> memref<1x64xi32, #tpu.memory_space<vmem>>
        %dma_wait3A_266 = tpu.memref_squeeze %dma_wait3A_265 : memref<1x64xi32, #tpu.memory_space<vmem>> -> memref<64xi32, #tpu.memory_space<vmem>>
        %dma_wait3A_267 = arith.constant 0 : i32
        %dma_wait3A_268 = arith.constant 0 : i32
        %dma_wait3A_269 = tpu.memref_slice %arg2[%dma_wait3A_267, %dma_wait3A_268] : memref<10000x128xf32, #tpu.memory_space<hbm>> -> memref<10000x128xf32, #tpu.memory_space<hbm>>
        tpu.wait_indirect_dma semaphore(%arg16 : memref<!tpu.dma_semaphore, #tpu.memory_space<semaphore_mem>>) src(%dma_wait3A_269 : memref<10000x128xf32, #tpu.memory_space<hbm>>) dst(%arg11 : memref<64x128xf32, #tpu.memory_space<vmem>>)
        %run_scoped3A = arith.constant 1 : i32
        "tpu.region"() ({
          %run_scoped3A_277 = tpu.sem_alloc : memref<!tpu.dma_semaphore, #tpu.memory_space<semaphore_mem>>
          %dma_start3A_278 = arith.constant 0 : i32
          %dma_start3A_279 = tpu.memref_slice %arg6[%run_scoped3A, %dma_start3A_278] : memref<2x64xi32, #tpu.memory_space<vmem>> -> memref<1x64xi32, #tpu.memory_space<vmem>>
          %dma_start3A_280 = tpu.memref_squeeze %dma_start3A_279 : memref<1x64xi32, #tpu.memory_space<vmem>> -> memref<64xi32, #tpu.memory_space<vmem>>
          %dma_start3A_281 = arith.constant 0 : i32
          %dma_start3A_282 = arith.constant 0 : i32
          %dma_start3A_283 = tpu.memref_slice %arg5[%dma_start3A_281, %dma_start3A_282] : memref<10240x128xf32, #tpu.memory_space<vmem_shared>> -> memref<10240x128xf32, #tpu.memory_space<vmem_shared>>
          tpu.enqueue_indirect_dma source(%arg11 : memref<64x128xf32, #tpu.memory_space<vmem>>) target(%dma_start3A_283 : memref<10240x128xf32, #tpu.memory_space<vmem_shared>>) offsets(%dma_start3A_280 : memref<64xi32, #tpu.memory_space<vmem>>) semaphore(%run_scoped3A_277 : memref<!tpu.dma_semaphore, #tpu.memory_space<semaphore_mem>>) {add = true}
          %dma_wait3A_284 = arith.constant 0 : i32
          %dma_wait3A_285 = tpu.memref_slice %arg6[%run_scoped3A, %dma_wait3A_284] : memref<2x64xi32, #tpu.memory_space<vmem>> -> memref<1x64xi32, #tpu.memory_space<vmem>>
          %dma_wait3A_286 = tpu.memref_squeeze %dma_wait3A_285 : memref<1x64xi32, #tpu.memory_space<vmem>> -> memref<64xi32, #tpu.memory_space<vmem>>
          %dma_wait3A_287 = arith.constant 0 : i32
          %dma_wait3A_288 = arith.constant 0 : i32
          %dma_wait3A_289 = tpu.memref_slice %arg5[%dma_wait3A_287, %dma_wait3A_288] : memref<10240x128xf32, #tpu.memory_space<vmem_shared>> -> memref<10240x128xf32, #tpu.memory_space<vmem_shared>>
          tpu.wait_indirect_dma semaphore(%run_scoped3A_277 : memref<!tpu.dma_semaphore, #tpu.memory_space<semaphore_mem>>) src(%arg11 : memref<64x128xf32, #tpu.memory_space<vmem>>) dst(%dma_wait3A_289 : memref<10240x128xf32, #tpu.memory_space<vmem_shared>>)
          tpu.yield
        }) : () -> ()
        %add3A_270 = arith.constant 5 : i32
        %add3A_271 = arith.addi %add3A_225, %add3A_270 : i32
        %lt3A_272 = arith.constant 157 : i32
        %lt3A_273 = arith.cmpi slt, %add3A_271, %lt3A_272 : i32
        %convert_element_type3A_274 = arith.extui %lt3A_273 : i1 to i32
        %cond3A_275 = arith.constant 0 : i32
        %cond3A_276 = arith.cmpi ne, %convert_element_type3A_274, %cond3A_275 : i32
        scf.if %cond3A_276 {
          %add3A_277 = arith.constant 5 : i32
          %add3A_278 = arith.addi %add3A_225, %add3A_277 : i32
          %dma_start3A_279 = arith.constant 0 : i32
          %dma_start3A_280 = arith.constant 0 : i32
          %dma_start3A_281 = arith.constant 0 : i32
          %dma_start3A_282 = tpu.memref_slice %arg3[%add3A, %dma_start3A_279, %dma_start3A_280, %dma_start3A_281] : memref<32x157x2x64xi32, #tpu.memory_space<hbm>> -> memref<1x157x2x64xi32, #tpu.memory_space<hbm>>
          %dma_start3A_283 = tpu.memref_squeeze %dma_start3A_282 : memref<1x157x2x64xi32, #tpu.memory_space<hbm>> -> memref<157x2x64xi32, #tpu.memory_space<hbm>>
          %dma_start3A_284 = arith.constant 0 : i32
          %dma_start3A_285 = arith.constant 0 : i32
          %dma_start3A_286 = tpu.memref_slice %dma_start3A_283[%add3A_278, %dma_start3A_284, %dma_start3A_285] : memref<157x2x64xi32, #tpu.memory_space<hbm>> -> memref<1x2x64xi32, #tpu.memory_space<hbm>>
          %dma_start3A_287 = tpu.memref_squeeze %dma_start3A_286 : memref<1x2x64xi32, #tpu.memory_space<hbm>> -> memref<2x64xi32, #tpu.memory_space<hbm>>
          %dma_start3A_288 = arith.constant 0 : i32
          %dma_start3A_289 = arith.constant 0 : i32
          %dma_start3A_290 = arith.constant 0 : i32
          %dma_start3A_291 = tpu.memref_slice %arg3[%add3A, %dma_start3A_288, %dma_start3A_289, %dma_start3A_290] : memref<32x157x2x64xi32, #tpu.memory_space<hbm>> -> memref<1x157x2x64xi32, #tpu.memory_space<hbm>>
          %dma_start3A_292 = tpu.memref_squeeze %dma_start3A_291 : memref<1x157x2x64xi32, #tpu.memory_space<hbm>> -> memref<157x2x64xi32, #tpu.memory_space<hbm>>
          %dma_start3A_293 = arith.constant 0 : i32
          %dma_start3A_294 = arith.constant 0 : i32
          %dma_start3A_295 = tpu.memref_slice %dma_start3A_292[%add3A_278, %dma_start3A_293, %dma_start3A_294] : memref<157x2x64xi32, #tpu.memory_space<hbm>> -> memref<1x2x64xi32, #tpu.memory_space<hbm>>
          %dma_start3A_296 = tpu.memref_squeeze %dma_start3A_295 : memref<1x2x64xi32, #tpu.memory_space<hbm>> -> memref<2x64xi32, #tpu.memory_space<hbm>>
          tpu.enqueue_dma source(%dma_start3A_296 : memref<2x64xi32, #tpu.memory_space<hbm>>) target(%arg6 : memref<2x64xi32, #tpu.memory_space<vmem>>) target_semaphore(%arg21 : memref<!tpu.dma_semaphore, #tpu.memory_space<semaphore_mem>>)
        } else {
        }
      } else {
      }
      %add3A_228 = arith.constant 1 : i32
      %add3A_229 = arith.addi %add3A_223, %add3A_228 : i32
      %lt3A_230 = arith.constant 157 : i32
      %lt3A_231 = arith.cmpi slt, %add3A_229, %lt3A_230 : i32
      %convert_element_type3A_232 = arith.extui %lt3A_231 : i1 to i32
      %cond3A_233 = arith.constant 0 : i32
      %cond3A_234 = arith.cmpi ne, %convert_element_type3A_232, %cond3A_233 : i32
      scf.if %cond3A_234 {
        %add3A_256 = arith.constant 4 : i32
        %add3A_257 = arith.addi %add3A_229, %add3A_256 : i32
        %lt3A_258 = arith.constant 157 : i32
        %lt3A_259 = arith.cmpi slt, %add3A_257, %lt3A_258 : i32
        %convert_element_type3A_260 = arith.extui %lt3A_259 : i1 to i32
        %cond3A_261 = arith.constant 0 : i32
        %cond3A_262 = arith.cmpi ne, %convert_element_type3A_260, %cond3A_261 : i32
        scf.if %cond3A_262 {
          %add3A_277 = arith.constant 4 : i32
          %add3A_278 = arith.addi %add3A_229, %add3A_277 : i32
          %dma_wait3A_279 = arith.constant 0 : i32
          %dma_wait3A_280 = arith.constant 0 : i32
          %dma_wait3A_281 = arith.constant 0 : i32
          %dma_wait3A_282 = tpu.memref_slice %arg3[%add3A, %dma_wait3A_279, %dma_wait3A_280, %dma_wait3A_281] : memref<32x157x2x64xi32, #tpu.memory_space<hbm>> -> memref<1x157x2x64xi32, #tpu.memory_space<hbm>>
          %dma_wait3A_283 = tpu.memref_squeeze %dma_wait3A_282 : memref<1x157x2x64xi32, #tpu.memory_space<hbm>> -> memref<157x2x64xi32, #tpu.memory_space<hbm>>
          %dma_wait3A_284 = arith.constant 0 : i32
          %dma_wait3A_285 = arith.constant 0 : i32
          %dma_wait3A_286 = tpu.memref_slice %dma_wait3A_283[%add3A_278, %dma_wait3A_284, %dma_wait3A_285] : memref<157x2x64xi32, #tpu.memory_space<hbm>> -> memref<1x2x64xi32, #tpu.memory_space<hbm>>
          %dma_wait3A_287 = tpu.memref_squeeze %dma_wait3A_286 : memref<1x2x64xi32, #tpu.memory_space<hbm>> -> memref<2x64xi32, #tpu.memory_space<hbm>>
          %dma_wait3A_288 = arith.constant 0 : i32
          %dma_wait3A_289 = arith.constant 0 : i32
          %dma_wait3A_290 = arith.constant 0 : i32
          %dma_wait3A_291 = tpu.memref_slice %arg3[%add3A, %dma_wait3A_288, %dma_wait3A_289, %dma_wait3A_290] : memref<32x157x2x64xi32, #tpu.memory_space<hbm>> -> memref<1x157x2x64xi32, #tpu.memory_space<hbm>>
          %dma_wait3A_292 = tpu.memref_squeeze %dma_wait3A_291 : memref<1x157x2x64xi32, #tpu.memory_space<hbm>> -> memref<157x2x64xi32, #tpu.memory_space<hbm>>
          %dma_wait3A_293 = arith.constant 0 : i32
          %dma_wait3A_294 = arith.constant 0 : i32
          %dma_wait3A_295 = tpu.memref_slice %dma_wait3A_292[%add3A_278, %dma_wait3A_293, %dma_wait3A_294] : memref<157x2x64xi32, #tpu.memory_space<hbm>> -> memref<1x2x64xi32, #tpu.memory_space<hbm>>
          %dma_wait3A_296 = tpu.memref_squeeze %dma_wait3A_295 : memref<1x2x64xi32, #tpu.memory_space<hbm>> -> memref<2x64xi32, #tpu.memory_space<hbm>>
          tpu.wait_dma2 semaphore(%arg21 : memref<!tpu.dma_semaphore, #tpu.memory_space<semaphore_mem>>) src(%dma_wait3A_296 : memref<2x64xi32, #tpu.memory_space<hbm>>) dst(%arg6 : memref<2x64xi32, #tpu.memory_space<vmem>>)
          %dma_start3A_297 = arith.constant 0 : i32
          %dma_start3A_298 = arith.constant 0 : i32
          %dma_start3A_299 = tpu.memref_slice %arg6[%dma_start3A_297, %dma_start3A_298] : memref<2x64xi32, #tpu.memory_space<vmem>> -> memref<1x64xi32, #tpu.memory_space<vmem>>
          %dma_start3A_300 = tpu.memref_squeeze %dma_start3A_299 : memref<1x64xi32, #tpu.memory_space<vmem>> -> memref<64xi32, #tpu.memory_space<vmem>>
          %dma_start3A_301 = arith.constant 0 : i32
          %dma_start3A_302 = arith.constant 0 : i32
          %dma_start3A_303 = tpu.memref_slice %arg2[%dma_start3A_301, %dma_start3A_302] : memref<10000x128xf32, #tpu.memory_space<hbm>> -> memref<10000x128xf32, #tpu.memory_space<hbm>>
          tpu.enqueue_indirect_dma source(%dma_start3A_303 : memref<10000x128xf32, #tpu.memory_space<hbm>>) target(%arg11 : memref<64x128xf32, #tpu.memory_space<vmem>>) offsets(%dma_start3A_300 : memref<64xi32, #tpu.memory_space<vmem>>) semaphore(%arg16 : memref<!tpu.dma_semaphore, #tpu.memory_space<semaphore_mem>>)
        } else {
        }
        %dma_wait3A_263 = arith.constant 0 : i32
        %dma_wait3A_264 = arith.constant 0 : i32
        %dma_wait3A_265 = tpu.memref_slice %arg7[%dma_wait3A_263, %dma_wait3A_264] : memref<2x64xi32, #tpu.memory_space<vmem>> -> memref<1x64xi32, #tpu.memory_space<vmem>>
        %dma_wait3A_266 = tpu.memref_squeeze %dma_wait3A_265 : memref<1x64xi32, #tpu.memory_space<vmem>> -> memref<64xi32, #tpu.memory_space<vmem>>
        %dma_wait3A_267 = arith.constant 0 : i32
        %dma_wait3A_268 = arith.constant 0 : i32
        %dma_wait3A_269 = tpu.memref_slice %arg2[%dma_wait3A_267, %dma_wait3A_268] : memref<10000x128xf32, #tpu.memory_space<hbm>> -> memref<10000x128xf32, #tpu.memory_space<hbm>>
        tpu.wait_indirect_dma semaphore(%arg17 : memref<!tpu.dma_semaphore, #tpu.memory_space<semaphore_mem>>) src(%dma_wait3A_269 : memref<10000x128xf32, #tpu.memory_space<hbm>>) dst(%arg12 : memref<64x128xf32, #tpu.memory_space<vmem>>)
        %run_scoped3A = arith.constant 1 : i32
        "tpu.region"() ({
          %run_scoped3A_277 = tpu.sem_alloc : memref<!tpu.dma_semaphore, #tpu.memory_space<semaphore_mem>>
          %dma_start3A_278 = arith.constant 0 : i32
          %dma_start3A_279 = tpu.memref_slice %arg7[%run_scoped3A, %dma_start3A_278] : memref<2x64xi32, #tpu.memory_space<vmem>> -> memref<1x64xi32, #tpu.memory_space<vmem>>
          %dma_start3A_280 = tpu.memref_squeeze %dma_start3A_279 : memref<1x64xi32, #tpu.memory_space<vmem>> -> memref<64xi32, #tpu.memory_space<vmem>>
          %dma_start3A_281 = arith.constant 0 : i32
          %dma_start3A_282 = arith.constant 0 : i32
          %dma_start3A_283 = tpu.memref_slice %arg5[%dma_start3A_281, %dma_start3A_282] : memref<10240x128xf32, #tpu.memory_space<vmem_shared>> -> memref<10240x128xf32, #tpu.memory_space<vmem_shared>>
          tpu.enqueue_indirect_dma source(%arg12 : memref<64x128xf32, #tpu.memory_space<vmem>>) target(%dma_start3A_283 : memref<10240x128xf32, #tpu.memory_space<vmem_shared>>) offsets(%dma_start3A_280 : memref<64xi32, #tpu.memory_space<vmem>>) semaphore(%run_scoped3A_277 : memref<!tpu.dma_semaphore, #tpu.memory_space<semaphore_mem>>) {add = true}
          %dma_wait3A_284 = arith.constant 0 : i32
          %dma_wait3A_285 = tpu.memref_slice %arg7[%run_scoped3A, %dma_wait3A_284] : memref<2x64xi32, #tpu.memory_space<vmem>> -> memref<1x64xi32, #tpu.memory_space<vmem>>
          %dma_wait3A_286 = tpu.memref_squeeze %dma_wait3A_285 : memref<1x64xi32, #tpu.memory_space<vmem>> -> memref<64xi32, #tpu.memory_space<vmem>>
          %dma_wait3A_287 = arith.constant 0 : i32
          %dma_wait3A_288 = arith.constant 0 : i32
          %dma_wait3A_289 = tpu.memref_slice %arg5[%dma_wait3A_287, %dma_wait3A_288] : memref<10240x128xf32, #tpu.memory_space<vmem_shared>> -> memref<10240x128xf32, #tpu.memory_space<vmem_shared>>
          tpu.wait_indirect_dma semaphore(%run_scoped3A_277 : memref<!tpu.dma_semaphore, #tpu.memory_space<semaphore_mem>>) src(%arg12 : memref<64x128xf32, #tpu.memory_space<vmem>>) dst(%dma_wait3A_289 : memref<10240x128xf32, #tpu.memory_space<vmem_shared>>)
          tpu.yield
        }) : () -> ()
        %add3A_270 = arith.constant 5 : i32
        %add3A_271 = arith.addi %add3A_229, %add3A_270 : i32
        %lt3A_272 = arith.constant 157 : i32
        %lt3A_273 = arith.cmpi slt, %add3A_271, %lt3A_272 : i32
        %convert_element_type3A_274 = arith.extui %lt3A_273 : i1 to i32
        %cond3A_275 = arith.constant 0 : i32
        %cond3A_276 = arith.cmpi ne, %convert_element_type3A_274, %cond3A_275 : i32
        scf.if %cond3A_276 {
          %add3A_277 = arith.constant 5 : i32
          %add3A_278 = arith.addi %add3A_229, %add3A_277 : i32
          %dma_start3A_279 = arith.constant 0 : i32
          %dma_start3A_280 = arith.constant 0 : i32
          %dma_start3A_281 = arith.constant 0 : i32
          %dma_start3A_282 = tpu.memref_slice %arg3[%add3A, %dma_start3A_279, %dma_start3A_280, %dma_start3A_281] : memref<32x157x2x64xi32, #tpu.memory_space<hbm>> -> memref<1x157x2x64xi32, #tpu.memory_space<hbm>>
          %dma_start3A_283 = tpu.memref_squeeze %dma_start3A_282 : memref<1x157x2x64xi32, #tpu.memory_space<hbm>> -> memref<157x2x64xi32, #tpu.memory_space<hbm>>
          %dma_start3A_284 = arith.constant 0 : i32
          %dma_start3A_285 = arith.constant 0 : i32
          %dma_start3A_286 = tpu.memref_slice %dma_start3A_283[%add3A_278, %dma_start3A_284, %dma_start3A_285] : memref<157x2x64xi32, #tpu.memory_space<hbm>> -> memref<1x2x64xi32, #tpu.memory_space<hbm>>
          %dma_start3A_287 = tpu.memref_squeeze %dma_start3A_286 : memref<1x2x64xi32, #tpu.memory_space<hbm>> -> memref<2x64xi32, #tpu.memory_space<hbm>>
          %dma_start3A_288 = arith.constant 0 : i32
          %dma_start3A_289 = arith.constant 0 : i32
          %dma_start3A_290 = arith.constant 0 : i32
          %dma_start3A_291 = tpu.memref_slice %arg3[%add3A, %dma_start3A_288, %dma_start3A_289, %dma_start3A_290] : memref<32x157x2x64xi32, #tpu.memory_space<hbm>> -> memref<1x157x2x64xi32, #tpu.memory_space<hbm>>
          %dma_start3A_292 = tpu.memref_squeeze %dma_start3A_291 : memref<1x157x2x64xi32, #tpu.memory_space<hbm>> -> memref<157x2x64xi32, #tpu.memory_space<hbm>>
          %dma_start3A_293 = arith.constant 0 : i32
          %dma_start3A_294 = arith.constant 0 : i32
          %dma_start3A_295 = tpu.memref_slice %dma_start3A_292[%add3A_278, %dma_start3A_293, %dma_start3A_294] : memref<157x2x64xi32, #tpu.memory_space<hbm>> -> memref<1x2x64xi32, #tpu.memory_space<hbm>>
          %dma_start3A_296 = tpu.memref_squeeze %dma_start3A_295 : memref<1x2x64xi32, #tpu.memory_space<hbm>> -> memref<2x64xi32, #tpu.memory_space<hbm>>
          tpu.enqueue_dma source(%dma_start3A_296 : memref<2x64xi32, #tpu.memory_space<hbm>>) target(%arg7 : memref<2x64xi32, #tpu.memory_space<vmem>>) target_semaphore(%arg22 : memref<!tpu.dma_semaphore, #tpu.memory_space<semaphore_mem>>)
        } else {
        }
      } else {
      }
      %add3A_235 = arith.constant 2 : i32
      %add3A_236 = arith.addi %add3A_223, %add3A_235 : i32
      %lt3A_237 = arith.constant 157 : i32
      %lt3A_238 = arith.cmpi slt, %add3A_236, %lt3A_237 : i32
      %convert_element_type3A_239 = arith.extui %lt3A_238 : i1 to i32
      %cond3A_240 = arith.constant 0 : i32
      %cond3A_241 = arith.cmpi ne, %convert_element_type3A_239, %cond3A_240 : i32
      scf.if %cond3A_241 {
        %add3A_256 = arith.constant 4 : i32
        %add3A_257 = arith.addi %add3A_236, %add3A_256 : i32
        %lt3A_258 = arith.constant 157 : i32
        %lt3A_259 = arith.cmpi slt, %add3A_257, %lt3A_258 : i32
        %convert_element_type3A_260 = arith.extui %lt3A_259 : i1 to i32
        %cond3A_261 = arith.constant 0 : i32
        %cond3A_262 = arith.cmpi ne, %convert_element_type3A_260, %cond3A_261 : i32
        scf.if %cond3A_262 {
          %add3A_277 = arith.constant 4 : i32
          %add3A_278 = arith.addi %add3A_236, %add3A_277 : i32
          %dma_wait3A_279 = arith.constant 0 : i32
          %dma_wait3A_280 = arith.constant 0 : i32
          %dma_wait3A_281 = arith.constant 0 : i32
          %dma_wait3A_282 = tpu.memref_slice %arg3[%add3A, %dma_wait3A_279, %dma_wait3A_280, %dma_wait3A_281] : memref<32x157x2x64xi32, #tpu.memory_space<hbm>> -> memref<1x157x2x64xi32, #tpu.memory_space<hbm>>
          %dma_wait3A_283 = tpu.memref_squeeze %dma_wait3A_282 : memref<1x157x2x64xi32, #tpu.memory_space<hbm>> -> memref<157x2x64xi32, #tpu.memory_space<hbm>>
          %dma_wait3A_284 = arith.constant 0 : i32
          %dma_wait3A_285 = arith.constant 0 : i32
          %dma_wait3A_286 = tpu.memref_slice %dma_wait3A_283[%add3A_278, %dma_wait3A_284, %dma_wait3A_285] : memref<157x2x64xi32, #tpu.memory_space<hbm>> -> memref<1x2x64xi32, #tpu.memory_space<hbm>>
          %dma_wait3A_287 = tpu.memref_squeeze %dma_wait3A_286 : memref<1x2x64xi32, #tpu.memory_space<hbm>> -> memref<2x64xi32, #tpu.memory_space<hbm>>
          %dma_wait3A_288 = arith.constant 0 : i32
          %dma_wait3A_289 = arith.constant 0 : i32
          %dma_wait3A_290 = arith.constant 0 : i32
          %dma_wait3A_291 = tpu.memref_slice %arg3[%add3A, %dma_wait3A_288, %dma_wait3A_289, %dma_wait3A_290] : memref<32x157x2x64xi32, #tpu.memory_space<hbm>> -> memref<1x157x2x64xi32, #tpu.memory_space<hbm>>
          %dma_wait3A_292 = tpu.memref_squeeze %dma_wait3A_291 : memref<1x157x2x64xi32, #tpu.memory_space<hbm>> -> memref<157x2x64xi32, #tpu.memory_space<hbm>>
          %dma_wait3A_293 = arith.constant 0 : i32
          %dma_wait3A_294 = arith.constant 0 : i32
          %dma_wait3A_295 = tpu.memref_slice %dma_wait3A_292[%add3A_278, %dma_wait3A_293, %dma_wait3A_294] : memref<157x2x64xi32, #tpu.memory_space<hbm>> -> memref<1x2x64xi32, #tpu.memory_space<hbm>>
          %dma_wait3A_296 = tpu.memref_squeeze %dma_wait3A_295 : memref<1x2x64xi32, #tpu.memory_space<hbm>> -> memref<2x64xi32, #tpu.memory_space<hbm>>
          tpu.wait_dma2 semaphore(%arg22 : memref<!tpu.dma_semaphore, #tpu.memory_space<semaphore_mem>>) src(%dma_wait3A_296 : memref<2x64xi32, #tpu.memory_space<hbm>>) dst(%arg7 : memref<2x64xi32, #tpu.memory_space<vmem>>)
          %dma_start3A_297 = arith.constant 0 : i32
          %dma_start3A_298 = arith.constant 0 : i32
          %dma_start3A_299 = tpu.memref_slice %arg7[%dma_start3A_297, %dma_start3A_298] : memref<2x64xi32, #tpu.memory_space<vmem>> -> memref<1x64xi32, #tpu.memory_space<vmem>>
          %dma_start3A_300 = tpu.memref_squeeze %dma_start3A_299 : memref<1x64xi32, #tpu.memory_space<vmem>> -> memref<64xi32, #tpu.memory_space<vmem>>
          %dma_start3A_301 = arith.constant 0 : i32
          %dma_start3A_302 = arith.constant 0 : i32
          %dma_start3A_303 = tpu.memref_slice %arg2[%dma_start3A_301, %dma_start3A_302] : memref<10000x128xf32, #tpu.memory_space<hbm>> -> memref<10000x128xf32, #tpu.memory_space<hbm>>
          tpu.enqueue_indirect_dma source(%dma_start3A_303 : memref<10000x128xf32, #tpu.memory_space<hbm>>) target(%arg12 : memref<64x128xf32, #tpu.memory_space<vmem>>) offsets(%dma_start3A_300 : memref<64xi32, #tpu.memory_space<vmem>>) semaphore(%arg17 : memref<!tpu.dma_semaphore, #tpu.memory_space<semaphore_mem>>)
        } else {
        }
        %dma_wait3A_263 = arith.constant 0 : i32
        %dma_wait3A_264 = arith.constant 0 : i32
        %dma_wait3A_265 = tpu.memref_slice %arg8[%dma_wait3A_263, %dma_wait3A_264] : memref<2x64xi32, #tpu.memory_space<vmem>> -> memref<1x64xi32, #tpu.memory_space<vmem>>
        %dma_wait3A_266 = tpu.memref_squeeze %dma_wait3A_265 : memref<1x64xi32, #tpu.memory_space<vmem>> -> memref<64xi32, #tpu.memory_space<vmem>>
        %dma_wait3A_267 = arith.constant 0 : i32
        %dma_wait3A_268 = arith.constant 0 : i32
        %dma_wait3A_269 = tpu.memref_slice %arg2[%dma_wait3A_267, %dma_wait3A_268] : memref<10000x128xf32, #tpu.memory_space<hbm>> -> memref<10000x128xf32, #tpu.memory_space<hbm>>
        tpu.wait_indirect_dma semaphore(%arg18 : memref<!tpu.dma_semaphore, #tpu.memory_space<semaphore_mem>>) src(%dma_wait3A_269 : memref<10000x128xf32, #tpu.memory_space<hbm>>) dst(%arg13 : memref<64x128xf32, #tpu.memory_space<vmem>>)
        %run_scoped3A = arith.constant 1 : i32
        "tpu.region"() ({
          %run_scoped3A_277 = tpu.sem_alloc : memref<!tpu.dma_semaphore, #tpu.memory_space<semaphore_mem>>
          %dma_start3A_278 = arith.constant 0 : i32
          %dma_start3A_279 = tpu.memref_slice %arg8[%run_scoped3A, %dma_start3A_278] : memref<2x64xi32, #tpu.memory_space<vmem>> -> memref<1x64xi32, #tpu.memory_space<vmem>>
          %dma_start3A_280 = tpu.memref_squeeze %dma_start3A_279 : memref<1x64xi32, #tpu.memory_space<vmem>> -> memref<64xi32, #tpu.memory_space<vmem>>
          %dma_start3A_281 = arith.constant 0 : i32
          %dma_start3A_282 = arith.constant 0 : i32
          %dma_start3A_283 = tpu.memref_slice %arg5[%dma_start3A_281, %dma_start3A_282] : memref<10240x128xf32, #tpu.memory_space<vmem_shared>> -> memref<10240x128xf32, #tpu.memory_space<vmem_shared>>
          tpu.enqueue_indirect_dma source(%arg13 : memref<64x128xf32, #tpu.memory_space<vmem>>) target(%dma_start3A_283 : memref<10240x128xf32, #tpu.memory_space<vmem_shared>>) offsets(%dma_start3A_280 : memref<64xi32, #tpu.memory_space<vmem>>) semaphore(%run_scoped3A_277 : memref<!tpu.dma_semaphore, #tpu.memory_space<semaphore_mem>>) {add = true}
          %dma_wait3A_284 = arith.constant 0 : i32
          %dma_wait3A_285 = tpu.memref_slice %arg8[%run_scoped3A, %dma_wait3A_284] : memref<2x64xi32, #tpu.memory_space<vmem>> -> memref<1x64xi32, #tpu.memory_space<vmem>>
          %dma_wait3A_286 = tpu.memref_squeeze %dma_wait3A_285 : memref<1x64xi32, #tpu.memory_space<vmem>> -> memref<64xi32, #tpu.memory_space<vmem>>
          %dma_wait3A_287 = arith.constant 0 : i32
          %dma_wait3A_288 = arith.constant 0 : i32
          %dma_wait3A_289 = tpu.memref_slice %arg5[%dma_wait3A_287, %dma_wait3A_288] : memref<10240x128xf32, #tpu.memory_space<vmem_shared>> -> memref<10240x128xf32, #tpu.memory_space<vmem_shared>>
          tpu.wait_indirect_dma semaphore(%run_scoped3A_277 : memref<!tpu.dma_semaphore, #tpu.memory_space<semaphore_mem>>) src(%arg13 : memref<64x128xf32, #tpu.memory_space<vmem>>) dst(%dma_wait3A_289 : memref<10240x128xf32, #tpu.memory_space<vmem_shared>>)
          tpu.yield
        }) : () -> ()
        %add3A_270 = arith.constant 5 : i32
        %add3A_271 = arith.addi %add3A_236, %add3A_270 : i32
        %lt3A_272 = arith.constant 157 : i32
        %lt3A_273 = arith.cmpi slt, %add3A_271, %lt3A_272 : i32
        %convert_element_type3A_274 = arith.extui %lt3A_273 : i1 to i32
        %cond3A_275 = arith.constant 0 : i32
        %cond3A_276 = arith.cmpi ne, %convert_element_type3A_274, %cond3A_275 : i32
        scf.if %cond3A_276 {
          %add3A_277 = arith.constant 5 : i32
          %add3A_278 = arith.addi %add3A_236, %add3A_277 : i32
          %dma_start3A_279 = arith.constant 0 : i32
          %dma_start3A_280 = arith.constant 0 : i32
          %dma_start3A_281 = arith.constant 0 : i32
          %dma_start3A_282 = tpu.memref_slice %arg3[%add3A, %dma_start3A_279, %dma_start3A_280, %dma_start3A_281] : memref<32x157x2x64xi32, #tpu.memory_space<hbm>> -> memref<1x157x2x64xi32, #tpu.memory_space<hbm>>
          %dma_start3A_283 = tpu.memref_squeeze %dma_start3A_282 : memref<1x157x2x64xi32, #tpu.memory_space<hbm>> -> memref<157x2x64xi32, #tpu.memory_space<hbm>>
          %dma_start3A_284 = arith.constant 0 : i32
          %dma_start3A_285 = arith.constant 0 : i32
          %dma_start3A_286 = tpu.memref_slice %dma_start3A_283[%add3A_278, %dma_start3A_284, %dma_start3A_285] : memref<157x2x64xi32, #tpu.memory_space<hbm>> -> memref<1x2x64xi32, #tpu.memory_space<hbm>>
          %dma_start3A_287 = tpu.memref_squeeze %dma_start3A_286 : memref<1x2x64xi32, #tpu.memory_space<hbm>> -> memref<2x64xi32, #tpu.memory_space<hbm>>
          %dma_start3A_288 = arith.constant 0 : i32
          %dma_start3A_289 = arith.constant 0 : i32
          %dma_start3A_290 = arith.constant 0 : i32
          %dma_start3A_291 = tpu.memref_slice %arg3[%add3A, %dma_start3A_288, %dma_start3A_289, %dma_start3A_290] : memref<32x157x2x64xi32, #tpu.memory_space<hbm>> -> memref<1x157x2x64xi32, #tpu.memory_space<hbm>>
          %dma_start3A_292 = tpu.memref_squeeze %dma_start3A_291 : memref<1x157x2x64xi32, #tpu.memory_space<hbm>> -> memref<157x2x64xi32, #tpu.memory_space<hbm>>
          %dma_start3A_293 = arith.constant 0 : i32
          %dma_start3A_294 = arith.constant 0 : i32
          %dma_start3A_295 = tpu.memref_slice %dma_start3A_292[%add3A_278, %dma_start3A_293, %dma_start3A_294] : memref<157x2x64xi32, #tpu.memory_space<hbm>> -> memref<1x2x64xi32, #tpu.memory_space<hbm>>
          %dma_start3A_296 = tpu.memref_squeeze %dma_start3A_295 : memref<1x2x64xi32, #tpu.memory_space<hbm>> -> memref<2x64xi32, #tpu.memory_space<hbm>>
          tpu.enqueue_dma source(%dma_start3A_296 : memref<2x64xi32, #tpu.memory_space<hbm>>) target(%arg8 : memref<2x64xi32, #tpu.memory_space<vmem>>) target_semaphore(%arg23 : memref<!tpu.dma_semaphore, #tpu.memory_space<semaphore_mem>>)
        } else {
        }
      } else {
      }
      %add3A_242 = arith.constant 3 : i32
      %add3A_243 = arith.addi %add3A_223, %add3A_242 : i32
      %lt3A_244 = arith.constant 157 : i32
      %lt3A_245 = arith.cmpi slt, %add3A_243, %lt3A_244 : i32
      %convert_element_type3A_246 = arith.extui %lt3A_245 : i1 to i32
      %cond3A_247 = arith.constant 0 : i32
      %cond3A_248 = arith.cmpi ne, %convert_element_type3A_246, %cond3A_247 : i32
      scf.if %cond3A_248 {
        %add3A_256 = arith.constant 4 : i32
        %add3A_257 = arith.addi %add3A_243, %add3A_256 : i32
        %lt3A_258 = arith.constant 157 : i32
        %lt3A_259 = arith.cmpi slt, %add3A_257, %lt3A_258 : i32
        %convert_element_type3A_260 = arith.extui %lt3A_259 : i1 to i32
        %cond3A_261 = arith.constant 0 : i32
        %cond3A_262 = arith.cmpi ne, %convert_element_type3A_260, %cond3A_261 : i32
        scf.if %cond3A_262 {
          %add3A_277 = arith.constant 4 : i32
          %add3A_278 = arith.addi %add3A_243, %add3A_277 : i32
          %dma_wait3A_279 = arith.constant 0 : i32
          %dma_wait3A_280 = arith.constant 0 : i32
          %dma_wait3A_281 = arith.constant 0 : i32
          %dma_wait3A_282 = tpu.memref_slice %arg3[%add3A, %dma_wait3A_279, %dma_wait3A_280, %dma_wait3A_281] : memref<32x157x2x64xi32, #tpu.memory_space<hbm>> -> memref<1x157x2x64xi32, #tpu.memory_space<hbm>>
          %dma_wait3A_283 = tpu.memref_squeeze %dma_wait3A_282 : memref<1x157x2x64xi32, #tpu.memory_space<hbm>> -> memref<157x2x64xi32, #tpu.memory_space<hbm>>
          %dma_wait3A_284 = arith.constant 0 : i32
          %dma_wait3A_285 = arith.constant 0 : i32
          %dma_wait3A_286 = tpu.memref_slice %dma_wait3A_283[%add3A_278, %dma_wait3A_284, %dma_wait3A_285] : memref<157x2x64xi32, #tpu.memory_space<hbm>> -> memref<1x2x64xi32, #tpu.memory_space<hbm>>
          %dma_wait3A_287 = tpu.memref_squeeze %dma_wait3A_286 : memref<1x2x64xi32, #tpu.memory_space<hbm>> -> memref<2x64xi32, #tpu.memory_space<hbm>>
          %dma_wait3A_288 = arith.constant 0 : i32
          %dma_wait3A_289 = arith.constant 0 : i32
          %dma_wait3A_290 = arith.constant 0 : i32
          %dma_wait3A_291 = tpu.memref_slice %arg3[%add3A, %dma_wait3A_288, %dma_wait3A_289, %dma_wait3A_290] : memref<32x157x2x64xi32, #tpu.memory_space<hbm>> -> memref<1x157x2x64xi32, #tpu.memory_space<hbm>>
          %dma_wait3A_292 = tpu.memref_squeeze %dma_wait3A_291 : memref<1x157x2x64xi32, #tpu.memory_space<hbm>> -> memref<157x2x64xi32, #tpu.memory_space<hbm>>
          %dma_wait3A_293 = arith.constant 0 : i32
          %dma_wait3A_294 = arith.constant 0 : i32
          %dma_wait3A_295 = tpu.memref_slice %dma_wait3A_292[%add3A_278, %dma_wait3A_293, %dma_wait3A_294] : memref<157x2x64xi32, #tpu.memory_space<hbm>> -> memref<1x2x64xi32, #tpu.memory_space<hbm>>
          %dma_wait3A_296 = tpu.memref_squeeze %dma_wait3A_295 : memref<1x2x64xi32, #tpu.memory_space<hbm>> -> memref<2x64xi32, #tpu.memory_space<hbm>>
          tpu.wait_dma2 semaphore(%arg23 : memref<!tpu.dma_semaphore, #tpu.memory_space<semaphore_mem>>) src(%dma_wait3A_296 : memref<2x64xi32, #tpu.memory_space<hbm>>) dst(%arg8 : memref<2x64xi32, #tpu.memory_space<vmem>>)
          %dma_start3A_297 = arith.constant 0 : i32
          %dma_start3A_298 = arith.constant 0 : i32
          %dma_start3A_299 = tpu.memref_slice %arg8[%dma_start3A_297, %dma_start3A_298] : memref<2x64xi32, #tpu.memory_space<vmem>> -> memref<1x64xi32, #tpu.memory_space<vmem>>
          %dma_start3A_300 = tpu.memref_squeeze %dma_start3A_299 : memref<1x64xi32, #tpu.memory_space<vmem>> -> memref<64xi32, #tpu.memory_space<vmem>>
          %dma_start3A_301 = arith.constant 0 : i32
          %dma_start3A_302 = arith.constant 0 : i32
          %dma_start3A_303 = tpu.memref_slice %arg2[%dma_start3A_301, %dma_start3A_302] : memref<10000x128xf32, #tpu.memory_space<hbm>> -> memref<10000x128xf32, #tpu.memory_space<hbm>>
          tpu.enqueue_indirect_dma source(%dma_start3A_303 : memref<10000x128xf32, #tpu.memory_space<hbm>>) target(%arg13 : memref<64x128xf32, #tpu.memory_space<vmem>>) offsets(%dma_start3A_300 : memref<64xi32, #tpu.memory_space<vmem>>) semaphore(%arg18 : memref<!tpu.dma_semaphore, #tpu.memory_space<semaphore_mem>>)
        } else {
        }
        %dma_wait3A_263 = arith.constant 0 : i32
        %dma_wait3A_264 = arith.constant 0 : i32
        %dma_wait3A_265 = tpu.memref_slice %arg9[%dma_wait3A_263, %dma_wait3A_264] : memref<2x64xi32, #tpu.memory_space<vmem>> -> memref<1x64xi32, #tpu.memory_space<vmem>>
        %dma_wait3A_266 = tpu.memref_squeeze %dma_wait3A_265 : memref<1x64xi32, #tpu.memory_space<vmem>> -> memref<64xi32, #tpu.memory_space<vmem>>
        %dma_wait3A_267 = arith.constant 0 : i32
        %dma_wait3A_268 = arith.constant 0 : i32
        %dma_wait3A_269 = tpu.memref_slice %arg2[%dma_wait3A_267, %dma_wait3A_268] : memref<10000x128xf32, #tpu.memory_space<hbm>> -> memref<10000x128xf32, #tpu.memory_space<hbm>>
        tpu.wait_indirect_dma semaphore(%arg19 : memref<!tpu.dma_semaphore, #tpu.memory_space<semaphore_mem>>) src(%dma_wait3A_269 : memref<10000x128xf32, #tpu.memory_space<hbm>>) dst(%arg14 : memref<64x128xf32, #tpu.memory_space<vmem>>)
        %run_scoped3A = arith.constant 1 : i32
        "tpu.region"() ({
          %run_scoped3A_277 = tpu.sem_alloc : memref<!tpu.dma_semaphore, #tpu.memory_space<semaphore_mem>>
          %dma_start3A_278 = arith.constant 0 : i32
          %dma_start3A_279 = tpu.memref_slice %arg9[%run_scoped3A, %dma_start3A_278] : memref<2x64xi32, #tpu.memory_space<vmem>> -> memref<1x64xi32, #tpu.memory_space<vmem>>
          %dma_start3A_280 = tpu.memref_squeeze %dma_start3A_279 : memref<1x64xi32, #tpu.memory_space<vmem>> -> memref<64xi32, #tpu.memory_space<vmem>>
          %dma_start3A_281 = arith.constant 0 : i32
          %dma_start3A_282 = arith.constant 0 : i32
          %dma_start3A_283 = tpu.memref_slice %arg5[%dma_start3A_281, %dma_start3A_282] : memref<10240x128xf32, #tpu.memory_space<vmem_shared>> -> memref<10240x128xf32, #tpu.memory_space<vmem_shared>>
          tpu.enqueue_indirect_dma source(%arg14 : memref<64x128xf32, #tpu.memory_space<vmem>>) target(%dma_start3A_283 : memref<10240x128xf32, #tpu.memory_space<vmem_shared>>) offsets(%dma_start3A_280 : memref<64xi32, #tpu.memory_space<vmem>>) semaphore(%run_scoped3A_277 : memref<!tpu.dma_semaphore, #tpu.memory_space<semaphore_mem>>) {add = true}
          %dma_wait3A_284 = arith.constant 0 : i32
          %dma_wait3A_285 = tpu.memref_slice %arg9[%run_scoped3A, %dma_wait3A_284] : memref<2x64xi32, #tpu.memory_space<vmem>> -> memref<1x64xi32, #tpu.memory_space<vmem>>
          %dma_wait3A_286 = tpu.memref_squeeze %dma_wait3A_285 : memref<1x64xi32, #tpu.memory_space<vmem>> -> memref<64xi32, #tpu.memory_space<vmem>>
          %dma_wait3A_287 = arith.constant 0 : i32
          %dma_wait3A_288 = arith.constant 0 : i32
          %dma_wait3A_289 = tpu.memref_slice %arg5[%dma_wait3A_287, %dma_wait3A_288] : memref<10240x128xf32, #tpu.memory_space<vmem_shared>> -> memref<10240x128xf32, #tpu.memory_space<vmem_shared>>
          tpu.wait_indirect_dma semaphore(%run_scoped3A_277 : memref<!tpu.dma_semaphore, #tpu.memory_space<semaphore_mem>>) src(%arg14 : memref<64x128xf32, #tpu.memory_space<vmem>>) dst(%dma_wait3A_289 : memref<10240x128xf32, #tpu.memory_space<vmem_shared>>)
          tpu.yield
        }) : () -> ()
        %add3A_270 = arith.constant 5 : i32
        %add3A_271 = arith.addi %add3A_243, %add3A_270 : i32
        %lt3A_272 = arith.constant 157 : i32
        %lt3A_273 = arith.cmpi slt, %add3A_271, %lt3A_272 : i32
        %convert_element_type3A_274 = arith.extui %lt3A_273 : i1 to i32
        %cond3A_275 = arith.constant 0 : i32
        %cond3A_276 = arith.cmpi ne, %convert_element_type3A_274, %cond3A_275 : i32
        scf.if %cond3A_276 {
          %add3A_277 = arith.constant 5 : i32
          %add3A_278 = arith.addi %add3A_243, %add3A_277 : i32
          %dma_start3A_279 = arith.constant 0 : i32
          %dma_start3A_280 = arith.constant 0 : i32
          %dma_start3A_281 = arith.constant 0 : i32
          %dma_start3A_282 = tpu.memref_slice %arg3[%add3A, %dma_start3A_279, %dma_start3A_280, %dma_start3A_281] : memref<32x157x2x64xi32, #tpu.memory_space<hbm>> -> memref<1x157x2x64xi32, #tpu.memory_space<hbm>>
          %dma_start3A_283 = tpu.memref_squeeze %dma_start3A_282 : memref<1x157x2x64xi32, #tpu.memory_space<hbm>> -> memref<157x2x64xi32, #tpu.memory_space<hbm>>
          %dma_start3A_284 = arith.constant 0 : i32
          %dma_start3A_285 = arith.constant 0 : i32
          %dma_start3A_286 = tpu.memref_slice %dma_start3A_283[%add3A_278, %dma_start3A_284, %dma_start3A_285] : memref<157x2x64xi32, #tpu.memory_space<hbm>> -> memref<1x2x64xi32, #tpu.memory_space<hbm>>
          %dma_start3A_287 = tpu.memref_squeeze %dma_start3A_286 : memref<1x2x64xi32, #tpu.memory_space<hbm>> -> memref<2x64xi32, #tpu.memory_space<hbm>>
          %dma_start3A_288 = arith.constant 0 : i32
          %dma_start3A_289 = arith.constant 0 : i32
          %dma_start3A_290 = arith.constant 0 : i32
          %dma_start3A_291 = tpu.memref_slice %arg3[%add3A, %dma_start3A_288, %dma_start3A_289, %dma_start3A_290] : memref<32x157x2x64xi32, #tpu.memory_space<hbm>> -> memref<1x157x2x64xi32, #tpu.memory_space<hbm>>
          %dma_start3A_292 = tpu.memref_squeeze %dma_start3A_291 : memref<1x157x2x64xi32, #tpu.memory_space<hbm>> -> memref<157x2x64xi32, #tpu.memory_space<hbm>>
          %dma_start3A_293 = arith.constant 0 : i32
          %dma_start3A_294 = arith.constant 0 : i32
          %dma_start3A_295 = tpu.memref_slice %dma_start3A_292[%add3A_278, %dma_start3A_293, %dma_start3A_294] : memref<157x2x64xi32, #tpu.memory_space<hbm>> -> memref<1x2x64xi32, #tpu.memory_space<hbm>>
          %dma_start3A_296 = tpu.memref_squeeze %dma_start3A_295 : memref<1x2x64xi32, #tpu.memory_space<hbm>> -> memref<2x64xi32, #tpu.memory_space<hbm>>
          tpu.enqueue_dma source(%dma_start3A_296 : memref<2x64xi32, #tpu.memory_space<hbm>>) target(%arg9 : memref<2x64xi32, #tpu.memory_space<vmem>>) target_semaphore(%arg24 : memref<!tpu.dma_semaphore, #tpu.memory_space<semaphore_mem>>)
        } else {
        }
      } else {
      }
      %add3A_249 = arith.constant 4 : i32
      %add3A_250 = arith.addi %add3A_223, %add3A_249 : i32
      %lt3A_251 = arith.constant 157 : i32
      %lt3A_252 = arith.cmpi slt, %add3A_250, %lt3A_251 : i32
      %convert_element_type3A_253 = arith.extui %lt3A_252 : i1 to i32
      %cond3A_254 = arith.constant 0 : i32
      %cond3A_255 = arith.cmpi ne, %convert_element_type3A_253, %cond3A_254 : i32
      scf.if %cond3A_255 {
        %add3A_256 = arith.constant 4 : i32
        %add3A_257 = arith.addi %add3A_250, %add3A_256 : i32
        %lt3A_258 = arith.constant 157 : i32
        %lt3A_259 = arith.cmpi slt, %add3A_257, %lt3A_258 : i32
        %convert_element_type3A_260 = arith.extui %lt3A_259 : i1 to i32
        %cond3A_261 = arith.constant 0 : i32
        %cond3A_262 = arith.cmpi ne, %convert_element_type3A_260, %cond3A_261 : i32
        scf.if %cond3A_262 {
          %add3A_277 = arith.constant 4 : i32
          %add3A_278 = arith.addi %add3A_250, %add3A_277 : i32
          %dma_wait3A_279 = arith.constant 0 : i32
          %dma_wait3A_280 = arith.constant 0 : i32
          %dma_wait3A_281 = arith.constant 0 : i32
          %dma_wait3A_282 = tpu.memref_slice %arg3[%add3A, %dma_wait3A_279, %dma_wait3A_280, %dma_wait3A_281] : memref<32x157x2x64xi32, #tpu.memory_space<hbm>> -> memref<1x157x2x64xi32, #tpu.memory_space<hbm>>
          %dma_wait3A_283 = tpu.memref_squeeze %dma_wait3A_282 : memref<1x157x2x64xi32, #tpu.memory_space<hbm>> -> memref<157x2x64xi32, #tpu.memory_space<hbm>>
          %dma_wait3A_284 = arith.constant 0 : i32
          %dma_wait3A_285 = arith.constant 0 : i32
          %dma_wait3A_286 = tpu.memref_slice %dma_wait3A_283[%add3A_278, %dma_wait3A_284, %dma_wait3A_285] : memref<157x2x64xi32, #tpu.memory_space<hbm>> -> memref<1x2x64xi32, #tpu.memory_space<hbm>>
          %dma_wait3A_287 = tpu.memref_squeeze %dma_wait3A_286 : memref<1x2x64xi32, #tpu.memory_space<hbm>> -> memref<2x64xi32, #tpu.memory_space<hbm>>
          %dma_wait3A_288 = arith.constant 0 : i32
          %dma_wait3A_289 = arith.constant 0 : i32
          %dma_wait3A_290 = arith.constant 0 : i32
          %dma_wait3A_291 = tpu.memref_slice %arg3[%add3A, %dma_wait3A_288, %dma_wait3A_289, %dma_wait3A_290] : memref<32x157x2x64xi32, #tpu.memory_space<hbm>> -> memref<1x157x2x64xi32, #tpu.memory_space<hbm>>
          %dma_wait3A_292 = tpu.memref_squeeze %dma_wait3A_291 : memref<1x157x2x64xi32, #tpu.memory_space<hbm>> -> memref<157x2x64xi32, #tpu.memory_space<hbm>>
          %dma_wait3A_293 = arith.constant 0 : i32
          %dma_wait3A_294 = arith.constant 0 : i32
          %dma_wait3A_295 = tpu.memref_slice %dma_wait3A_292[%add3A_278, %dma_wait3A_293, %dma_wait3A_294] : memref<157x2x64xi32, #tpu.memory_space<hbm>> -> memref<1x2x64xi32, #tpu.memory_space<hbm>>
          %dma_wait3A_296 = tpu.memref_squeeze %dma_wait3A_295 : memref<1x2x64xi32, #tpu.memory_space<hbm>> -> memref<2x64xi32, #tpu.memory_space<hbm>>
          tpu.wait_dma2 semaphore(%arg24 : memref<!tpu.dma_semaphore, #tpu.memory_space<semaphore_mem>>) src(%dma_wait3A_296 : memref<2x64xi32, #tpu.memory_space<hbm>>) dst(%arg9 : memref<2x64xi32, #tpu.memory_space<vmem>>)
          %dma_start3A_297 = arith.constant 0 : i32
          %dma_start3A_298 = arith.constant 0 : i32
          %dma_start3A_299 = tpu.memref_slice %arg9[%dma_start3A_297, %dma_start3A_298] : memref<2x64xi32, #tpu.memory_space<vmem>> -> memref<1x64xi32, #tpu.memory_space<vmem>>
          %dma_start3A_300 = tpu.memref_squeeze %dma_start3A_299 : memref<1x64xi32, #tpu.memory_space<vmem>> -> memref<64xi32, #tpu.memory_space<vmem>>
          %dma_start3A_301 = arith.constant 0 : i32
          %dma_start3A_302 = arith.constant 0 : i32
          %dma_start3A_303 = tpu.memref_slice %arg2[%dma_start3A_301, %dma_start3A_302] : memref<10000x128xf32, #tpu.memory_space<hbm>> -> memref<10000x128xf32, #tpu.memory_space<hbm>>
          tpu.enqueue_indirect_dma source(%dma_start3A_303 : memref<10000x128xf32, #tpu.memory_space<hbm>>) target(%arg14 : memref<64x128xf32, #tpu.memory_space<vmem>>) offsets(%dma_start3A_300 : memref<64xi32, #tpu.memory_space<vmem>>) semaphore(%arg19 : memref<!tpu.dma_semaphore, #tpu.memory_space<semaphore_mem>>)
        } else {
        }
        %dma_wait3A_263 = arith.constant 0 : i32
        %dma_wait3A_264 = arith.constant 0 : i32
        %dma_wait3A_265 = tpu.memref_slice %arg10[%dma_wait3A_263, %dma_wait3A_264] : memref<2x64xi32, #tpu.memory_space<vmem>> -> memref<1x64xi32, #tpu.memory_space<vmem>>
        %dma_wait3A_266 = tpu.memref_squeeze %dma_wait3A_265 : memref<1x64xi32, #tpu.memory_space<vmem>> -> memref<64xi32, #tpu.memory_space<vmem>>
        %dma_wait3A_267 = arith.constant 0 : i32
        %dma_wait3A_268 = arith.constant 0 : i32
        %dma_wait3A_269 = tpu.memref_slice %arg2[%dma_wait3A_267, %dma_wait3A_268] : memref<10000x128xf32, #tpu.memory_space<hbm>> -> memref<10000x128xf32, #tpu.memory_space<hbm>>
        tpu.wait_indirect_dma semaphore(%arg20 : memref<!tpu.dma_semaphore, #tpu.memory_space<semaphore_mem>>) src(%dma_wait3A_269 : memref<10000x128xf32, #tpu.memory_space<hbm>>) dst(%arg15 : memref<64x128xf32, #tpu.memory_space<vmem>>)
        %run_scoped3A = arith.constant 1 : i32
        "tpu.region"() ({
          %run_scoped3A_277 = tpu.sem_alloc : memref<!tpu.dma_semaphore, #tpu.memory_space<semaphore_mem>>
          %dma_start3A_278 = arith.constant 0 : i32
          %dma_start3A_279 = tpu.memref_slice %arg10[%run_scoped3A, %dma_start3A_278] : memref<2x64xi32, #tpu.memory_space<vmem>> -> memref<1x64xi32, #tpu.memory_space<vmem>>
          %dma_start3A_280 = tpu.memref_squeeze %dma_start3A_279 : memref<1x64xi32, #tpu.memory_space<vmem>> -> memref<64xi32, #tpu.memory_space<vmem>>
          %dma_start3A_281 = arith.constant 0 : i32
          %dma_start3A_282 = arith.constant 0 : i32
          %dma_start3A_283 = tpu.memref_slice %arg5[%dma_start3A_281, %dma_start3A_282] : memref<10240x128xf32, #tpu.memory_space<vmem_shared>> -> memref<10240x128xf32, #tpu.memory_space<vmem_shared>>
          tpu.enqueue_indirect_dma source(%arg15 : memref<64x128xf32, #tpu.memory_space<vmem>>) target(%dma_start3A_283 : memref<10240x128xf32, #tpu.memory_space<vmem_shared>>) offsets(%dma_start3A_280 : memref<64xi32, #tpu.memory_space<vmem>>) semaphore(%run_scoped3A_277 : memref<!tpu.dma_semaphore, #tpu.memory_space<semaphore_mem>>) {add = true}
          %dma_wait3A_284 = arith.constant 0 : i32
          %dma_wait3A_285 = tpu.memref_slice %arg10[%run_scoped3A, %dma_wait3A_284] : memref<2x64xi32, #tpu.memory_space<vmem>> -> memref<1x64xi32, #tpu.memory_space<vmem>>
          %dma_wait3A_286 = tpu.memref_squeeze %dma_wait3A_285 : memref<1x64xi32, #tpu.memory_space<vmem>> -> memref<64xi32, #tpu.memory_space<vmem>>
          %dma_wait3A_287 = arith.constant 0 : i32
          %dma_wait3A_288 = arith.constant 0 : i32
          %dma_wait3A_289 = tpu.memref_slice %arg5[%dma_wait3A_287, %dma_wait3A_288] : memref<10240x128xf32, #tpu.memory_space<vmem_shared>> -> memref<10240x128xf32, #tpu.memory_space<vmem_shared>>
          tpu.wait_indirect_dma semaphore(%run_scoped3A_277 : memref<!tpu.dma_semaphore, #tpu.memory_space<semaphore_mem>>) src(%arg15 : memref<64x128xf32, #tpu.memory_space<vmem>>) dst(%dma_wait3A_289 : memref<10240x128xf32, #tpu.memory_space<vmem_shared>>)
          tpu.yield
        }) : () -> ()
        %add3A_270 = arith.constant 5 : i32
        %add3A_271 = arith.addi %add3A_250, %add3A_270 : i32
        %lt3A_272 = arith.constant 157 : i32
        %lt3A_273 = arith.cmpi slt, %add3A_271, %lt3A_272 : i32
        %convert_element_type3A_274 = arith.extui %lt3A_273 : i1 to i32
        %cond3A_275 = arith.constant 0 : i32
        %cond3A_276 = arith.cmpi ne, %convert_element_type3A_274, %cond3A_275 : i32
        scf.if %cond3A_276 {
          %add3A_277 = arith.constant 5 : i32
          %add3A_278 = arith.addi %add3A_250, %add3A_277 : i32
          %dma_start3A_279 = arith.constant 0 : i32
          %dma_start3A_280 = arith.constant 0 : i32
          %dma_start3A_281 = arith.constant 0 : i32
          %dma_start3A_282 = tpu.memref_slice %arg3[%add3A, %dma_start3A_279, %dma_start3A_280, %dma_start3A_281] : memref<32x157x2x64xi32, #tpu.memory_space<hbm>> -> memref<1x157x2x64xi32, #tpu.memory_space<hbm>>
          %dma_start3A_283 = tpu.memref_squeeze %dma_start3A_282 : memref<1x157x2x64xi32, #tpu.memory_space<hbm>> -> memref<157x2x64xi32, #tpu.memory_space<hbm>>
          %dma_start3A_284 = arith.constant 0 : i32
          %dma_start3A_285 = arith.constant 0 : i32
          %dma_start3A_286 = tpu.memref_slice %dma_start3A_283[%add3A_278, %dma_start3A_284, %dma_start3A_285] : memref<157x2x64xi32, #tpu.memory_space<hbm>> -> memref<1x2x64xi32, #tpu.memory_space<hbm>>
          %dma_start3A_287 = tpu.memref_squeeze %dma_start3A_286 : memref<1x2x64xi32, #tpu.memory_space<hbm>> -> memref<2x64xi32, #tpu.memory_space<hbm>>
          %dma_start3A_288 = arith.constant 0 : i32
          %dma_start3A_289 = arith.constant 0 : i32
          %dma_start3A_290 = arith.constant 0 : i32
          %dma_start3A_291 = tpu.memref_slice %arg3[%add3A, %dma_start3A_288, %dma_start3A_289, %dma_start3A_290] : memref<32x157x2x64xi32, #tpu.memory_space<hbm>> -> memref<1x157x2x64xi32, #tpu.memory_space<hbm>>
          %dma_start3A_292 = tpu.memref_squeeze %dma_start3A_291 : memref<1x157x2x64xi32, #tpu.memory_space<hbm>> -> memref<157x2x64xi32, #tpu.memory_space<hbm>>
          %dma_start3A_293 = arith.constant 0 : i32
          %dma_start3A_294 = arith.constant 0 : i32
          %dma_start3A_295 = tpu.memref_slice %dma_start3A_292[%add3A_278, %dma_start3A_293, %dma_start3A_294] : memref<157x2x64xi32, #tpu.memory_space<hbm>> -> memref<1x2x64xi32, #tpu.memory_space<hbm>>
          %dma_start3A_296 = tpu.memref_squeeze %dma_start3A_295 : memref<1x2x64xi32, #tpu.memory_space<hbm>> -> memref<2x64xi32, #tpu.memory_space<hbm>>
          tpu.enqueue_dma source(%dma_start3A_296 : memref<2x64xi32, #tpu.memory_space<hbm>>) target(%arg10 : memref<2x64xi32, #tpu.memory_space<vmem>>) target_semaphore(%arg25 : memref<!tpu.dma_semaphore, #tpu.memory_space<semaphore_mem>>)
        } else {
        }
      } else {
      }
    }
    %scan3A_212 = arith.constant 32 : i32
    %barrier3A_213 = arith.constant 0 : index
    tpu.barrier barrier_id(%barrier3A_213)
    %scan3A_214 = arith.constant 0 : i32
    %scan3A_215 = arith.constant 10 : i32
    %scan3A_216 = arith.addi %scan3A_214, %scan3A_215 : i32
    %scan3A_217 = arith.constant 1 : i32
    scf.for %scan3A_219 = %scan3A_214 to %scan3A_216 step %scan3A_217  : i32 {
      %mul3A_220 = arith.constant 64 : i32
      %mul3A_221 = arith.muli %scan3A_219, %mul3A_220 : i32
      %add3A_222 = arith.constant 0 : i32
      %add3A_223 = arith.addi %add3A_222, %mul3A_221 : i32
      %mul3A_224 = arith.constant 640 : i32
      %mul3A_225 = arith.muli %arg1, %mul3A_224 : i32
      %add3A_226 = arith.addi %mul3A_225, %add3A_223 : i32
      "tpu.region"() ({
        %run_scoped3A = tpu.sem_alloc : memref<!tpu.dma_semaphore, #tpu.memory_space<semaphore_mem>>
        %dma_start3A_227 = arith.constant 0 : i32
        %dma_start3A_228 = tpu.memref_slice %arg5[%add3A_226, %dma_start3A_227] : memref<10240x128xf32, #tpu.memory_space<vmem_shared>> -> memref<64x128xf32, #tpu.memory_space<vmem_shared>>
        %dma_start3A_229 = arith.constant 0 : i32
        %dma_start3A_230 = tpu.memref_slice %arg5[%add3A_226, %dma_start3A_229] : memref<10240x128xf32, #tpu.memory_space<vmem_shared>> -> memref<64x128xf32, #tpu.memory_space<vmem_shared>>
        tpu.enqueue_dma source(%dma_start3A_230 : memref<64x128xf32, #tpu.memory_space<vmem_shared>>) target(%arg11 : memref<64x128xf32, #tpu.memory_space<vmem>>) target_semaphore(%run_scoped3A : memref<!tpu.dma_semaphore, #tpu.memory_space<semaphore_mem>>)
        %dma_wait3A_231 = arith.constant 0 : i32
        %dma_wait3A_232 = tpu.memref_slice %arg5[%add3A_226, %dma_wait3A_231] : memref<10240x128xf32, #tpu.memory_space<vmem_shared>> -> memref<64x128xf32, #tpu.memory_space<vmem_shared>>
        %dma_wait3A_233 = arith.constant 0 : i32
        %dma_wait3A_234 = tpu.memref_slice %arg5[%add3A_226, %dma_wait3A_233] : memref<10240x128xf32, #tpu.memory_space<vmem_shared>> -> memref<64x128xf32, #tpu.memory_space<vmem_shared>>
        tpu.wait_dma2 semaphore(%run_scoped3A : memref<!tpu.dma_semaphore, #tpu.memory_space<semaphore_mem>>) src(%dma_wait3A_234 : memref<64x128xf32, #tpu.memory_space<vmem_shared>>) dst(%arg11 : memref<64x128xf32, #tpu.memory_space<vmem>>)
        tpu.yield
      }) : () -> ()
      "tpu.region"() ({
        %run_scoped3A = tpu.sem_alloc : memref<!tpu.dma_semaphore, #tpu.memory_space<semaphore_mem>>
        %dma_start3A_227 = arith.constant 0 : i32
        %dma_start3A_228 = arith.constant 0 : i32
        %dma_start3A_229 = tpu.memref_slice %arg4[%arg0, %dma_start3A_227, %dma_start3A_228] : memref<2x10240x128xf32, #tpu.memory_space<hbm>> -> memref<1x10240x128xf32, #tpu.memory_space<hbm>>
        %dma_start3A_230 = tpu.memref_squeeze %dma_start3A_229 : memref<1x10240x128xf32, #tpu.memory_space<hbm>> -> memref<10240x128xf32, #tpu.memory_space<hbm>>
        %dma_start3A_231 = arith.constant 0 : i32
        %dma_start3A_232 = tpu.memref_slice %dma_start3A_230[%add3A_226, %dma_start3A_231] : memref<10240x128xf32, #tpu.memory_space<hbm>> -> memref<64x128xf32, #tpu.memory_space<hbm>>
        %dma_start3A_233 = arith.constant 0 : i32
        %dma_start3A_234 = arith.constant 0 : i32
        %dma_start3A_235 = tpu.memref_slice %arg4[%arg0, %dma_start3A_233, %dma_start3A_234] : memref<2x10240x128xf32, #tpu.memory_space<hbm>> -> memref<1x10240x128xf32, #tpu.memory_space<hbm>>
        %dma_start3A_236 = tpu.memref_squeeze %dma_start3A_235 : memref<1x10240x128xf32, #tpu.memory_space<hbm>> -> memref<10240x128xf32, #tpu.memory_space<hbm>>
        %dma_start3A_237 = arith.constant 0 : i32
        %dma_start3A_238 = tpu.memref_slice %dma_start3A_236[%add3A_226, %dma_start3A_237] : memref<10240x128xf32, #tpu.memory_space<hbm>> -> memref<64x128xf32, #tpu.memory_space<hbm>>
        tpu.enqueue_dma source(%arg11 : memref<64x128xf32, #tpu.memory_space<vmem>>) target(%dma_start3A_238 : memref<64x128xf32, #tpu.memory_space<hbm>>) target_semaphore(%run_scoped3A : memref<!tpu.dma_semaphore, #tpu.memory_space<semaphore_mem>>)
        %dma_wait3A_239 = arith.constant 0 : i32
        %dma_wait3A_240 = arith.constant 0 : i32
        %dma_wait3A_241 = tpu.memref_slice %arg4[%arg0, %dma_wait3A_239, %dma_wait3A_240] : memref<2x10240x128xf32, #tpu.memory_space<hbm>> -> memref<1x10240x128xf32, #tpu.memory_space<hbm>>
        %dma_wait3A_242 = tpu.memref_squeeze %dma_wait3A_241 : memref<1x10240x128xf32, #tpu.memory_space<hbm>> -> memref<10240x128xf32, #tpu.memory_space<hbm>>
        %dma_wait3A_243 = arith.constant 0 : i32
        %dma_wait3A_244 = tpu.memref_slice %dma_wait3A_242[%add3A_226, %dma_wait3A_243] : memref<10240x128xf32, #tpu.memory_space<hbm>> -> memref<64x128xf32, #tpu.memory_space<hbm>>
        %dma_wait3A_245 = arith.constant 0 : i32
        %dma_wait3A_246 = arith.constant 0 : i32
        %dma_wait3A_247 = tpu.memref_slice %arg4[%arg0, %dma_wait3A_245, %dma_wait3A_246] : memref<2x10240x128xf32, #tpu.memory_space<hbm>> -> memref<1x10240x128xf32, #tpu.memory_space<hbm>>
        %dma_wait3A_248 = tpu.memref_squeeze %dma_wait3A_247 : memref<1x10240x128xf32, #tpu.memory_space<hbm>> -> memref<10240x128xf32, #tpu.memory_space<hbm>>
        %dma_wait3A_249 = arith.constant 0 : i32
        %dma_wait3A_250 = tpu.memref_slice %dma_wait3A_248[%add3A_226, %dma_wait3A_249] : memref<10240x128xf32, #tpu.memory_space<hbm>> -> memref<64x128xf32, #tpu.memory_space<hbm>>
        tpu.wait_dma2 semaphore(%run_scoped3A : memref<!tpu.dma_semaphore, #tpu.memory_space<semaphore_mem>>) src(%arg11 : memref<64x128xf32, #tpu.memory_space<vmem>>) dst(%dma_wait3A_250 : memref<64x128xf32, #tpu.memory_space<hbm>>)
        tpu.yield
      }) : () -> ()
    }
    %scan3A_218 = arith.constant 10 : i32
    return
  }
}

module attributes {stable_mosaic.version = 14 : i64} {
  func.func @body(%arg0: i32, %arg1: memref<2048x128xf32, #tpu.memory_space<vmem>>, %arg2: memref<2x2048x128xf32, #tpu.memory_space<vmem>>, %arg3: memref<32x2048xf32, #tpu.memory_space<vmem>>, %arg4: memref<128x128xf32, #tpu.memory_space<vmem>>, %arg5: memref<128x128xf32, #tpu.memory_space<vmem>>, %arg6: memref<1x128xf32, #tpu.memory_space<vmem>>, %arg7: memref<2048x128xf32, #tpu.memory_space<vmem>>) attributes {dimension_semantics = [#tpu.dimension_semantics<arbitrary>], iteration_bounds = array<i64: 5>, scalar_prefetch = 0 : i64, scratch_operands = 0 : i64, tpu.core_type = #tpu.core_type<tc>, window_params = [{transform_indices = @transform_0, window_bounds = array<i64: 2048, 128>}, {transform_indices = @transform_1, window_bounds = array<i64: 2, 2048, 128>}, {transform_indices = @transform_2, window_bounds = array<i64: 32, 2048>}, {pipeline_mode = #tpu.pipeline_mode<synchronous>, transform_indices = @transform_3, window_bounds = array<i64: 128, 128>}, {pipeline_mode = #tpu.pipeline_mode<synchronous>, transform_indices = @transform_4, window_bounds = array<i64: 128, 128>}, {pipeline_mode = #tpu.pipeline_mode<synchronous>, transform_indices = @transform_5, window_bounds = array<i64: 1, 128>}, {transform_indices = @transform_6, window_bounds = array<i64: 2048, 128>}]} {
    %get3A = arith.constant 0 : index
    %get3A_0 = arith.constant 0 : index
    %get3A_1 = vector.load %arg3[%get3A, %get3A_0] : memref<32x2048xf32, #tpu.memory_space<vmem>>, vector<32x2048xf32>
    %reduce_sum3A = arith.constant dense<0.000000e+00> : vector<2048xf32>
    %reduce_sum3A_2 = vector.multi_reduction <add>, %get3A_1, %reduce_sum3A [0] : vector<32x2048xf32> to vector<2048xf32>
    %max3A = arith.constant 1.000000e+00 : f32
    %max3A_3 = vector.broadcast %max3A : f32 to vector<2048xf32>
    %max3A_4 = arith.maximumf %reduce_sum3A_2, %max3A_3 : vector<2048xf32>
    %get3A_5 = arith.constant 0 : index
    %get3A_6 = arith.constant 0 : index
    %get3A_7 = arith.constant 0 : index
    %get3A_8 = vector.load %arg2[%get3A_5, %get3A_6, %get3A_7] : memref<2x2048x128xf32, #tpu.memory_space<vmem>>, vector<1x2048x128xf32>
    %get3A_9 = vector.shape_cast %get3A_8 : vector<1x2048x128xf32> to vector<2048x128xf32>
    %get3A_10 = arith.constant 1 : index
    %get3A_11 = arith.constant 0 : index
    %get3A_12 = arith.constant 0 : index
    %get3A_13 = vector.load %arg2[%get3A_10, %get3A_11, %get3A_12] : memref<2x2048x128xf32, #tpu.memory_space<vmem>>, vector<1x2048x128xf32>
    %get3A_14 = vector.shape_cast %get3A_13 : vector<1x2048x128xf32> to vector<2048x128xf32>
    %add3A = arith.addf %get3A_9, %get3A_14 : vector<2048x128xf32>
    %broadcast_in_dim3A = vector.shape_cast %max3A_4 : vector<2048xf32> to vector<2048x1xf32>
    %div3A = vector.broadcast %broadcast_in_dim3A : vector<2048x1xf32> to vector<2048x128xf32>
    %div3A_15 = arith.divf %add3A, %div3A : vector<2048x128xf32>
    %get3A_16 = arith.constant 0 : index
    %get3A_17 = arith.constant 0 : index
    %get3A_18 = vector.load %arg1[%get3A_16, %get3A_17] : memref<2048x128xf32, #tpu.memory_space<vmem>>, vector<2048x128xf32>
    %get3A_19 = arith.constant 0 : index
    %get3A_20 = arith.constant 0 : index
    %get3A_21 = vector.load %arg4[%get3A_19, %get3A_20] : memref<128x128xf32, #tpu.memory_space<vmem>>, vector<128x128xf32>
    %dot_general3A = arith.constant dense<0.000000e+00> : vector<2048x128xf32>
    %dot_general3A_22 = tpu.matmul %get3A_18, %get3A_21, %dot_general3A {dimension_numbers = #tpu.dot_dimension_numbers<[1], [0], [0], [1], [0, 0, 1, 1], [], []>, transpose_lhs_hint = false} : vector<2048x128xf32>, vector<128x128xf32>, vector<2048x128xf32> -> vector<2048x128xf32>
    %get3A_23 = arith.constant 0 : index
    %get3A_24 = arith.constant 0 : index
    %get3A_25 = vector.load %arg5[%get3A_23, %get3A_24] : memref<128x128xf32, #tpu.memory_space<vmem>>, vector<128x128xf32>
    %dot_general3A_26 = arith.constant dense<0.000000e+00> : vector<2048x128xf32>
    %dot_general3A_27 = tpu.matmul %div3A_15, %get3A_25, %dot_general3A_26 {dimension_numbers = #tpu.dot_dimension_numbers<[1], [0], [0], [1], [0, 0, 1, 1], [], []>, transpose_lhs_hint = false} : vector<2048x128xf32>, vector<128x128xf32>, vector<2048x128xf32> -> vector<2048x128xf32>
    %add3A_28 = arith.addf %dot_general3A_22, %dot_general3A_27 : vector<2048x128xf32>
    %get3A_29 = arith.constant 0 : index
    %get3A_30 = arith.constant 0 : index
    %get3A_31 = vector.load %arg6[%get3A_29, %get3A_30] : memref<1x128xf32, #tpu.memory_space<vmem>>, vector<1x128xf32>
    %add3A_32 = vector.broadcast %get3A_31 : vector<1x128xf32> to vector<2048x128xf32>
    %add3A_33 = arith.addf %add3A_28, %add3A_32 : vector<2048x128xf32>
    %max3A_34 = arith.constant 0.000000e+00 : f32
    %max3A_35 = vector.broadcast %max3A_34 : f32 to vector<2048x128xf32>
    %max3A_36 = arith.maximumf %add3A_33, %max3A_35 : vector<2048x128xf32>
    %swap3A = arith.constant 0 : index
    %swap3A_37 = arith.constant 0 : index
    %swap3A_38 = vector.load %arg7[%swap3A, %swap3A_37] : memref<2048x128xf32, #tpu.memory_space<vmem>>, vector<2048x128xf32>
    tpu.vector_store %arg7[%swap3A, %swap3A_37], %max3A_36 {strides = array<i32>} : memref<2048x128xf32, #tpu.memory_space<vmem>>, vector<2048x128xf32>,
    return
  }
  func.func @transform_0(%arg0: i32) -> (i32, i32) {
    %c0_i32 = arith.constant 0 : i32
    %c0_i32_0 = arith.constant 0 : i32
    return %arg0, %c0_i32 : i32, i32
  }
  func.func @transform_1(%arg0: i32) -> (i32, i32, i32) {
    %c0_i32 = arith.constant 0 : i32
    %c0_i32_0 = arith.constant 0 : i32
    %c0_i32_1 = arith.constant 0 : i32
    return %c0_i32, %arg0, %c0_i32_0 : i32, i32, i32
  }
  func.func @transform_2(%arg0: i32) -> (i32, i32) {
    %c0_i32 = arith.constant 0 : i32
    %c0_i32_0 = arith.constant 0 : i32
    return %c0_i32, %arg0 : i32, i32
  }
  func.func @transform_3(%arg0: i32) -> (i32, i32) {
    %c0_i32 = arith.constant 0 : i32
    %c0_i32_0 = arith.constant 0 : i32
    %c0_i32_1 = arith.constant 0 : i32
    return %c0_i32, %c0_i32_0 : i32, i32
  }
  func.func @transform_4(%arg0: i32) -> (i32, i32) {
    %c0_i32 = arith.constant 0 : i32
    %c0_i32_0 = arith.constant 0 : i32
    %c0_i32_1 = arith.constant 0 : i32
    return %c0_i32, %c0_i32_0 : i32, i32
  }
  func.func @transform_5(%arg0: i32) -> (i32, i32) {
    %c0_i32 = arith.constant 0 : i32
    %c0_i32_0 = arith.constant 0 : i32
    %c0_i32_1 = arith.constant 0 : i32
    return %c0_i32, %c0_i32_0 : i32, i32
  }
  func.func @transform_6(%arg0: i32) -> (i32, i32) {
    %c0_i32 = arith.constant 0 : i32
    %c0_i32_0 = arith.constant 0 : i32
    return %arg0, %c0_i32 : i32, i32
  }
}

module attributes {stable_mosaic.version = 14 : i64} {
  func.func @body(%arg0: i32, %arg1: memref<2048x128xf32, #tpu.memory_space<vmem>>, %arg2: memref<2x2048x128xf32, #tpu.memory_space<vmem>>, %arg3: memref<32x2048xf32, #tpu.memory_space<vmem>>, %arg4: memref<128x128xf32, #tpu.memory_space<vmem>>, %arg5: memref<128x128xf32, #tpu.memory_space<vmem>>, %arg6: memref<1x128xf32, #tpu.memory_space<vmem>>, %arg7: memref<128x64xf32, #tpu.memory_space<vmem>>, %arg8: memref<1x64xf32, #tpu.memory_space<vmem>>, %arg9: memref<64x1xf32, #tpu.memory_space<vmem>>, %arg10: memref<1x1xf32, #tpu.memory_space<vmem>>, %arg11: memref<2048x1xf32, #tpu.memory_space<vmem>>) attributes {dimension_semantics = [#tpu.dimension_semantics<arbitrary>], iteration_bounds = array<i64: 5>, scalar_prefetch = 0 : i64, scratch_operands = 0 : i64, tpu.core_type = #tpu.core_type<tc>, window_params = [{transform_indices = @transform_0, window_bounds = array<i64: 2048, 128>}, {transform_indices = @transform_1, window_bounds = array<i64: 2, 2048, 128>}, {transform_indices = @transform_2, window_bounds = array<i64: 32, 2048>}, {pipeline_mode = #tpu.pipeline_mode<synchronous>, transform_indices = @transform_3, window_bounds = array<i64: 128, 128>}, {pipeline_mode = #tpu.pipeline_mode<synchronous>, transform_indices = @transform_4, window_bounds = array<i64: 128, 128>}, {pipeline_mode = #tpu.pipeline_mode<synchronous>, transform_indices = @transform_5, window_bounds = array<i64: 1, 128>}, {pipeline_mode = #tpu.pipeline_mode<synchronous>, transform_indices = @transform_6, window_bounds = array<i64: 128, 64>}, {pipeline_mode = #tpu.pipeline_mode<synchronous>, transform_indices = @transform_7, window_bounds = array<i64: 1, 64>}, {pipeline_mode = #tpu.pipeline_mode<synchronous>, transform_indices = @transform_8, window_bounds = array<i64: 64, 1>}, {pipeline_mode = #tpu.pipeline_mode<synchronous>, transform_indices = @transform_9, window_bounds = array<i64: 1, 1>}, {transform_indices = @transform_10, window_bounds = array<i64: 2048, 1>}]} {
    %get3A = arith.constant 0 : index
    %get3A_0 = arith.constant 0 : index
    %get3A_1 = vector.load %arg3[%get3A, %get3A_0] : memref<32x2048xf32, #tpu.memory_space<vmem>>, vector<32x2048xf32>
    %reduce_sum3A = arith.constant dense<0.000000e+00> : vector<2048xf32>
    %reduce_sum3A_2 = vector.multi_reduction <add>, %get3A_1, %reduce_sum3A [0] : vector<32x2048xf32> to vector<2048xf32>
    %max3A = arith.constant 1.000000e+00 : f32
    %max3A_3 = vector.broadcast %max3A : f32 to vector<2048xf32>
    %max3A_4 = arith.maximumf %reduce_sum3A_2, %max3A_3 : vector<2048xf32>
    %get3A_5 = arith.constant 0 : index
    %get3A_6 = arith.constant 0 : index
    %get3A_7 = arith.constant 0 : index
    %get3A_8 = vector.load %arg2[%get3A_5, %get3A_6, %get3A_7] : memref<2x2048x128xf32, #tpu.memory_space<vmem>>, vector<1x2048x128xf32>
    %get3A_9 = vector.shape_cast %get3A_8 : vector<1x2048x128xf32> to vector<2048x128xf32>
    %get3A_10 = arith.constant 1 : index
    %get3A_11 = arith.constant 0 : index
    %get3A_12 = arith.constant 0 : index
    %get3A_13 = vector.load %arg2[%get3A_10, %get3A_11, %get3A_12] : memref<2x2048x128xf32, #tpu.memory_space<vmem>>, vector<1x2048x128xf32>
    %get3A_14 = vector.shape_cast %get3A_13 : vector<1x2048x128xf32> to vector<2048x128xf32>
    %add3A = arith.addf %get3A_9, %get3A_14 : vector<2048x128xf32>
    %broadcast_in_dim3A = vector.shape_cast %max3A_4 : vector<2048xf32> to vector<2048x1xf32>
    %div3A = vector.broadcast %broadcast_in_dim3A : vector<2048x1xf32> to vector<2048x128xf32>
    %div3A_15 = arith.divf %add3A, %div3A : vector<2048x128xf32>
    %get3A_16 = arith.constant 0 : index
    %get3A_17 = arith.constant 0 : index
    %get3A_18 = vector.load %arg1[%get3A_16, %get3A_17] : memref<2048x128xf32, #tpu.memory_space<vmem>>, vector<2048x128xf32>
    %get3A_19 = arith.constant 0 : index
    %get3A_20 = arith.constant 0 : index
    %get3A_21 = vector.load %arg4[%get3A_19, %get3A_20] : memref<128x128xf32, #tpu.memory_space<vmem>>, vector<128x128xf32>
    %dot_general3A = arith.constant dense<0.000000e+00> : vector<2048x128xf32>
    %dot_general3A_22 = tpu.matmul %get3A_18, %get3A_21, %dot_general3A {dimension_numbers = #tpu.dot_dimension_numbers<[1], [0], [0], [1], [0, 0, 1, 1], [], []>, transpose_lhs_hint = false} : vector<2048x128xf32>, vector<128x128xf32>, vector<2048x128xf32> -> vector<2048x128xf32>
    %get3A_23 = arith.constant 0 : index
    %get3A_24 = arith.constant 0 : index
    %get3A_25 = vector.load %arg5[%get3A_23, %get3A_24] : memref<128x128xf32, #tpu.memory_space<vmem>>, vector<128x128xf32>
    %dot_general3A_26 = arith.constant dense<0.000000e+00> : vector<2048x128xf32>
    %dot_general3A_27 = tpu.matmul %div3A_15, %get3A_25, %dot_general3A_26 {dimension_numbers = #tpu.dot_dimension_numbers<[1], [0], [0], [1], [0, 0, 1, 1], [], []>, transpose_lhs_hint = false} : vector<2048x128xf32>, vector<128x128xf32>, vector<2048x128xf32> -> vector<2048x128xf32>
    %add3A_28 = arith.addf %dot_general3A_22, %dot_general3A_27 : vector<2048x128xf32>
    %get3A_29 = arith.constant 0 : index
    %get3A_30 = arith.constant 0 : index
    %get3A_31 = vector.load %arg6[%get3A_29, %get3A_30] : memref<1x128xf32, #tpu.memory_space<vmem>>, vector<1x128xf32>
    %add3A_32 = vector.broadcast %get3A_31 : vector<1x128xf32> to vector<2048x128xf32>
    %add3A_33 = arith.addf %add3A_28, %add3A_32 : vector<2048x128xf32>
    %max3A_34 = arith.constant 0.000000e+00 : f32
    %max3A_35 = vector.broadcast %max3A_34 : f32 to vector<2048x128xf32>
    %max3A_36 = arith.maximumf %add3A_33, %max3A_35 : vector<2048x128xf32>
    %get3A_37 = arith.constant 0 : index
    %get3A_38 = arith.constant 0 : index
    %get3A_39 = vector.load %arg7[%get3A_37, %get3A_38] : memref<128x64xf32, #tpu.memory_space<vmem>>, vector<128x64xf32>
    %dot_general3A_40 = arith.constant dense<0.000000e+00> : vector<2048x64xf32>
    %dot_general3A_41 = tpu.matmul %max3A_36, %get3A_39, %dot_general3A_40 {dimension_numbers = #tpu.dot_dimension_numbers<[1], [0], [0], [1], [0, 0, 1, 1], [], []>, transpose_lhs_hint = false} : vector<2048x128xf32>, vector<128x64xf32>, vector<2048x64xf32> -> vector<2048x64xf32>
    %get3A_42 = arith.constant 0 : index
    %get3A_43 = arith.constant 0 : index
    %get3A_44 = vector.load %arg8[%get3A_42, %get3A_43] : memref<1x64xf32, #tpu.memory_space<vmem>>, vector<1x64xf32>
    %add3A_45 = vector.broadcast %get3A_44 : vector<1x64xf32> to vector<2048x64xf32>
    %add3A_46 = arith.addf %dot_general3A_41, %add3A_45 : vector<2048x64xf32>
    %max3A_47 = arith.constant 0.000000e+00 : f32
    %max3A_48 = vector.broadcast %max3A_47 : f32 to vector<2048x64xf32>
    %max3A_49 = arith.maximumf %add3A_46, %max3A_48 : vector<2048x64xf32>
    %get3A_50 = arith.constant 0 : index
    %get3A_51 = arith.constant 0 : index
    %get3A_52 = vector.load %arg9[%get3A_50, %get3A_51] : memref<64x1xf32, #tpu.memory_space<vmem>>, vector<64x1xf32>
    %dot_general3A_53 = arith.constant dense<0.000000e+00> : vector<2048x1xf32>
    %dot_general3A_54 = tpu.matmul %max3A_49, %get3A_52, %dot_general3A_53 {dimension_numbers = #tpu.dot_dimension_numbers<[1], [0], [0], [1], [0, 0, 1, 1], [], []>, transpose_lhs_hint = false} : vector<2048x64xf32>, vector<64x1xf32>, vector<2048x1xf32> -> vector<2048x1xf32>
    %get3A_55 = arith.constant 0 : index
    %get3A_56 = arith.constant 0 : index
    %get3A_57 = vector.load %arg10[%get3A_55, %get3A_56] : memref<1x1xf32, #tpu.memory_space<vmem>>, vector<1x1xf32>
    %add3A_58 = vector.broadcast %get3A_57 : vector<1x1xf32> to vector<2048x1xf32>
    %add3A_59 = arith.addf %dot_general3A_54, %add3A_58 : vector<2048x1xf32>
    %swap3A = arith.constant 0 : index
    %swap3A_60 = arith.constant 0 : index
    %swap3A_61 = vector.load %arg11[%swap3A, %swap3A_60] : memref<2048x1xf32, #tpu.memory_space<vmem>>, vector<2048x1xf32>
    tpu.vector_store %arg11[%swap3A, %swap3A_60], %add3A_59 {strides = array<i32>} : memref<2048x1xf32, #tpu.memory_space<vmem>>, vector<2048x1xf32>,
    return
  }
  func.func @transform_0(%arg0: i32) -> (i32, i32) {
    %c0_i32 = arith.constant 0 : i32
    %c0_i32_0 = arith.constant 0 : i32
    return %arg0, %c0_i32 : i32, i32
  }
  func.func @transform_1(%arg0: i32) -> (i32, i32, i32) {
    %c0_i32 = arith.constant 0 : i32
    %c0_i32_0 = arith.constant 0 : i32
    %c0_i32_1 = arith.constant 0 : i32
    return %c0_i32, %arg0, %c0_i32_0 : i32, i32, i32
  }
  func.func @transform_2(%arg0: i32) -> (i32, i32) {
    %c0_i32 = arith.constant 0 : i32
    %c0_i32_0 = arith.constant 0 : i32
    return %c0_i32, %arg0 : i32, i32
  }
  func.func @transform_3(%arg0: i32) -> (i32, i32) {
    %c0_i32 = arith.constant 0 : i32
    %c0_i32_0 = arith.constant 0 : i32
    %c0_i32_1 = arith.constant 0 : i32
    return %c0_i32, %c0_i32_0 : i32, i32
  }
  func.func @transform_4(%arg0: i32) -> (i32, i32) {
    %c0_i32 = arith.constant 0 : i32
    %c0_i32_0 = arith.constant 0 : i32
    %c0_i32_1 = arith.constant 0 : i32
    return %c0_i32, %c0_i32_0 : i32, i32
  }
  func.func @transform_5(%arg0: i32) -> (i32, i32) {
    %c0_i32 = arith.constant 0 : i32
    %c0_i32_0 = arith.constant 0 : i32
    %c0_i32_1 = arith.constant 0 : i32
    return %c0_i32, %c0_i32_0 : i32, i32
  }
  func.func @transform_6(%arg0: i32) -> (i32, i32) {
    %c0_i32 = arith.constant 0 : i32
    %c0_i32_0 = arith.constant 0 : i32
    %c0_i32_1 = arith.constant 0 : i32
    return %c0_i32, %c0_i32_0 : i32, i32
  }
  func.func @transform_7(%arg0: i32) -> (i32, i32) {
    %c0_i32 = arith.constant 0 : i32
    %c0_i32_0 = arith.constant 0 : i32
    %c0_i32_1 = arith.constant 0 : i32
    return %c0_i32, %c0_i32_0 : i32, i32
  }
  func.func @transform_8(%arg0: i32) -> (i32, i32) {
    %c0_i32 = arith.constant 0 : i32
    %c0_i32_0 = arith.constant 0 : i32
    %c0_i32_1 = arith.constant 0 : i32
    return %c0_i32, %c0_i32_0 : i32, i32
  }
  func.func @transform_9(%arg0: i32) -> (i32, i32) {
    %c0_i32 = arith.constant 0 : i32
    %c0_i32_0 = arith.constant 0 : i32
    %c0_i32_1 = arith.constant 0 : i32
    return %c0_i32, %c0_i32_0 : i32, i32
  }
  func.func @transform_10(%arg0: i32) -> (i32, i32) {
    %c0_i32 = arith.constant 0 : i32
    %c0_i32_0 = arith.constant 0 : i32
    return %arg0, %c0_i32 : i32, i32
  }
}

</mosaic_0001>

<sc_bundles>
// kernel: kernel.10.cloned.1.call-start
scs
__scs_entry_jumppad:
0x0: {  	(pc) =	sbr.rel $0x88, $3  }
0x1: {  	(tag) =	ssettag $0x0;
	lr =	simm.s32 $0x1  }
0x2: {  	[smem:$0x3F97] =	sst lr;
	_ =	strace $0xD0000000  }
0x3: {  	_ = 	snop  }
0x4: {  	_ = 	snop  }
0x5: {  	_ = 	snop  }
0x6: {  	_ = 	snop  }
0x7: {  	_ = 	snop  }
__scs_overlays_trampoline_lowered:
0x8: {  	[smem:$0x3FA6] =	sst s0  }
0x9: {  	[smem:$0x3FA7] =	sst s1  }
0xa: {  	[smem:$0x3FA8] =	sst s2  }
0xb: {  	[smem:$0x3FA9] =	sst s3  }
0xc: {  	[smem:$0x3FAA] =	sst s4  }
0xd: {  	[smem:$0x3FAB] =	sst s5  }
0xe: {  	[smem:$0x3FAC] =	sst s6  }
0xf: {  	[smem:$0x3FAD] =	sst s7  }
0x10: {  	[smem:$0x3FAE] =	sst s8  }
0x11: {  	[smem:$0x3FAF] =	sst s9;
	s0 =	simm.s32 @!p0 $0x0  }
0x12: {  	s1 =	sld [smem:$0x3F95];
	s0 =	simm.s32 @p0 $0x1  }
0x13: {  	[smem:$0x3FB0] =	sst s0;
	s0 =	simm.s32 @!p1 $0x0  }
0x14: {  	s2 =	sld [smem:$0x3F94];
	s0 =	simm.s32 @p1 $0x1  }
0x15: {  	[smem:$0x3FB1] =	sst s0;
	s0 =	simm.s32 @!p2 $0x0  }
0x16: {  	s3 =	sld [smem:$0x3FDB];
	s0 =	simm.s32 @p2 $0x1  }
0x17: {  	s4 =	simm.s32 $0x1BF5;
	[smem:$0x3FB3] =	sst s0  }
0x18: {  	s0 =	sld [smem:$0x3F96];
	_ =	swait.ge [sflag:s4], $0x0  }
0x19: {  	s7 =	sld [smem:$0x3F97]  }
0x1a: {  	s8 =	sadd.s32 $0xFFFFE003, lr  }
0x1b: {  	s9 =	sadd.s32 $0xFFFFFEF7, lr;
	s5 =	simm.s32 $0xFFFFFFFF;
	p2 =	slt.u32 s8, $0xFFFFF086  }
0x1c: {  	p1 =	slt.u32 s9, $0xF7A;
	s5 =	simm.s32 @!p2 $0x0  }
0x1d: {  	s5 =	simm.s32 @p1 $0x1;
	p0 =	seq.s32 s7, s2  }
0x1e: {  	s7 =	smul.u32 @!p0 $0xF7A, s2;
	p2 =	seq.s32 @!p0 s5, $0x0  }
0x1f: {  	s9 =	smul.u32 $0xF7A, s1;
	s8 =	simm.s32 @!p0 $0x1BF5;
	p2 =	por !p2, p0  }
0x20: {  	[sflag:s8] =	ssyncset.s32 @!p0 $0xFFFFF086;
	s6 =	sadd.s32 @!p0 s3, s7;
	s7 =	simm.s32 @!p0 $0x108  }
0x21: {  	s3 =	sadd.s32 s3, s9;
	s6 =	sadd.s32 @!p0 $0x88, s6;
	s7 =	simm.s32 @p2 $0x1082  }
0x22: {  	[simem:s7], [sflag:s8] =	dma.local @!p0 [hbm:s6], $0xF7A  }
0x23: {  	s9 =	sor.u32 $0xD0000000, s2;
	s6 =	simm.s32 $0x108;
	_ =	swait.ge @!p0 [sflag:s8], $0x0  }
0x24: {  	s3 =	sadd.s32 $0x88, s3;
	s6 =	simm.s32 @!p1 $0x1082;
	[sflag:s4] =	ssyncset.s32 $0xFFFFF086  }
0x25: {  	[simem:s6], [sflag:s4] =	dma.local [hbm:s3], $0xF7A  }
0x26: {  	[smem:$0x3F97] =	sst s1;
	(tag) =	ssettag s2;
	_ =	strace s9  }
0x27: {  	s1 =	sld [smem:$0x3FA7]  }
0x28: {  	s2 =	sld [smem:$0x3FA8]  }
0x29: {  	s4 =	sld [smem:$0x3FAA]  }
0x2a: {  	p0 =	seq.s32 s5, $0x0;
	s5 =	sld [smem:$0x3FAB]  }
0x2b: {  	s6 =	sld [smem:$0x3FAC]  }
0x2c: {  	s7 =	sld [smem:$0x3FAD]  }
0x2d: {  	s3 =	simm.s32 $0x108;
	s8 =	sld [smem:$0x3FAE]  }
0x2e: {  	s3 =	simm.s32 @!p0 $0x1082;
	s9 =	sld [smem:$0x3FAF]  }
0x2f: {  	lr =	sadd.s32 s0, s3;
	s0 =	sld [smem:$0x3FA6]  }
0x30: {  	s3 =	sld [smem:$0x3FA9]  }
0x31: {  	[smem:$0x3FB2] =	sst s10  }
0x32: {  	s10 =	sld [smem:$0x3FB0];
	_ =	sdelay $0x3  }
0x33: {  	p0 =	seq.s32 s10, $0x1;
	s10 =	sld [smem:$0x3FB2];
	_ =	sdelay $0x3  }
0x34: {  	[smem:$0x3FB2] =	sst s10  }
0x35: {  	s10 =	sld [smem:$0x3FB1];
	_ =	sdelay $0x3  }
0x36: {  	p1 =	seq.s32 s10, $0x1;
	s10 =	sld [smem:$0x3FB2];
	_ =	sdelay $0x3  }
0x37: {  	[smem:$0x3FB2] =	sst s10  }
0x38: {  	s10 =	sld [smem:$0x3FB3]  }
0x39: {  	_ = 	snop;
	(pc) =	sbr.ind lr, $3  }
0x3a: {  	_ = 	snop  }
0x3b: {  	_ = 	snop  }
0x3c: {  	p2 =	seq.s32 s10, $0x1;
	s10 =	sld [smem:$0x3FB2]  }
0x3d: {  	_ =	shalt  }
0x3e: {  	_ =	shalt  }
0x3f: {  	_ =	shalt  }
0x40: {  	_ =	shalt  }
0x41: {  	_ =	shalt  }
0x42: {  	_ =	shalt  }
0x43: {  	_ =	shalt  }
0x44: {  	_ =	shalt  }
0x45: {  	_ =	shalt  }
0x46: {  	_ =	shalt  }
0x47: {  	_ =	shalt  }
0x48: {  	_ =	shalt  }
0x49: {  	_ =	shalt  }
0x4a: {  	_ =	shalt  }
0x4b: {  	_ =	shalt  }
0x4c: {  	_ =	shalt  }
0x4d: {  	_ =	shalt  }
0x4e: {  	_ =	shalt  }
0x4f: {  	_ =	shalt  }
0x50: {  	_ =	shalt  }
0x51: {  	_ =	shalt  }
0x52: {  	_ =	shalt  }
0x53: {  	_ =	shalt  }
0x54: {  	_ =	shalt  }
0x55: {  	_ =	shalt  }
0x56: {  	_ =	shalt  }
0x57: {  	_ =	shalt  }
0x58: {  	_ =	shalt  }
0x59: {  	_ =	shalt  }
0x5a: {  	_ =	shalt  }
0x5b: {  	_ =	shalt  }
0x5c: {  	_ =	shalt  }
0x5d: {  	_ =	shalt  }
0x5e: {  	_ =	shalt  }
0x5f: {  	_ =	shalt  }
0x60: {  	_ =	shalt  }
0x61: {  	_ =	shalt  }
0x62: {  	_ =	shalt  }
0x63: {  	_ =	shalt  }
0x64: {  	_ =	shalt  }
0x65: {  	_ =	shalt  }
0x66: {  	_ =	shalt  }
0x67: {  	_ =	shalt  }
0x68: {  	_ =	shalt  }
0x69: {  	_ =	shalt  }
0x6a: {  	_ =	shalt  }
0x6b: {  	_ =	shalt  }
0x6c: {  	_ =	shalt  }
0x6d: {  	_ =	shalt  }
0x6e: {  	_ =	shalt  }
0x6f: {  	_ =	shalt  }
0x70: {  	_ =	shalt  }
0x71: {  	_ =	shalt  }
0x72: {  	_ =	shalt  }
0x73: {  	_ =	shalt  }
0x74: {  	_ =	shalt  }
0x75: {  	_ =	shalt  }
0x76: {  	_ =	shalt  }
0x77: {  	_ =	shalt  }
0x78: {  	_ =	shalt  }
0x79: {  	_ =	shalt  }
0x7a: {  	_ =	shalt  }
0x7b: {  	_ =	shalt  }
0x7c: {  	_ =	shalt  }
0x7d: {  	_ =	shalt  }
0x7e: {  	_ =	shalt  }
0x7f: {  	_ =	shalt  }
0x80: {  	_ =	shalt  }
0x81: {  	_ =	shalt  }
0x82: {  	_ =	shalt  }
0x83: {  	_ =	shalt  }
0x84: {  	_ =	shalt  }
0x85: {  	_ =	shalt  }
0x86: {  	_ =	shalt  }
0x87: {  	_ =	shalt  }
.Lfunc_end0:
.L_simem_size_0:
called_computation.1_lowered:
.L_overlay_start_0:
0x88: {  	s2 =	sld [smem:$0x3FD9]  }
0x89: {  	s3 =	sld [smem:$0x3FFE];
	_ =	sdelay $0x1  }
0x8a: {  	s1 =	srdreg.scid  }
0x8b: {  	s0 =	sand.u32 $0x1, s1  }
0x8c: {  	s17 =	sshll.u32 s0, $0xA;
	s2 =	sadd.s32 s3, s2  }
0x8d: {  	s2 =	sadd.s32 s2, s17  }
0x8e: {  	[smem:$0x3FBE] =	sst s2  }
0x8f: {  	_ = 	snop  }
0x90: {  	s18 =	sld [smem:$0x3FC9];
	(tm) =	ssettm $0x1  }
0x91: {  	s19 =	sld [smem:$0x3FFB];
	_ =	sdelay $0x3  }
0x92: {  	_ =	strace s19  }
0x93: {  	s2 =	sld [smem:$0x3FFC];
	_ =	sdelay $0x3  }
0x94: {  	_ =	strace s2  }
0x95: {  	s2 =	sld [smem:$0x3FFD];
	_ =	sdelay $0x3  }
0x96: {  	_ =	strace s2  }
0x97: {  	_ =	strace $0x8FFFFFFF  }
0x98: {  	s20 =	sld [smem:$0x3FDB];
	_ =	sdelay $0x1  }
0x99: {  	s4 =	simm.s32 $_scs_section_size  }
0x9a: {  	s5 =	simm.s32 $_size__tile_overlayer_lowered;
	s6 =	simm.s32 $_tile_overlayer_lowered  }
0x9b: {  	s7 =	simm.s32 $0x1BFF;
	s21 =	sshll.u32 s6, $0x1;
	s4 =	sadd.s32 s4, s20  }
0x9c: {  	s22 =	simm.s32 $0x0;
	s5 =	sshll.u32 s5, $0x1;
	s6 =	sadd.s32 s21, s4  }
0x9d: {  	[timem:s22], [sflag:s7] =	dma.local [hbm:s6], s5  }
0x9e: {  	_ =	swait.ge [sflag:s7], s5  }
0x9f: {  	s5 =	ssub.s32 $0x0, s5;
	[sflag:s7] =	ssyncset.done $0x0  }
0xa0: {  	[sflag:s7] =	ssyncadd.s32 s5;
	_ =	sdelay $0x1  }
0xa1: {  	s23 =	simm.s32 $0x1B8B  }
0xa2: {  	_ =	swait.ge [sflag:s23], $0x1  }
0xa3: {  	[sflag:s23] =	ssyncset.done $0x0  }
0xa4: {  	[sflag:s23] =	ssyncadd.s32 $0xFFFFFFFF  }
0xa5: {  	s5 =	sld [smem:$0x0]  }
0xa6: {  	s6 =	sand.u32 $0xFFFFFFFE, s1  }
0xa7: {  	p0 =	sne.s32 s1, s6  }
0xa8: {  	s6 =	sshll.u32 @p0 s6, $0xE  }
0xa9: {  	s6 =	sadd.s32 @p0 $0x11B8D, s6;
	s7 =	sshll.u32 @p0 s5, $0x11  }
0xaa: {  	s6 =	sor.u32 @p0 s7, s6  }
0xab: {  	[sflag:s6] =	ssyncadd.remote.s32 @p0 $0x1;
	_ =	sdelay $0x1  }
0xac: {  	s6 =	simm.s32 @p0 $0x1B8D  }
0xad: {  	_ =	swait.eq @p0 [sflag:s6], $0x1  }
0xae: {  	[sflag:s6] =	ssyncadd.s32 @p0 $0xFFFFFFFF  }
0xaf: {  	s7 =	sshll.u32 @!p0 s1, $0xE  }
0xb0: {  	s7 =	sor.u32 @!p0 $0x4000, s7;
	s6 =	simm.s32 @!p0 $0x1B8D  }
0xb1: {  	s5 =	sshll.u32 @!p0 s5, $0x11;
	s7 =	sadd.s32 @!p0 $0x11B8D, s7;
	_ =	swait.eq @!p0 [sflag:s6], $0x1  }
0xb2: {  	s5 =	sor.u32 @!p0 s5, s7;
	[sflag:s6] =	ssyncadd.s32 @!p0 $0xFFFFFFFF  }
0xb3: {  	s25 =	simm.s32 $0x1B8E;
	s24 =	sld [smem:$0x3FFE];
	[sflag:s5] =	ssyncadd.remote.s32 @!p0 $0x1  }
0xb4: {  	s26 =	simm.s32 $execute0_lowered;
	[smem:$0x3FD2] =	sst s25  }
0xb5: {  	s6 =	sshll.u32 s26, $0x1;
	_ =	strace $0x80000049;
	[dreg:$0x1] =	wrdreg $0xFFFFFFFF  }
0xb6: {  	s28 =	simm.s32 $_size_execute0_lowered;
	s4 =	sadd.s32 s4, s6;
	[dreg:$0x0] =	wrdreg $0x0  }
0xb7: {  	s6 =	sshll.u32 s28, $0x1;
	[dreg:$0x2] =	wrdreg s4  }
0xb8: {  	[dreg:$0x3] =	wrdreg s6  }
0xb9: {  	[dreg:$0x4] =	wrdreg $0xC0  }
0xba: {  	_ =	task [dreg:s22], $0x5FFFF  }
0xbb: {  	[dreg:$0x1] =	wrdreg $0xFFFFFFFF  }
0xbc: {  	[dreg:$0x0] =	wrdreg $0x60  }
0xbd: {  	[dreg:$0x2] =	wrdreg s18  }
0xbe: {  	[dreg:$0x3] =	wrdreg s24  }
0xbf: {  	[dreg:$0x4] =	wrdreg $0x0  }
0xc0: {  	[dreg:$0x5] =	wrdreg $0xA  }
0xc1: {  	_ =	task.clear_ibuf [dreg:s22], $0x6FFFF;
	_ =	strace $0x90000049  }
0xc2: {  	s29 =	simm.s32 $0xA;
	_ =	strace $0x8000004B  }
0xc3: {  	_ =	swait.ge [sflag:s29], $0x1  }
0xc4: {  	[sflag:s29] =	ssyncadd.s32 $0xFFFFFFFF  }
0xc5: {  	_ =	strace $0x9000004B  }
0xc6: {  	_ =	sfence  }
0xc7: {  	s30 =	sld [smem:$0x0];
	_ =	sdelay $0x2  }
0xc8: {  	s31 =	sshll.u32 s1, $0xD;
	s1 =	sshrl.u32 s1, $0x2  }
0xc9: {  	s4 =	sand.u32 $0x4000, s31;
	s1 =	sadd.s32 s1, s30  }
0xca: {  	s0 =	sor.u32 s4, s0;
	s1 =	sshll.u32 s1, $0x11  }
0xcb: {  	s0 =	sor.u32 s1, s0  }
0xcc: {  	s0 =	sadd.s32 $0x8F2B, s0  }
0xcd: {  	[sflag:s0] =	ssyncadd.remote.s32 $0x1  }
0xce: {  	_ =	sfence.sel $0xFFFF  }
0xcf: {  	[dreg:$0x0] =	wrdreg $0xFFFFFFFF;
	(pc) =	sbr.abs _section_cstart, $3  }
0xd0: {  	[dreg:$0x1] =	wrdreg $0xFFFFFFFF  }
0xd1: {  	_ =	task.clear_ibuf [dreg:s22], $0x2FFFF;
	_ =	strace $0x9FFFFFFF  }
0xd2: {  	(tm) =	ssettm $0x7FFFFFFF  }
0xd3: {  	_ =	shalt  }
tec
execute0_lowered:
.L_overlay_start_1:
0x0: {  	(tag) =	ssettag $0x1  }
0x1: {  	s0 =	srdreg.scid;
	s1 =	rddreg [dreg:$0x0]  }
0x2: {  	s10 =	stileid.u32;
	s4 =	rddreg [dreg:$0x1];
	s3 =	simm.s32 $0x0  }
0x3: {  	s29 =	simm.s32 $0x1;
	s30 =	simm.s32 $0x14080;
	s31 =	simm.s32 $0x2  }
0x4: {  	s0 =	sand.u32 $0x1, s0;
	[smem:$0x7FF] =	sst s3;
	s8 =	smul.u32 $0x280, s10  }
0x5: {  	s2 =	sshll.u32 s0, $0x4;
	s6 =	smul.u32 $0x28000, s0;
	s0 =	ssub.s32 $0x2, s0  }
0x6: {  	s5 =	sor.u32 s10, s2;
	s2 =	rddreg [dreg:$0x2];
	s7 =	sshrl.u32 s0, $0x1  }
0x7: {  	s9 =	sadd.s32 $0x80, s8;
	s13 =	sadd.s32 $0xC0, s8;
	s5 =	smul.u32 $0x13A0, s5  }
0x8: {  	s14 =	sadd.s32 $0x100, s8;
	s16 =	sadd.s32 $0x140, s8;
	s19 =	sadd.s32 $0x180, s8  }
0x9: {  	s5 =	sadd.s32 s5, s4;
	s4 =	sadd.s32 s6, s4;
	s6 =	smul.u32 $0x50000, s10  }
0xa: {  	s21 =	sadd.s32 $0x1C0, s8;
	s22 =	sadd.s32 $0x200, s8;
	s10 =	smul.u32 $0x2800, s10  }
0xb: {  	s0 =	ssub.s32 s0, s7;
	s7 =	sor.u32 $0x40, s8;
	s4 =	sadd.s32 $0x33400, s4  }
0xc: {  	s12 =	sshll.u32 s9, $0x4;
	s11 =	sshll.u32 s7, $0x4;
	s10 =	sadd.s32 s10, s4  }
0xd: {  	s15 =	sshll.u32 s13, $0x4;
	s25 =	sadd.s32 s11, s4;
	[dreg:$0x4] =	wrdreg s10  }
0xe: {  	s17 =	sshll.u32 s14, $0x4;
	s26 =	sadd.s32 s12, s4;
	[dreg:$0x5] =	wrdreg s25  }
0xf: {  	s18 =	sshll.u32 s16, $0x4;
	s28 =	sadd.s32 s15, s4;
	[dreg:$0x6] =	wrdreg s26  }
0x10: {  	s20 =	sshll.u32 s19, $0x4;
	s11 =	sadd.s32 s17, s4;
	[dreg:$0x7] =	wrdreg s28  }
0x11: {  	s23 =	sshll.u32 s21, $0x4;
	s12 =	sadd.s32 s18, s4;
	[dreg:$0x8] =	wrdreg s11  }
0x12: {  	s24 =	sshll.u32 s22, $0x4;
	s15 =	sadd.s32 s20, s4;
	[dreg:$0x9] =	wrdreg s12  }
0x13: {  	s8 =	sadd.s32 $0x240, s8;
	s17 =	sadd.s32 s23, s4;
	[dreg:$0xa] =	wrdreg s15  }
0x14: {  	s18 =	sadd.s32 s24, s4;
	s20 =	sshll.u32 s8, $0x4;
	[dreg:$0xb] =	wrdreg s17  }
0x15: {  	s0 =	smax.u32 s0, $0x1;
	[dreg:$0xc] =	wrdreg s18;
	s4 =	sadd.s32 s20, s4  }
0x16: {  	s23 =	sshrl.u32 s6, $0x2;
	s24 =	sadd.s32 $0x2020, s5;
	[dreg:$0xd] =	wrdreg s4  }
0x17: {  	s25 =	sadd.s32 $0x2040, s5;
	_ =	strace $0x8000004A;
	[dreg:$0xe] =	wrdreg s24  }
0x18: {  	s6 =	sshll.u32 s9, $0x7;
	s26 =	sadd.s32 $0x2060, s5;
	[dreg:$0xf] =	wrdreg s25  }
0x19: {  	s15 =	sadd.s32 $0x2000, s5;
	s5 =	sadd.s32 $0x2080, s5;
	[dreg:$0x10] =	wrdreg s26  }
0x1a: {  	s9 =	sshll.u32 s13, $0x7;
	s11 =	sshll.u32 s16, $0x7;
	[dreg:$0x11] =	wrdreg s5  }
0x1b: {  	s4 =	sshll.u32 s7, $0x7;
	s7 =	sadd.s32 s6, s2;
	[dreg:$0x13] =	wrdreg s0  }
0x1c: {  	s16 =	sshll.u32 s22, $0x7;
	s12 =	sadd.s32 s11, s2;
	[dreg:$0x15] =	wrdreg s7  }
0x1d: {  	s28 =	sadd.s32 s23, s2;
	s17 =	sadd.s32 s16, s2;
	[dreg:$0x18] =	wrdreg s12  }
0x1e: {  	s13 =	sshll.u32 s19, $0x7;
	s19 =	sadd.s32 $0x2000, s28;
	[dreg:$0x1b] =	wrdreg s17  }
0x1f: {  	s10 =	sshll.u32 s14, $0x7;
	s20 =	sadd.s32 $0x4000, s28;
	[dreg:$0x1d] =	wrdreg s19  }
0x20: {  	s14 =	sshll.u32 s21, $0x7;
	s21 =	sadd.s32 $0x6000, s28;
	[dreg:$0x1e] =	wrdreg s20  }
0x21: {  	s18 =	sshll.u32 s8, $0x7;
	s22 =	sadd.s32 $0x8000, s28;
	[dreg:$0x1f] =	wrdreg s21  }
0x22: {  	s8 =	simm.s32 $0x5;
	s23 =	sadd.s32 $0xA000, s28;
	[smem:$0x7F8] =	sst s22  }
0x23: {  	s0 =	sadd.s32 s4, s2;
	[smem:$0x7F9] =	sst s23;
	s24 =	sadd.s32 $0xC000, s28  }
0x24: {  	s25 =	sadd.s32 $0xE000, s28;
	s26 =	sadd.s32 $0x10000, s28;
	[dreg:$0x12] =	wrdreg s28  }
0x25: {  	s28 =	sadd.s32 $0x12000, s28;
	s12 =	simm.s32 $0x14000;
	s17 =	simm.s32 $0x14400  }
0x26: {  	s19 =	simm.s32 $0xB;
	s21 =	simm.s32 $0x6;
	[dreg:$0x14] =	wrdreg s0  }
0x27: {  	s22 =	simm.s32 $0x40;
	s23 =	simm.s32 $0x7;
	[smem:$0x7FA] =	sst s24  }
0x28: {  	s7 =	simm.s32 $0x14180;
	s4 =	simm.s32 $0x1C500;
	[smem:$0x7FB] =	sst s25  }
0x29: {  	s5 =	simm.s32 $0x3;
	s0 =	sadd.s32 s9, s2;
	[smem:$0x7FC] =	sst s26  }
0x2a: {  	[smem:$0x7FD] =	sst s28;
	s24 =	simm.s32 $0x16500;
	s26 =	simm.s32 $0x18500  }
.Ltmp0:
0x2b: {  	[dreg:$0x16] =	wrdreg s0;
	s0 =	sadd.s32 s10, s2;
	(pc) =	sbr.rel .LBB2_1-.Ltmp0, $4  }
0x2c: {  	s9 =	simm.s32 $0x0;
	[dreg:$0x17] =	wrdreg s0;
	s0 =	sadd.s32 s13, s2  }
0x2d: {  	s13 =	simm.s32 $0x14100;
	[dreg:$0x19] =	wrdreg s0;
	s0 =	sadd.s32 s14, s2  }
0x2e: {  	s14 =	simm.s32 $0x14480;
	[dreg:$0x1a] =	wrdreg s0;
	s0 =	sadd.s32 s18, s2  }
0x2f: {  	v0 =	vimm.f32 $0.0e+00;
	s18 =	simm.s32 $0x14500;
	[dreg:$0x1c] =	wrdreg s0;
	s0 =	simm.s32 $0xA  }
.LBB2_8:
0x30: {  	_ =	swait.ge [sflag:s29], $0x2000  }
0x31: {  	[sflag:s29] =	ssyncset.done $0x0  }
0x32: {  	[sflag:s29] =	ssyncadd.s32 $0xFFFFE000  }
0x33: {  	[spmem:s2] =	stream.indirect.scatter.add.f32 [tilespmem:s18], [sflag:$0xB], $0x80, s30, s22, $0xb8;
	[tilespmem:$0x1E500] =	vst v63  }
0x34: {  	_ =	swait.ge [sflag:s19], $0x2000  }
0x35: {  	[sflag:s19] =	ssyncset.done $0x0  }
0x36: {  	[sflag:s19] =	ssyncadd.s32 $0xFFFFE000  }
0x37: {  	_ =	swait.ge [sflag:s31], $0x2000  }
0x38: {  	[sflag:s31] =	ssyncset.done $0x0  }
0x39: {  	[sflag:s31] =	ssyncadd.s32 $0xFFFFE000  }
0x3a: {  	[spmem:s2] =	stream.indirect.scatter.add.f32 [tilespmem:s24], [sflag:$0xB], $0x80, s7, s22, $0xb8;
	[tilespmem:$0x1E500] =	vst v63  }
0x3b: {  	_ =	swait.ge [sflag:s19], $0x2000  }
0x3c: {  	[sflag:s19] =	ssyncset.done $0x0  }
0x3d: {  	[sflag:s19] =	ssyncadd.s32 $0xFFFFE000  }
.LBB2_6:
0x3e: {  	[bflag:$0x0] =	sbarrier.arrive $0xFFFF  }
0x3f: {  	s6 =	rddreg [dreg:$0x12]  }
0x40: {  	[tilespmem:s18], [sflag:$0xB] =	stream.linear.gather [spmem:s6], $0x2000, $0x38;
	[tilespmem:$0x1E500] =	vst v63  }
0x41: {  	_ =	swait.ge [sflag:s19], $0x2000  }
0x42: {  	[sflag:s19] =	ssyncset.done $0x0  }
0x43: {  	s10 =	rddreg [dreg:$0x4];
	[sflag:s19] =	ssyncadd.s32 $0xFFFFE000  }
0x44: {  	[hbm4b:s10+s3] =	stream.linear.scatter [tilespmem:s18], [sflag:$0xB], $0x2000, $0x38;
	[tilespmem:$0x1E500] =	vst v63  }
0x45: {  	_ =	swait.ge [sflag:s19], $0x2000  }
0x46: {  	[sflag:s19] =	ssyncset.done $0x0  }
0x47: {  	s11 =	rddreg [dreg:$0x14];
	[sflag:s19] =	ssyncadd.s32 $0xFFFFE000  }
0x48: {  	[tilespmem:s18], [sflag:$0xB] =	stream.linear.gather [spmem:s11], $0x2000, $0x38;
	[tilespmem:$0x1E500] =	vst v63  }
0x49: {  	_ =	swait.ge [sflag:s19], $0x2000  }
0x4a: {  	[sflag:s19] =	ssyncset.done $0x0  }
0x4b: {  	s16 =	rddreg [dreg:$0x5];
	[sflag:s19] =	ssyncadd.s32 $0xFFFFE000  }
0x4c: {  	[hbm4b:s16+s3] =	stream.linear.scatter [tilespmem:s18], [sflag:$0xB], $0x2000, $0x38;
	[tilespmem:$0x1E500] =	vst v63  }
0x4d: {  	_ =	swait.ge [sflag:s19], $0x2000  }
0x4e: {  	[sflag:s19] =	ssyncset.done $0x0  }
0x4f: {  	s20 =	rddreg [dreg:$0x15];
	[sflag:s19] =	ssyncadd.s32 $0xFFFFE000  }
0x50: {  	[tilespmem:s18], [sflag:$0xB] =	stream.linear.gather [spmem:s20], $0x2000, $0x38;
	[tilespmem:$0x1E500] =	vst v63  }
0x51: {  	_ =	swait.ge [sflag:s19], $0x2000  }
0x52: {  	[sflag:s19] =	ssyncset.done $0x0  }
0x53: {  	s25 =	rddreg [dreg:$0x6];
	[sflag:s19] =	ssyncadd.s32 $0xFFFFE000  }
0x54: {  	[hbm4b:s25+s3] =	stream.linear.scatter [tilespmem:s18], [sflag:$0xB], $0x2000, $0x38;
	[tilespmem:$0x1E500] =	vst v63  }
0x55: {  	_ =	swait.ge [sflag:s19], $0x2000  }
0x56: {  	[sflag:s19] =	ssyncset.done $0x0  }
0x57: {  	s28 =	rddreg [dreg:$0x16];
	[sflag:s19] =	ssyncadd.s32 $0xFFFFE000  }
0x58: {  	[tilespmem:s18], [sflag:$0xB] =	stream.linear.gather [spmem:s28], $0x2000, $0x38;
	[tilespmem:$0x1E500] =	vst v63  }
0x59: {  	_ =	swait.ge [sflag:s19], $0x2000  }
0x5a: {  	[sflag:s19] =	ssyncset.done $0x0  }
0x5b: {  	s9 =	rddreg [dreg:$0x7];
	[sflag:s19] =	ssyncadd.s32 $0xFFFFE000  }
0x5c: {  	[hbm4b:s9+s3] =	stream.linear.scatter [tilespmem:s18], [sflag:$0xB], $0x2000, $0x38;
	[tilespmem:$0x1E500] =	vst v63  }
0x5d: {  	_ =	swait.ge [sflag:s19], $0x2000  }
0x5e: {  	[sflag:s19] =	ssyncset.done $0x0  }
0x5f: {  	s10 =	rddreg [dreg:$0x17];
	[sflag:s19] =	ssyncadd.s32 $0xFFFFE000  }
0x60: {  	[tilespmem:s18], [sflag:$0xB] =	stream.linear.gather [spmem:s10], $0x2000, $0x38;
	[tilespmem:$0x1E500] =	vst v63  }
0x61: {  	_ =	swait.ge [sflag:s19], $0x2000  }
0x62: {  	[sflag:s19] =	ssyncset.done $0x0  }
0x63: {  	s11 =	rddreg [dreg:$0x8];
	[sflag:s19] =	ssyncadd.s32 $0xFFFFE000  }
0x64: {  	[hbm4b:s11+s3] =	stream.linear.scatter [tilespmem:s18], [sflag:$0xB], $0x2000, $0x38;
	[tilespmem:$0x1E500] =	vst v63  }
0x65: {  	_ =	swait.ge [sflag:s19], $0x2000  }
0x66: {  	[sflag:s19] =	ssyncset.done $0x0  }
0x67: {  	s16 =	rddreg [dreg:$0x18];
	[sflag:s19] =	ssyncadd.s32 $0xFFFFE000  }
0x68: {  	[tilespmem:s18], [sflag:$0xB] =	stream.linear.gather [spmem:s16], $0x2000, $0x38;
	[tilespmem:$0x1E500] =	vst v63  }
0x69: {  	_ =	swait.ge [sflag:s19], $0x2000  }
0x6a: {  	[sflag:s19] =	ssyncset.done $0x0  }
0x6b: {  	s20 =	rddreg [dreg:$0x9];
	[sflag:s19] =	ssyncadd.s32 $0xFFFFE000  }
0x6c: {  	[hbm4b:s20+s3] =	stream.linear.scatter [tilespmem:s18], [sflag:$0xB], $0x2000, $0x38;
	[tilespmem:$0x1E500] =	vst v63  }
0x6d: {  	_ =	swait.ge [sflag:s19], $0x2000  }
0x6e: {  	[sflag:s19] =	ssyncset.done $0x0  }
0x6f: {  	s25 =	rddreg [dreg:$0x19];
	[sflag:s19] =	ssyncadd.s32 $0xFFFFE000  }
0x70: {  	[tilespmem:s18], [sflag:$0xB] =	stream.linear.gather [spmem:s25], $0x2000, $0x38;
	[tilespmem:$0x1E500] =	vst v63  }
0x71: {  	_ =	swait.ge [sflag:s19], $0x2000  }
0x72: {  	[sflag:s19] =	ssyncset.done $0x0  }
0x73: {  	s28 =	rddreg [dreg:$0xa];
	[sflag:s19] =	ssyncadd.s32 $0xFFFFE000  }
0x74: {  	[hbm4b:s28+s3] =	stream.linear.scatter [tilespmem:s18], [sflag:$0xB], $0x2000, $0x38;
	[tilespmem:$0x1E500] =	vst v63  }
0x75: {  	_ =	swait.ge [sflag:s19], $0x2000  }
0x76: {  	[sflag:s19] =	ssyncset.done $0x0  }
0x77: {  	s9 =	rddreg [dreg:$0x1a];
	[sflag:s19] =	ssyncadd.s32 $0xFFFFE000  }
0x78: {  	[tilespmem:s18], [sflag:$0xB] =	stream.linear.gather [spmem:s9], $0x2000, $0x38;
	[tilespmem:$0x1E500] =	vst v63  }
0x79: {  	_ =	swait.ge [sflag:s19], $0x2000  }
0x7a: {  	[sflag:s19] =	ssyncset.done $0x0  }
0x7b: {  	s10 =	rddreg [dreg:$0xb];
	[sflag:s19] =	ssyncadd.s32 $0xFFFFE000  }
0x7c: {  	[hbm4b:s10+s3] =	stream.linear.scatter [tilespmem:s18], [sflag:$0xB], $0x2000, $0x38;
	[tilespmem:$0x1E500] =	vst v63  }
0x7d: {  	_ =	swait.ge [sflag:s19], $0x2000  }
0x7e: {  	[sflag:s19] =	ssyncset.done $0x0  }
0x7f: {  	s11 =	rddreg [dreg:$0x1b];
	[sflag:s19] =	ssyncadd.s32 $0xFFFFE000  }
0x80: {  	[tilespmem:s18], [sflag:$0xB] =	stream.linear.gather [spmem:s11], $0x2000, $0x38;
	[tilespmem:$0x1E500] =	vst v63  }
0x81: {  	_ =	swait.ge [sflag:s19], $0x2000  }
0x82: {  	[sflag:s19] =	ssyncset.done $0x0  }
0x83: {  	s16 =	rddreg [dreg:$0xc];
	[sflag:s19] =	ssyncadd.s32 $0xFFFFE000  }
0x84: {  	[hbm4b:s16+s3] =	stream.linear.scatter [tilespmem:s18], [sflag:$0xB], $0x2000, $0x38;
	[tilespmem:$0x1E500] =	vst v63  }
0x85: {  	_ =	swait.ge [sflag:s19], $0x2000  }
0x86: {  	[sflag:s19] =	ssyncset.done $0x0  }
0x87: {  	s20 =	rddreg [dreg:$0x1c];
	[sflag:s19] =	ssyncadd.s32 $0xFFFFE000  }
0x88: {  	[tilespmem:s18], [sflag:$0xB] =	stream.linear.gather [spmem:s20], $0x2000, $0x38;
	[tilespmem:$0x1E500] =	vst v63  }
0x89: {  	_ =	swait.ge [sflag:s19], $0x2000  }
0x8a: {  	[sflag:s19] =	ssyncset.done $0x0  }
0x8b: {  	s25 =	rddreg [dreg:$0xd];
	[sflag:s19] =	ssyncadd.s32 $0xFFFFE000  }
0x8c: {  	[hbm4b:s25+s3] =	stream.linear.scatter [tilespmem:s18], [sflag:$0xB], $0x2000, $0x38;
	[tilespmem:$0x1E500] =	vst v63  }
0x8d: {  	_ =	swait.ge [sflag:s19], $0x2000  }
0x8e: {  	s9 =	sld [smem:$0x7F7];
	_ =	sdelay $0x2  }
0x8f: {  	s28 =	rddreg [dreg:$0x13];
	s9 =	sadd.s32 $0x1, s9  }
0x90: {  	p0 =	sne.s32 s9, s28  }
.Ltmp1:
0x91: {  	_ = 	snop;
	(pc) =	sbr.rel @!p0 .LBB2_7-.Ltmp1, $3  }
0x92: {  	_ =	sdelay $0x1  }
0x93: {  	[sflag:s19] =	ssyncset.done $0x0  }
0x94: {  	[sflag:s19] =	ssyncadd.s32 $0xFFFFE000  }
.LBB2_1:
0x95: {  	[smem:$0x7F7] =	sst s9  }
0x96: {  	[tilespmem:s12], [sflag:$0x6] =	stream.linear.gather [hbm4b:s15+s3], $0x100, $0x38;
	[tilespmem:$0x1E500] =	vst v63  }
0x97: {  	s6 =	rddreg [dreg:$0xe]  }
0x98: {  	[tilespmem:s13], [sflag:$0x7] =	stream.linear.gather [hbm4b:s6+s3], $0x100, $0x38;
	[tilespmem:$0x1E500] =	vst v63  }
0x99: {  	s11 =	rddreg [dreg:$0xf];
	s16 =	simm.s32 $0x14200  }
0x9a: {  	[tilespmem:s16], [sflag:$0x8] =	stream.linear.gather [hbm4b:s11+s3], $0x100, $0x38;
	[tilespmem:$0x1E500] =	vst v63  }
0x9b: {  	s20 =	rddreg [dreg:$0x10];
	s25 =	simm.s32 $0x14300  }
0x9c: {  	[tilespmem:s25], [sflag:$0x9] =	stream.linear.gather [hbm4b:s20+s3], $0x100, $0x38;
	[tilespmem:$0x1E500] =	vst v63  }
0x9d: {  	s28 =	rddreg [dreg:$0x11];
	s10 =	simm.s32 $0x0;
	s16 =	simm.s32 $0x200  }
0x9e: {  	[tilespmem:s17], [sflag:$0xA] =	stream.linear.gather [hbm4b:s28+s3], $0x100, $0x38;
	[tilespmem:$0x1E500] =	vst v63  }
.LBB2_2:
0x9f: {  	p0 =	sne.s32 s16, $0x7E00;
	[tilespmem:s10+$0x14570] =	vst v0  }
0xa0: {  	[tilespmem:s10+$0x14500] =	vst v0  }
0xa1: {  	[tilespmem:s10+$0x14510] =	vst v0  }
.Ltmp2:
0xa2: {  	[tilespmem:s10+$0x14520] =	vst v0;
	(pc) =	sbr.rel @p0 .LBB2_2-.Ltmp2, $4  }
0xa3: {  	[tilespmem:s10+$0x14530] =	vst v0  }
0xa4: {  	[tilespmem:s10+$0x14540] =	vst v0  }
0xa5: {  	[tilespmem:s10+$0x14550] =	vst v0  }
0xa6: {  	[tilespmem:s10+$0x14560] =	vst v0;
	s10 =	sshra.s32 s16, $0x2;
	s16 =	sadd.s32 $0x200, s16  }
0xa7: {  	[tilespmem:s10+$0x14570] =	vst v0  }
0xa8: {  	[tilespmem:s10+$0x14500] =	vst v0  }
0xa9: {  	[tilespmem:s10+$0x14510] =	vst v0  }
0xaa: {  	[tilespmem:s10+$0x14520] =	vst v0  }
0xab: {  	[tilespmem:s10+$0x14530] =	vst v0  }
0xac: {  	[tilespmem:s10+$0x14540] =	vst v0  }
0xad: {  	[tilespmem:s10+$0x14550] =	vst v0  }
0xae: {  	[tilespmem:s10+$0x14560] =	vst v0;
	s6 =	rddreg [dreg:$0x12]  }
0xaf: {  	[spmem:s6] =	stream.linear.scatter [tilespmem:s18], [sflag:$0xB], $0x2000, $0x38;
	[tilespmem:$0x1E500] =	vst v63  }
0xb0: {  	_ =	swait.ge [sflag:s19], $0x2000  }
0xb1: {  	[sflag:s19] =	ssyncset.done $0x0  }
0xb2: {  	s10 =	rddreg [dreg:$0x1d];
	[sflag:s19] =	ssyncadd.s32 $0xFFFFE000  }
0xb3: {  	[spmem:s10] =	stream.linear.scatter [tilespmem:s18], [sflag:$0xB], $0x2000, $0x38;
	[tilespmem:$0x1E500] =	vst v63  }
0xb4: {  	_ =	swait.ge [sflag:s19], $0x2000  }
0xb5: {  	[sflag:s19] =	ssyncset.done $0x0  }
0xb6: {  	s11 =	rddreg [dreg:$0x1e];
	[sflag:s19] =	ssyncadd.s32 $0xFFFFE000  }
0xb7: {  	[spmem:s11] =	stream.linear.scatter [tilespmem:s18], [sflag:$0xB], $0x2000, $0x38;
	[tilespmem:$0x1E500] =	vst v63  }
0xb8: {  	_ =	swait.ge [sflag:s19], $0x2000  }
0xb9: {  	[sflag:s19] =	ssyncset.done $0x0  }
0xba: {  	s16 =	rddreg [dreg:$0x1f];
	[sflag:s19] =	ssyncadd.s32 $0xFFFFE000  }
0xbb: {  	[spmem:s16] =	stream.linear.scatter [tilespmem:s18], [sflag:$0xB], $0x2000, $0x38;
	[tilespmem:$0x1E500] =	vst v63  }
0xbc: {  	_ =	swait.ge [sflag:s19], $0x2000  }
0xbd: {  	s20 =	sld [smem:$0x7F8]  }
0xbe: {  	[sflag:s19] =	ssyncset.done $0x0  }
0xbf: {  	[sflag:s19] =	ssyncadd.s32 $0xFFFFE000  }
0xc0: {  	[spmem:s20] =	stream.linear.scatter [tilespmem:s18], [sflag:$0xB], $0x2000, $0x38;
	[tilespmem:$0x1E500] =	vst v63  }
0xc1: {  	_ =	swait.ge [sflag:s19], $0x2000  }
0xc2: {  	s25 =	sld [smem:$0x7F9]  }
0xc3: {  	[sflag:s19] =	ssyncset.done $0x0  }
0xc4: {  	[sflag:s19] =	ssyncadd.s32 $0xFFFFE000  }
0xc5: {  	[spmem:s25] =	stream.linear.scatter [tilespmem:s18], [sflag:$0xB], $0x2000, $0x38;
	[tilespmem:$0x1E500] =	vst v63  }
0xc6: {  	_ =	swait.ge [sflag:s19], $0x2000  }
0xc7: {  	s28 =	sld [smem:$0x7FA]  }
0xc8: {  	[sflag:s19] =	ssyncset.done $0x0  }
0xc9: {  	[sflag:s19] =	ssyncadd.s32 $0xFFFFE000  }
0xca: {  	[spmem:s28] =	stream.linear.scatter [tilespmem:s18], [sflag:$0xB], $0x2000, $0x38;
	[tilespmem:$0x1E500] =	vst v63  }
0xcb: {  	_ =	swait.ge [sflag:s19], $0x2000  }
0xcc: {  	s9 =	sld [smem:$0x7FB]  }
0xcd: {  	[sflag:s19] =	ssyncset.done $0x0  }
0xce: {  	[sflag:s19] =	ssyncadd.s32 $0xFFFFE000  }
0xcf: {  	[spmem:s9] =	stream.linear.scatter [tilespmem:s18], [sflag:$0xB], $0x2000, $0x38;
	[tilespmem:$0x1E500] =	vst v63  }
0xd0: {  	_ =	swait.ge [sflag:s19], $0x2000  }
0xd1: {  	s10 =	sld [smem:$0x7FC]  }
0xd2: {  	[sflag:s19] =	ssyncset.done $0x0  }
0xd3: {  	[sflag:s19] =	ssyncadd.s32 $0xFFFFE000  }
0xd4: {  	[spmem:s10] =	stream.linear.scatter [tilespmem:s18], [sflag:$0xB], $0x2000, $0x38;
	[tilespmem:$0x1E500] =	vst v63  }
0xd5: {  	_ =	swait.ge [sflag:s19], $0x2000  }
0xd6: {  	s11 =	sld [smem:$0x7FD]  }
0xd7: {  	[sflag:s19] =	ssyncset.done $0x0  }
0xd8: {  	[sflag:s19] =	ssyncadd.s32 $0xFFFFE000  }
0xd9: {  	[spmem:s11] =	stream.linear.scatter [tilespmem:s18], [sflag:$0xB], $0x2000, $0x38;
	[tilespmem:$0x1E500] =	vst v63  }
0xda: {  	_ =	swait.ge [sflag:s19], $0x2000  }
0xdb: {  	[sflag:s19] =	ssyncset.done $0x0  }
0xdc: {  	[sflag:s19] =	ssyncadd.s32 $0xFFFFE000  }
0xdd: {  	[bflag:$0x0] =	sbarrier.arrive $0xFFFF  }
0xde: {  	_ =	swait.ge [sflag:s21], $0x100  }
0xdf: {  	[sflag:s21] =	ssyncset.done $0x0  }
0xe0: {  	[sflag:s21] =	ssyncadd.s32 $0xFFFFFF00  }
0xe1: {  	[tilespmem:s18], [sflag:$0x1] =	stream.indirect.gather [hbm4b:s1+s22], $0x80, s12, s22, $0xb8;
	[tilespmem:$0x1E500] =	vst v63  }
0xe2: {  	_ =	swait.ge [sflag:s23], $0x100  }
0xe3: {  	[sflag:s23] =	ssyncset.done $0x0  }
0xe4: {  	s16 =	simm.s32 $0x8;
	[sflag:s23] =	ssyncadd.s32 $0xFFFFFF00  }
0xe5: {  	[tilespmem:s24], [sflag:$0x2] =	stream.indirect.gather [hbm4b:s1+s22], $0x80, s13, s22, $0xb8;
	[tilespmem:$0x1E500] =	vst v63  }
0xe6: {  	_ =	swait.ge [sflag:s16], $0x100  }
0xe7: {  	[sflag:s16] =	ssyncset.done $0x0  }
0xe8: {  	s20 =	simm.s32 $0x14200;
	s25 =	simm.s32 $0x9;
	[sflag:s16] =	ssyncadd.s32 $0xFFFFFF00  }
0xe9: {  	[tilespmem:s26], [sflag:$0x3] =	stream.indirect.gather [hbm4b:s1+s22], $0x80, s20, s22, $0xb8;
	[tilespmem:$0x1E500] =	vst v63  }
0xea: {  	_ =	swait.ge [sflag:s25], $0x100  }
0xeb: {  	s28 =	simm.s32 $0x14300;
	s9 =	simm.s32 $0x1A500;
	[sflag:s25] =	ssyncset.done $0x0  }
0xec: {  	s10 =	simm.s32 $0x0;
	s16 =	simm.s32 $0x0;
	[sflag:s25] =	ssyncadd.s32 $0xFFFFFF00  }
0xed: {  	[tilespmem:s9], [sflag:$0x4] =	stream.indirect.gather [hbm4b:s1+s22], $0x80, s28, s22, $0xb8;
	[tilespmem:$0x1E500] =	vst v63  }
.LBB2_4:
0xee: {  	p0 =	seq.s32 s16, $0x1360  }
.Ltmp3:
0xef: {  	_ = 	snop;
	(pc) =	sbr.rel @p0 .LBB2_8-.Ltmp3, $1  }
0xf0: {  	_ =	sdelay $0x3  }
0xf1: {  	_ =	swait.ge [sflag:s0], $0x100  }
0xf2: {  	[sflag:s0] =	ssyncset.done $0x0  }
0xf3: {  	[sflag:s0] =	ssyncadd.s32 $0xFFFFFF00  }
0xf4: {  	[tilespmem:s4], [sflag:$0x5] =	stream.indirect.gather [hbm4b:s1+s22], $0x80, s17, s22, $0xb8;
	[tilespmem:$0x1E500] =	vst v63  }
0xf5: {  	_ =	swait.ge [sflag:s29], $0x2000  }
0xf6: {  	[sflag:s29] =	ssyncset.done $0x0  }
0xf7: {  	[sflag:s29] =	ssyncadd.s32 $0xFFFFE000  }
0xf8: {  	[spmem:s2] =	stream.indirect.scatter.add.f32 [tilespmem:s18], [sflag:$0xB], $0x80, s30, s22, $0xb8;
	[tilespmem:$0x1E500] =	vst v63  }
0xf9: {  	_ =	swait.ge [sflag:s19], $0x2000  }
0xfa: {  	s11 =	sadd.s32 s16, s15;
	[sflag:s19] =	ssyncset.done $0x0  }
0xfb: {  	s25 =	sadd.s32 $0xA0, s11;
	[sflag:s19] =	ssyncadd.s32 $0xFFFFE000  }
0xfc: {  	[tilespmem:s12], [sflag:$0x6] =	stream.linear.gather [hbm4b:s25+s3], $0x100, $0x38;
	[tilespmem:$0x1E500] =	vst v63  }
0xfd: {  	_ =	swait.ge [sflag:s21], $0x100  }
0xfe: {  	[sflag:s21] =	ssyncset.done $0x0  }
0xff: {  	[sflag:s21] =	ssyncadd.s32 $0xFFFFFF00  }
0x100: {  	[tilespmem:s18], [sflag:$0x1] =	stream.indirect.gather [hbm4b:s1+s22], $0x80, s12, s22, $0xb8;
	[tilespmem:$0x1E500] =	vst v63  }
0x101: {  	_ =	swait.ge [sflag:s31], $0x2000  }
0x102: {  	[sflag:s31] =	ssyncset.done $0x0  }
0x103: {  	[sflag:s31] =	ssyncadd.s32 $0xFFFFE000  }
0x104: {  	[spmem:s2] =	stream.indirect.scatter.add.f32 [tilespmem:s24], [sflag:$0xB], $0x80, s7, s22, $0xb8;
	[tilespmem:$0x1E500] =	vst v63  }
0x105: {  	_ =	swait.ge [sflag:s19], $0x2000  }
0x106: {  	[sflag:s19] =	ssyncset.done $0x0  }
0x107: {  	s11 =	sadd.s32 $0xC0, s11;
	[sflag:s19] =	ssyncadd.s32 $0xFFFFE000  }
0x108: {  	[tilespmem:s13], [sflag:$0x7] =	stream.linear.gather [hbm4b:s11+s3], $0x100, $0x38;
	[tilespmem:$0x1E500] =	vst v63  }
0x109: {  	_ =	swait.ge [sflag:s23], $0x100  }
0x10a: {  	[sflag:s23] =	ssyncset.done $0x0  }
0x10b: {  	[sflag:s23] =	ssyncadd.s32 $0xFFFFFF00  }
0x10c: {  	[tilespmem:s24], [sflag:$0x2] =	stream.indirect.gather [hbm4b:s1+s22], $0x80, s13, s22, $0xb8;
	[tilespmem:$0x1E500] =	vst v63  }
0x10d: {  	_ =	swait.ge [sflag:s5], $0x2000  }
0x10e: {  	[sflag:s5] =	ssyncset.done $0x0  }
0x10f: {  	s6 =	simm.s32 $0x14280;
	[sflag:s5] =	ssyncadd.s32 $0xFFFFE000  }
0x110: {  	[spmem:s2] =	stream.indirect.scatter.add.f32 [tilespmem:s26], [sflag:$0xB], $0x80, s6, s22, $0xb8;
	[tilespmem:$0x1E500] =	vst v63  }
0x111: {  	_ =	swait.ge [sflag:s19], $0x2000  }
0x112: {  	p0 =	sgt.u32 s10, $0x1D;
	[sflag:s19] =	ssyncset.done $0x0  }
0x113: {  	s11 =	simm.s32 @p0 $0x4;
	[sflag:s19] =	ssyncadd.s32 $0xFFFFE000  }
0x114: {  	_ =	swait.ge @p0 [sflag:s11], $0x2000  }
0x115: {  	s28 =	simm.s32 @p0 $0x1A500;
	[sflag:s11] =	ssyncset.done @p0 $0x0  }
0x116: {  	s25 =	simm.s32 @p0 $0x14380;
	[sflag:s11] =	ssyncadd.s32 @p0 $0xFFFFE000;
	s11 =	simm.s32 @p0 $0x40  }
0x117: {  	[spmem:s2] =	stream.indirect.scatter.add.f32 @p0 [tilespmem:s28], [sflag:$0xB], $0x80, s25, s11, $0xb8;
	[tilespmem:$0x1E500] =	vst v63  }
0x118: {  	s11 =	simm.s32 @p0 $0xB  }
0x119: {  	_ =	swait.ge @p0 [sflag:s11], $0x2000  }
0x11a: {  	[sflag:s11] =	ssyncset.done @p0 $0x0  }
0x11b: {  	[sflag:s11] =	ssyncadd.s32 @p0 $0xFFFFE000;
	s11 =	sadd.s32 @!p0 s16, s15  }
0x11c: {  	s20 =	simm.s32 @!p0 $0x14200;
	s28 =	simm.s32 @!p0 $0x0;
	s25 =	sadd.s32 @!p0 $0xE0, s11  }
0x11d: {  	[tilespmem:s20], [sflag:$0x8] =	stream.linear.gather @!p0 [hbm4b:s25+s28], $0x100, $0x38;
	[tilespmem:$0x1E500] =	vst v63  }
0x11e: {  	s25 =	simm.s32 @!p0 $0x8  }
0x11f: {  	_ =	swait.ge @!p0 [sflag:s25], $0x100  }
0x120: {  	[sflag:s25] =	ssyncset.done @!p0 $0x0  }
0x121: {  	s9 =	simm.s32 @!p0 $0x18500;
	[sflag:s25] =	ssyncadd.s32 @!p0 $0xFFFFFF00;
	s25 =	simm.s32 @!p0 $0x40  }
0x122: {  	[tilespmem:s9], [sflag:$0x3] =	stream.indirect.gather @!p0 [hbm4b:s1+s25], $0x80, s20, s25, $0xb8;
	[tilespmem:$0x1E500] =	vst v63  }
0x123: {  	s9 =	simm.s32 @!p0 $0x4  }
0x124: {  	_ =	swait.ge @!p0 [sflag:s9], $0x2000  }
0x125: {  	[sflag:s9] =	ssyncset.done @!p0 $0x0  }
0x126: {  	s20 =	simm.s32 @!p0 $0x1A500;
	[sflag:s9] =	ssyncadd.s32 @!p0 $0xFFFFE000;
	s9 =	simm.s32 @!p0 $0x14380  }
0x127: {  	[spmem:s2] =	stream.indirect.scatter.add.f32 @!p0 [tilespmem:s20], [sflag:$0xB], $0x80, s9, s25, $0xb8;
	[tilespmem:$0x1E500] =	vst v63  }
0x128: {  	s9 =	simm.s32 @!p0 $0xB  }
0x129: {  	_ =	swait.ge @!p0 [sflag:s9], $0x2000  }
0x12a: {  	[sflag:s9] =	ssyncset.done @!p0 $0x0  }
0x12b: {  	s6 =	simm.s32 @!p0 $0x14300;
	[sflag:s9] =	ssyncadd.s32 @!p0 $0xFFFFE000;
	s9 =	sadd.s32 @!p0 $0x100, s11  }
0x12c: {  	[tilespmem:s6], [sflag:$0x9] =	stream.linear.gather @!p0 [hbm4b:s9+s28], $0x100, $0x38;
	[tilespmem:$0x1E500] =	vst v63  }
0x12d: {  	s9 =	simm.s32 @!p0 $0x9  }
0x12e: {  	_ =	swait.ge @!p0 [sflag:s9], $0x100  }
0x12f: {  	[sflag:s9] =	ssyncset.done @!p0 $0x0  }
0x130: {  	[sflag:s9] =	ssyncadd.s32 @!p0 $0xFFFFFF00  }
0x131: {  	[tilespmem:s20], [sflag:$0x4] =	stream.indirect.gather @!p0 [hbm4b:s1+s25], $0x80, s6, s25, $0xb8;
	[tilespmem:$0x1E500] =	vst v63  }
0x132: {  	_ =	swait.ge [sflag:s8], $0x2000  }
0x133: {  	[sflag:s8] =	ssyncset.done $0x0  }
0x134: {  	[sflag:s8] =	ssyncadd.s32 $0xFFFFE000  }
0x135: {  	[spmem:s2] =	stream.indirect.scatter.add.f32 [tilespmem:s4], [sflag:$0xB], $0x80, s14, s22, $0xb8;
	[tilespmem:$0x1E500] =	vst v63  }
0x136: {  	_ =	swait.ge [sflag:s19], $0x2000  }
0x137: {  	s16 =	sadd.s32 $0xA0, s16;
	[sflag:s19] =	ssyncset.done $0x0  }
0x138: {  	s9 =	simm.s32 @!p0 $0x14400;
	s6 =	sadd.s32 @!p0 $0x120, s11;
	[sflag:s19] =	ssyncadd.s32 $0xFFFFE000  }
0x139: {  	[tilespmem:s9], [sflag:$0xA] =	stream.linear.gather @!p0 [hbm4b:s6+s28], $0x100, $0x38;
	[tilespmem:$0x1E500] =	vst v63  }
0x13a: {  	p0 =	sne.s32 s16, $0x1400  }
.Ltmp4:
0x13b: {  	_ = 	snop;
	(pc) =	sbr.rel @p0 .LBB2_4-.Ltmp4, $4  }
.Ltmp5:
0x13c: {  	_ = 	snop;
	(pc) =	sbr.rel @!p0 .LBB2_6-.Ltmp5, $4  }
0x13d: {  	_ = 	snop  }
0x13e: {  	_ = 	snop  }
0x13f: {  	s10 =	sadd.s32 $0x1, s10  }
0x140: {  	_ = 	snop  }
.LBB2_7:
0x141: {  	_ =	sfence.sel $0x180000  }
0x142: {  	[bflag:$0x0] =	sbarrier.arrive $0xFFFF  }
0x143: {  	_ =	strace $0x9000004A  }
0x144: {  	s0 =	stileid.u32;
	[bflag:$0x2] =	sbarrier.arrive $0xFFFF  }
0x145: {  	p0 =	sne.s32 s0, $0x0;
	s0 =	rddreg [dreg:$0x3]  }
0x146: {  	s0 =	sadd.s32 @!p0 $0x100000, s0  }
0x147: {  	[sflag:s0] =	ssyncadd.tile.s32 @!p0 $0x1;
	_ =	shalt  }
.Lfunc_end2:
_tile_overlayer_lowered:
.L_overlay_start_2:
0x148: {  	(tag) =	ssettag $0x2  }
0x149: {  	s0 =	rddreg [dreg:$0x0];
	s2 =	stileid.u32  }
0x14a: {  	s1 =	rddreg [dreg:$0x1];
	p0 =	sne.s32 s2, $0x0  }
0x14b: {  	s3 =	rddreg [dreg:$0x2];
	[bflag:$0x3] =	sbarrier.arrive $0xFFFF;
	s2 =	simm.s32 @!p0 $0x1C0B  }
0x14c: {  	[timem:s3], [sflag:s2] =	dma.local @!p0 [hbm:s0], s1  }
0x14d: {  	s0 =	simm.s32 @!p0 $0xB  }
0x14e: {  	_ =	swait.ge @!p0 [sflag:s0], s1  }
0x14f: {  	s1 =	ssub.s32 @!p0 $0x0, s1;
	[sflag:s0] =	ssyncset.done @!p0 $0x0  }
0x150: {  	[sflag:s0] =	ssyncadd.s32 @!p0 s1  }
0x151: {  	[bflag:$0x3] =	sbarrier.arrive $0xFFFF  }
0x152: {  	_ =	shalt  }

// kernel: kernel.13.cloned.1.call-start
scs
__scs_entry_jumppad:
0x0: {  	(pc) =	sbr.rel $0x88, $3  }
0x1: {  	(tag) =	ssettag $0x0;
	lr =	simm.s32 $0x1  }
0x2: {  	[smem:$0x3F97] =	sst lr;
	_ =	strace $0xD0000000  }
0x3: {  	_ = 	snop  }
0x4: {  	_ = 	snop  }
0x5: {  	_ = 	snop  }
0x6: {  	_ = 	snop  }
0x7: {  	_ = 	snop  }
__scs_overlays_trampoline_lowered:
0x8: {  	[smem:$0x3FA6] =	sst s0  }
0x9: {  	[smem:$0x3FA7] =	sst s1  }
0xa: {  	[smem:$0x3FA8] =	sst s2  }
0xb: {  	[smem:$0x3FA9] =	sst s3  }
0xc: {  	[smem:$0x3FAA] =	sst s4  }
0xd: {  	[smem:$0x3FAB] =	sst s5  }
0xe: {  	[smem:$0x3FAC] =	sst s6  }
0xf: {  	[smem:$0x3FAD] =	sst s7  }
0x10: {  	[smem:$0x3FAE] =	sst s8  }
0x11: {  	[smem:$0x3FAF] =	sst s9;
	s0 =	simm.s32 @!p0 $0x0  }
0x12: {  	s1 =	sld [smem:$0x3F95];
	s0 =	simm.s32 @p0 $0x1  }
0x13: {  	[smem:$0x3FB0] =	sst s0;
	s0 =	simm.s32 @!p1 $0x0  }
0x14: {  	s2 =	sld [smem:$0x3F94];
	s0 =	simm.s32 @p1 $0x1  }
0x15: {  	[smem:$0x3FB1] =	sst s0;
	s0 =	simm.s32 @!p2 $0x0  }
0x16: {  	s3 =	sld [smem:$0x3FDB];
	s0 =	simm.s32 @p2 $0x1  }
0x17: {  	s4 =	simm.s32 $0x1BF5;
	[smem:$0x3FB3] =	sst s0  }
0x18: {  	s0 =	sld [smem:$0x3F96];
	_ =	swait.ge [sflag:s4], $0x0  }
0x19: {  	s7 =	sld [smem:$0x3F97]  }
0x1a: {  	s8 =	sadd.s32 $0xFFFFE003, lr  }
0x1b: {  	s9 =	sadd.s32 $0xFFFFFEF7, lr;
	s5 =	simm.s32 $0xFFFFFFFF;
	p2 =	slt.u32 s8, $0xFFFFF086  }
0x1c: {  	p1 =	slt.u32 s9, $0xF7A;
	s5 =	simm.s32 @!p2 $0x0  }
0x1d: {  	s5 =	simm.s32 @p1 $0x1;
	p0 =	seq.s32 s7, s2  }
0x1e: {  	s7 =	smul.u32 @!p0 $0xF7A, s2;
	p2 =	seq.s32 @!p0 s5, $0x0  }
0x1f: {  	s9 =	smul.u32 $0xF7A, s1;
	s8 =	simm.s32 @!p0 $0x1BF5;
	p2 =	por !p2, p0  }
0x20: {  	[sflag:s8] =	ssyncset.s32 @!p0 $0xFFFFF086;
	s6 =	sadd.s32 @!p0 s3, s7;
	s7 =	simm.s32 @!p0 $0x108  }
0x21: {  	s3 =	sadd.s32 s3, s9;
	s6 =	sadd.s32 @!p0 $0x88, s6;
	s7 =	simm.s32 @p2 $0x1082  }
0x22: {  	[simem:s7], [sflag:s8] =	dma.local @!p0 [hbm:s6], $0xF7A  }
0x23: {  	s9 =	sor.u32 $0xD0000000, s2;
	s6 =	simm.s32 $0x108;
	_ =	swait.ge @!p0 [sflag:s8], $0x0  }
0x24: {  	s3 =	sadd.s32 $0x88, s3;
	s6 =	simm.s32 @!p1 $0x1082;
	[sflag:s4] =	ssyncset.s32 $0xFFFFF086  }
0x25: {  	[simem:s6], [sflag:s4] =	dma.local [hbm:s3], $0xF7A  }
0x26: {  	[smem:$0x3F97] =	sst s1;
	(tag) =	ssettag s2;
	_ =	strace s9  }
0x27: {  	s1 =	sld [smem:$0x3FA7]  }
0x28: {  	s2 =	sld [smem:$0x3FA8]  }
0x29: {  	s4 =	sld [smem:$0x3FAA]  }
0x2a: {  	p0 =	seq.s32 s5, $0x0;
	s5 =	sld [smem:$0x3FAB]  }
0x2b: {  	s6 =	sld [smem:$0x3FAC]  }
0x2c: {  	s7 =	sld [smem:$0x3FAD]  }
0x2d: {  	s3 =	simm.s32 $0x108;
	s8 =	sld [smem:$0x3FAE]  }
0x2e: {  	s3 =	simm.s32 @!p0 $0x1082;
	s9 =	sld [smem:$0x3FAF]  }
0x2f: {  	lr =	sadd.s32 s0, s3;
	s0 =	sld [smem:$0x3FA6]  }
0x30: {  	s3 =	sld [smem:$0x3FA9]  }
0x31: {  	[smem:$0x3FB2] =	sst s10  }
0x32: {  	s10 =	sld [smem:$0x3FB0];
	_ =	sdelay $0x3  }
0x33: {  	p0 =	seq.s32 s10, $0x1;
	s10 =	sld [smem:$0x3FB2];
	_ =	sdelay $0x3  }
0x34: {  	[smem:$0x3FB2] =	sst s10  }
0x35: {  	s10 =	sld [smem:$0x3FB1];
	_ =	sdelay $0x3  }
0x36: {  	p1 =	seq.s32 s10, $0x1;
	s10 =	sld [smem:$0x3FB2];
	_ =	sdelay $0x3  }
0x37: {  	[smem:$0x3FB2] =	sst s10  }
0x38: {  	s10 =	sld [smem:$0x3FB3]  }
0x39: {  	_ = 	snop;
	(pc) =	sbr.ind lr, $3  }
0x3a: {  	_ = 	snop  }
0x3b: {  	_ = 	snop  }
0x3c: {  	p2 =	seq.s32 s10, $0x1;
	s10 =	sld [smem:$0x3FB2]  }
0x3d: {  	_ =	shalt  }
0x3e: {  	_ =	shalt  }
0x3f: {  	_ =	shalt  }
0x40: {  	_ =	shalt  }
0x41: {  	_ =	shalt  }
0x42: {  	_ =	shalt  }
0x43: {  	_ =	shalt  }
0x44: {  	_ =	shalt  }
0x45: {  	_ =	shalt  }
0x46: {  	_ =	shalt  }
0x47: {  	_ =	shalt  }
0x48: {  	_ =	shalt  }
0x49: {  	_ =	shalt  }
0x4a: {  	_ =	shalt  }
0x4b: {  	_ =	shalt  }
0x4c: {  	_ =	shalt  }
0x4d: {  	_ =	shalt  }
0x4e: {  	_ =	shalt  }
0x4f: {  	_ =	shalt  }
0x50: {  	_ =	shalt  }
0x51: {  	_ =	shalt  }
0x52: {  	_ =	shalt  }
0x53: {  	_ =	shalt  }
0x54: {  	_ =	shalt  }
0x55: {  	_ =	shalt  }
0x56: {  	_ =	shalt  }
0x57: {  	_ =	shalt  }
0x58: {  	_ =	shalt  }
0x59: {  	_ =	shalt  }
0x5a: {  	_ =	shalt  }
0x5b: {  	_ =	shalt  }
0x5c: {  	_ =	shalt  }
0x5d: {  	_ =	shalt  }
0x5e: {  	_ =	shalt  }
0x5f: {  	_ =	shalt  }
0x60: {  	_ =	shalt  }
0x61: {  	_ =	shalt  }
0x62: {  	_ =	shalt  }
0x63: {  	_ =	shalt  }
0x64: {  	_ =	shalt  }
0x65: {  	_ =	shalt  }
0x66: {  	_ =	shalt  }
0x67: {  	_ =	shalt  }
0x68: {  	_ =	shalt  }
0x69: {  	_ =	shalt  }
0x6a: {  	_ =	shalt  }
0x6b: {  	_ =	shalt  }
0x6c: {  	_ =	shalt  }
0x6d: {  	_ =	shalt  }
0x6e: {  	_ =	shalt  }
0x6f: {  	_ =	shalt  }
0x70: {  	_ =	shalt  }
0x71: {  	_ =	shalt  }
0x72: {  	_ =	shalt  }
0x73: {  	_ =	shalt  }
0x74: {  	_ =	shalt  }
0x75: {  	_ =	shalt  }
0x76: {  	_ =	shalt  }
0x77: {  	_ =	shalt  }
0x78: {  	_ =	shalt  }
0x79: {  	_ =	shalt  }
0x7a: {  	_ =	shalt  }
0x7b: {  	_ =	shalt  }
0x7c: {  	_ =	shalt  }
0x7d: {  	_ =	shalt  }
0x7e: {  	_ =	shalt  }
0x7f: {  	_ =	shalt  }
0x80: {  	_ =	shalt  }
0x81: {  	_ =	shalt  }
0x82: {  	_ =	shalt  }
0x83: {  	_ =	shalt  }
0x84: {  	_ =	shalt  }
0x85: {  	_ =	shalt  }
0x86: {  	_ =	shalt  }
0x87: {  	_ =	shalt  }
.Lfunc_end0:
.L_simem_size_0:
called_computation.2_lowered:
.L_overlay_start_0:
0x88: {  	s2 =	sld [smem:$0x3FD9]  }
0x89: {  	s3 =	sld [smem:$0x3FFE];
	_ =	sdelay $0x1  }
0x8a: {  	s1 =	srdreg.scid  }
0x8b: {  	s0 =	sand.u32 $0x1, s1  }
0x8c: {  	s16 =	sshll.u32 s0, $0xA;
	s2 =	sadd.s32 s3, s2  }
0x8d: {  	s2 =	sadd.s32 s2, s16  }
0x8e: {  	[smem:$0x3FBE] =	sst s2  }
0x8f: {  	_ = 	snop  }
0x90: {  	(tm) =	ssettm $0x1  }
0x91: {  	s17 =	sld [smem:$0x3FFB];
	_ =	sdelay $0x3  }
0x92: {  	_ =	strace s17  }
0x93: {  	s2 =	sld [smem:$0x3FFC];
	_ =	sdelay $0x3  }
0x94: {  	_ =	strace s2  }
0x95: {  	s2 =	sld [smem:$0x3FFD];
	_ =	sdelay $0x3  }
0x96: {  	_ =	strace s2  }
0x97: {  	_ =	strace $0x8FFFFFFF  }
0x98: {  	s18 =	sld [smem:$0x3FDB];
	_ =	sdelay $0x1  }
0x99: {  	s19 =	simm.s32 $_scs_section_size  }
0x9a: {  	s4 =	simm.s32 $_size__tile_overlayer_lowered;
	s5 =	simm.s32 $_tile_overlayer_lowered  }
0x9b: {  	s22 =	simm.s32 $0x1BFF;
	s21 =	sshll.u32 s5, $0x1;
	s2 =	sadd.s32 s19, s18  }
0x9c: {  	s6 =	simm.s32 $0x0;
	s20 =	sshll.u32 s4, $0x1;
	s4 =	sadd.s32 s21, s2  }
0x9d: {  	[timem:s6], [sflag:s22] =	dma.local [hbm:s4], s20  }
0x9e: {  	_ =	swait.ge [sflag:s22], s20  }
0x9f: {  	s3 =	ssub.s32 $0x0, s20;
	[sflag:s22] =	ssyncset.done $0x0  }
0xa0: {  	[sflag:s22] =	ssyncadd.s32 s3;
	_ =	sdelay $0x1  }
0xa1: {  	s23 =	simm.s32 $0x1B8B  }
0xa2: {  	_ =	swait.ge [sflag:s23], $0x1  }
0xa3: {  	[sflag:s23] =	ssyncset.done $0x0  }
0xa4: {  	s25 =	simm.s32 $0x1B8E;
	s24 =	sld [smem:$0x3FFE];
	[sflag:s23] =	ssyncadd.s32 $0xFFFFFFFF  }
0xa5: {  	s26 =	simm.s32 $execute0_lowered;
	[smem:$0x3FD2] =	sst s25  }
0xa6: {  	s4 =	sshll.u32 s26, $0x1;
	_ =	strace $0x8000004C;
	[dreg:$0x1] =	wrdreg $0xFFFFFFFF  }
0xa7: {  	s28 =	simm.s32 $_size_execute0_lowered;
	s2 =	sadd.s32 s2, s4;
	[dreg:$0x0] =	wrdreg $0x0  }
0xa8: {  	s4 =	sshll.u32 s28, $0x1;
	[dreg:$0x2] =	wrdreg s2  }
0xa9: {  	[dreg:$0x3] =	wrdreg s4  }
0xaa: {  	[dreg:$0x4] =	wrdreg $0xC0  }
0xab: {  	_ =	task [dreg:s6], $0x5FFFF  }
0xac: {  	[dreg:$0x1] =	wrdreg $0xFFFFFFFF  }
0xad: {  	[dreg:$0x0] =	wrdreg $0x60  }
0xae: {  	[dreg:$0x2] =	wrdreg s24  }
0xaf: {  	[dreg:$0x3] =	wrdreg $0x0  }
0xb0: {  	[dreg:$0x4] =	wrdreg $0x9  }
0xb1: {  	_ =	task.clear_ibuf [dreg:s6], $0x5FFFF;
	_ =	strace $0x9000004C  }
0xb2: {  	s29 =	simm.s32 $0x9;
	_ =	strace $0x8000004E  }
0xb3: {  	_ =	swait.ge [sflag:s29], $0x1  }
0xb4: {  	[sflag:s29] =	ssyncadd.s32 $0xFFFFFFFF  }
0xb5: {  	_ =	strace $0x9000004E  }
0xb6: {  	_ =	sfence  }
0xb7: {  	s30 =	sld [smem:$0x0];
	_ =	sdelay $0x2  }
0xb8: {  	s31 =	sshll.u32 s1, $0xD;
	s1 =	sshrl.u32 s1, $0x2  }
0xb9: {  	s3 =	sand.u32 $0x4000, s31;
	s1 =	sadd.s32 s1, s30  }
0xba: {  	s0 =	sor.u32 s3, s0;
	s1 =	sshll.u32 s1, $0x11  }
0xbb: {  	s0 =	sor.u32 s1, s0  }
0xbc: {  	s0 =	sadd.s32 $0x8F2B, s0  }
0xbd: {  	[sflag:s0] =	ssyncadd.remote.s32 $0x1  }
0xbe: {  	_ =	sfence.sel $0xFFFF  }
0xbf: {  	[dreg:$0x0] =	wrdreg $0xFFFFFFFF;
	(pc) =	sbr.abs _section_cstart, $3  }
0xc0: {  	[dreg:$0x1] =	wrdreg $0xFFFFFFFF  }
0xc1: {  	_ =	task.clear_ibuf [dreg:s6], $0x2FFFF;
	_ =	strace $0x9FFFFFFF  }
0xc2: {  	(tm) =	ssettm $0x7FFFFFFF  }
0xc3: {  	_ =	shalt  }
tec
execute0_lowered:
.L_overlay_start_1:
0x0: {  	(tag) =	ssettag $0x1  }
0x1: {  	s0 =	rddreg [dreg:$0x0]  }
0x2: {  	s1 =	rddreg [dreg:$0x1]  }
0x3: {  	s3 =	simm.s32 $0x0;
	s2 =	srdreg.scid;
	s9 =	stileid.u32  }
0x4: {  	s29 =	simm.s32 $0x1;
	s2 =	sand.u32 $0x1, s2;
	s6 =	smul.u32 $0x280, s9  }
0x5: {  	[smem:$0x7FF] =	sst s3;
	s24 =	smul.u32 $0x50000, s9;
	s4 =	sshll.u32 s2, $0x4  }
0x6: {  	s5 =	smul.u32 $0x28000, s2;
	s2 =	ssub.s32 $0x2, s2;
	s4 =	sor.u32 s9, s4  }
0x7: {  	s7 =	sshrl.u32 s2, $0x1;
	s8 =	sor.u32 $0x40, s6;
	s9 =	smul.u32 $0x2800, s9  }
0x8: {  	s11 =	sadd.s32 $0x80, s6;
	s12 =	sadd.s32 $0xC0, s6;
	s13 =	sadd.s32 $0x100, s6  }
0x9: {  	s17 =	sadd.s32 $0x140, s6;
	s18 =	sadd.s32 $0x180, s6;
	s19 =	sadd.s32 $0x1C0, s6  }
0xa: {  	s23 =	sadd.s32 $0x200, s6;
	s6 =	sadd.s32 $0x240, s6;
	s5 =	sadd.s32 s5, s0  }
0xb: {  	s4 =	smul.u32 $0x13A0, s4;
	s2 =	ssub.s32 s2, s7;
	s5 =	sadd.s32 $0x50600, s5  }
0xc: {  	s10 =	sshll.u32 s8, $0x4;
	s14 =	sshll.u32 s11, $0x4;
	s9 =	sadd.s32 s9, s5  }
0xd: {  	s15 =	sshll.u32 s12, $0x4;
	s25 =	sadd.s32 s10, s5;
	[dreg:$0x3] =	wrdreg s9  }
0xe: {  	s16 =	sshll.u32 s13, $0x4;
	s26 =	sadd.s32 s14, s5;
	[dreg:$0x4] =	wrdreg s25  }
0xf: {  	s20 =	sshll.u32 s17, $0x4;
	s28 =	sadd.s32 s15, s5;
	[dreg:$0x5] =	wrdreg s26  }
0x10: {  	s21 =	sshll.u32 s18, $0x4;
	s10 =	sadd.s32 s16, s5;
	[dreg:$0x6] =	wrdreg s28  }
0x11: {  	s22 =	sshll.u32 s19, $0x4;
	s14 =	sadd.s32 s20, s5;
	[dreg:$0x7] =	wrdreg s10  }
0x12: {  	s15 =	sadd.s32 s21, s5;
	s16 =	sadd.s32 s22, s5;
	[dreg:$0x8] =	wrdreg s14  }
0x13: {  	s20 =	sshll.u32 s23, $0x4;
	s21 =	sshll.u32 s6, $0x4;
	[dreg:$0x9] =	wrdreg s15  }
0x14: {  	s4 =	sadd.s32 s4, s0;
	[dreg:$0xa] =	wrdreg s16;
	s9 =	sadd.s32 s20, s5  }
0x15: {  	s22 =	sshrl.u32 s24, $0x2;
	s5 =	sadd.s32 s21, s5;
	[dreg:$0xb] =	wrdreg s9  }
0x16: {  	s14 =	sadd.s32 $0x29400, s0;
	s24 =	sadd.s32 $0x2020, s4;
	[dreg:$0xc] =	wrdreg s5  }
0x17: {  	s25 =	sadd.s32 $0x2040, s4;
	_ =	strace $0x8000004D;
	[dreg:$0xd] =	wrdreg s24  }
0x18: {  	s15 =	sadd.s32 $0x2000, s4;
	s26 =	sadd.s32 $0x2060, s4;
	[dreg:$0xe] =	wrdreg s25  }
0x19: {  	s4 =	sadd.s32 $0x2080, s4;
	s28 =	smax.u32 s2, $0x1;
	[dreg:$0xf] =	wrdreg s26  }
0x1a: {  	s2 =	sshll.u32 s8, $0x7;
	s10 =	sshll.u32 s17, $0x7;
	[dreg:$0x10] =	wrdreg s4  }
0x1b: {  	s16 =	sshll.u32 s23, $0x7;
	s0 =	sadd.s32 s2, s1;
	[dreg:$0x12] =	wrdreg s28  }
0x1c: {  	s5 =	sshll.u32 s11, $0x7;
	s11 =	sadd.s32 s10, s1;
	[dreg:$0x13] =	wrdreg s0  }
0x1d: {  	s30 =	simm.s32 $0x14080;
	s17 =	sadd.s32 s16, s1;
	[dreg:$0x17] =	wrdreg s11  }
0x1e: {  	s8 =	sshll.u32 s12, $0x7;
	s7 =	sadd.s32 s5, s1;
	[dreg:$0x1a] =	wrdreg s17  }
0x1f: {  	s31 =	simm.s32 $0x2;
	s0 =	sadd.s32 s8, s1;
	[dreg:$0x14] =	wrdreg s7  }
0x20: {  	s9 =	sshll.u32 s13, $0x7;
	s4 =	sadd.s32 s22, s1;
	[dreg:$0x15] =	wrdreg s0  }
0x21: {  	s12 =	sshll.u32 s18, $0x7;
	s0 =	sadd.s32 s9, s1;
	[dreg:$0x11] =	wrdreg s4  }
0x22: {  	s13 =	sshll.u32 s19, $0x7;
	s19 =	sadd.s32 $0x2000, s4;
	[dreg:$0x16] =	wrdreg s0  }
0x23: {  	s18 =	sshll.u32 s6, $0x7;
	s20 =	sadd.s32 $0x4000, s4;
	[dreg:$0x1c] =	wrdreg s19  }
0x24: {  	s2 =	simm.s32 $0xA;
	s21 =	sadd.s32 $0x6000, s4;
	[dreg:$0x1d] =	wrdreg s20  }
0x25: {  	s11 =	simm.s32 $0x14000;
	s22 =	sadd.s32 $0x8000, s4;
	[dreg:$0x1e] =	wrdreg s21  }
0x26: {  	s17 =	simm.s32 $0x14400;
	s23 =	sadd.s32 $0xA000, s4;
	[dreg:$0x1f] =	wrdreg s22  }
0x27: {  	s5 =	simm.s32 $0x3;
	s24 =	sadd.s32 $0xC000, s4;
	[smem:$0x7F9] =	sst s23  }
0x28: {  	s8 =	simm.s32 $0x0;
	s25 =	sadd.s32 $0xE000, s4;
	[smem:$0x7FA] =	sst s24  }
0x29: {  	s26 =	sadd.s32 $0x10000, s4;
	s28 =	sadd.s32 $0x12000, s4;
	[smem:$0x7FB] =	sst s25  }
0x2a: {  	s4 =	simm.s32 $0x1C500;
	s7 =	simm.s32 $0x5;
	[smem:$0x7FC] =	sst s26  }
0x2b: {  	s0 =	sadd.s32 s12, s1;
	[smem:$0x7FD] =	sst s28;
	s12 =	simm.s32 $0x14100  }
.Ltmp0:
0x2c: {  	s19 =	simm.s32 $0xB;
	s21 =	simm.s32 $0x6;
	(pc) =	sbr.rel .LBB2_1-.Ltmp0, $4  }
0x2d: {  	s22 =	simm.s32 $0x40;
	s23 =	simm.s32 $0x7;
	s24 =	simm.s32 $0x16500  }
0x2e: {  	s26 =	simm.s32 $0x18500;
	[dreg:$0x18] =	wrdreg s0;
	s0 =	sadd.s32 s13, s1  }
0x2f: {  	s13 =	simm.s32 $0x14480;
	[dreg:$0x19] =	wrdreg s0;
	s0 =	sadd.s32 s18, s1  }
0x30: {  	v0 =	vimm.f32 $0.0e+00;
	s18 =	simm.s32 $0x14500;
	[dreg:$0x1b] =	wrdreg s0;
	s0 =	simm.s32 $0x14180  }
.LBB2_8:
0x31: {  	_ =	swait.ge [sflag:s29], $0x2000  }
0x32: {  	[sflag:s29] =	ssyncset.done $0x0  }
0x33: {  	[sflag:s29] =	ssyncadd.s32 $0xFFFFE000  }
0x34: {  	[spmem:s1] =	stream.indirect.scatter.add.f32 [tilespmem:s18], [sflag:$0xB], $0x80, s30, s22, $0xb8;
	[tilespmem:$0x1E500] =	vst v63  }
0x35: {  	_ =	swait.ge [sflag:s19], $0x2000  }
0x36: {  	[sflag:s19] =	ssyncset.done $0x0  }
0x37: {  	[sflag:s19] =	ssyncadd.s32 $0xFFFFE000  }
0x38: {  	_ =	swait.ge [sflag:s31], $0x2000  }
0x39: {  	[sflag:s31] =	ssyncset.done $0x0  }
0x3a: {  	[sflag:s31] =	ssyncadd.s32 $0xFFFFE000  }
0x3b: {  	[spmem:s1] =	stream.indirect.scatter.add.f32 [tilespmem:s24], [sflag:$0xB], $0x80, s0, s22, $0xb8;
	[tilespmem:$0x1E500] =	vst v63  }
0x3c: {  	_ =	swait.ge [sflag:s19], $0x2000  }
0x3d: {  	[sflag:s19] =	ssyncset.done $0x0  }
0x3e: {  	[sflag:s19] =	ssyncadd.s32 $0xFFFFE000  }
.LBB2_6:
0x3f: {  	[bflag:$0x0] =	sbarrier.arrive $0xFFFF  }
0x40: {  	s6 =	rddreg [dreg:$0x11]  }
0x41: {  	[tilespmem:s18], [sflag:$0xB] =	stream.linear.gather [spmem:s6], $0x2000, $0x38;
	[tilespmem:$0x1E500] =	vst v63  }
0x42: {  	_ =	swait.ge [sflag:s19], $0x2000  }
0x43: {  	[sflag:s19] =	ssyncset.done $0x0  }
0x44: {  	s9 =	rddreg [dreg:$0x3];
	[sflag:s19] =	ssyncadd.s32 $0xFFFFE000  }
0x45: {  	[hbm4b:s9+s3] =	stream.linear.scatter [tilespmem:s18], [sflag:$0xB], $0x2000, $0x38;
	[tilespmem:$0x1E500] =	vst v63  }
0x46: {  	_ =	swait.ge [sflag:s19], $0x2000  }
0x47: {  	[sflag:s19] =	ssyncset.done $0x0  }
0x48: {  	s10 =	rddreg [dreg:$0x13];
	[sflag:s19] =	ssyncadd.s32 $0xFFFFE000  }
0x49: {  	[tilespmem:s18], [sflag:$0xB] =	stream.linear.gather [spmem:s10], $0x2000, $0x38;
	[tilespmem:$0x1E500] =	vst v63  }
0x4a: {  	_ =	swait.ge [sflag:s19], $0x2000  }
0x4b: {  	[sflag:s19] =	ssyncset.done $0x0  }
0x4c: {  	s16 =	rddreg [dreg:$0x4];
	[sflag:s19] =	ssyncadd.s32 $0xFFFFE000  }
0x4d: {  	[hbm4b:s16+s3] =	stream.linear.scatter [tilespmem:s18], [sflag:$0xB], $0x2000, $0x38;
	[tilespmem:$0x1E500] =	vst v63  }
0x4e: {  	_ =	swait.ge [sflag:s19], $0x2000  }
0x4f: {  	[sflag:s19] =	ssyncset.done $0x0  }
0x50: {  	s20 =	rddreg [dreg:$0x14];
	[sflag:s19] =	ssyncadd.s32 $0xFFFFE000  }
0x51: {  	[tilespmem:s18], [sflag:$0xB] =	stream.linear.gather [spmem:s20], $0x2000, $0x38;
	[tilespmem:$0x1E500] =	vst v63  }
0x52: {  	_ =	swait.ge [sflag:s19], $0x2000  }
0x53: {  	[sflag:s19] =	ssyncset.done $0x0  }
0x54: {  	s25 =	rddreg [dreg:$0x5];
	[sflag:s19] =	ssyncadd.s32 $0xFFFFE000  }
0x55: {  	[hbm4b:s25+s3] =	stream.linear.scatter [tilespmem:s18], [sflag:$0xB], $0x2000, $0x38;
	[tilespmem:$0x1E500] =	vst v63  }
0x56: {  	_ =	swait.ge [sflag:s19], $0x2000  }
0x57: {  	[sflag:s19] =	ssyncset.done $0x0  }
0x58: {  	s28 =	rddreg [dreg:$0x15];
	[sflag:s19] =	ssyncadd.s32 $0xFFFFE000  }
0x59: {  	[tilespmem:s18], [sflag:$0xB] =	stream.linear.gather [spmem:s28], $0x2000, $0x38;
	[tilespmem:$0x1E500] =	vst v63  }
0x5a: {  	_ =	swait.ge [sflag:s19], $0x2000  }
0x5b: {  	[sflag:s19] =	ssyncset.done $0x0  }
0x5c: {  	s8 =	rddreg [dreg:$0x6];
	[sflag:s19] =	ssyncadd.s32 $0xFFFFE000  }
0x5d: {  	[hbm4b:s8+s3] =	stream.linear.scatter [tilespmem:s18], [sflag:$0xB], $0x2000, $0x38;
	[tilespmem:$0x1E500] =	vst v63  }
0x5e: {  	_ =	swait.ge [sflag:s19], $0x2000  }
0x5f: {  	[sflag:s19] =	ssyncset.done $0x0  }
0x60: {  	s9 =	rddreg [dreg:$0x16];
	[sflag:s19] =	ssyncadd.s32 $0xFFFFE000  }
0x61: {  	[tilespmem:s18], [sflag:$0xB] =	stream.linear.gather [spmem:s9], $0x2000, $0x38;
	[tilespmem:$0x1E500] =	vst v63  }
0x62: {  	_ =	swait.ge [sflag:s19], $0x2000  }
0x63: {  	[sflag:s19] =	ssyncset.done $0x0  }
0x64: {  	s10 =	rddreg [dreg:$0x7];
	[sflag:s19] =	ssyncadd.s32 $0xFFFFE000  }
0x65: {  	[hbm4b:s10+s3] =	stream.linear.scatter [tilespmem:s18], [sflag:$0xB], $0x2000, $0x38;
	[tilespmem:$0x1E500] =	vst v63  }
0x66: {  	_ =	swait.ge [sflag:s19], $0x2000  }
0x67: {  	[sflag:s19] =	ssyncset.done $0x0  }
0x68: {  	s16 =	rddreg [dreg:$0x17];
	[sflag:s19] =	ssyncadd.s32 $0xFFFFE000  }
0x69: {  	[tilespmem:s18], [sflag:$0xB] =	stream.linear.gather [spmem:s16], $0x2000, $0x38;
	[tilespmem:$0x1E500] =	vst v63  }
0x6a: {  	_ =	swait.ge [sflag:s19], $0x2000  }
0x6b: {  	[sflag:s19] =	ssyncset.done $0x0  }
0x6c: {  	s20 =	rddreg [dreg:$0x8];
	[sflag:s19] =	ssyncadd.s32 $0xFFFFE000  }
0x6d: {  	[hbm4b:s20+s3] =	stream.linear.scatter [tilespmem:s18], [sflag:$0xB], $0x2000, $0x38;
	[tilespmem:$0x1E500] =	vst v63  }
0x6e: {  	_ =	swait.ge [sflag:s19], $0x2000  }
0x6f: {  	[sflag:s19] =	ssyncset.done $0x0  }
0x70: {  	s25 =	rddreg [dreg:$0x18];
	[sflag:s19] =	ssyncadd.s32 $0xFFFFE000  }
0x71: {  	[tilespmem:s18], [sflag:$0xB] =	stream.linear.gather [spmem:s25], $0x2000, $0x38;
	[tilespmem:$0x1E500] =	vst v63  }
0x72: {  	_ =	swait.ge [sflag:s19], $0x2000  }
0x73: {  	[sflag:s19] =	ssyncset.done $0x0  }
0x74: {  	s28 =	rddreg [dreg:$0x9];
	[sflag:s19] =	ssyncadd.s32 $0xFFFFE000  }
0x75: {  	[hbm4b:s28+s3] =	stream.linear.scatter [tilespmem:s18], [sflag:$0xB], $0x2000, $0x38;
	[tilespmem:$0x1E500] =	vst v63  }
0x76: {  	_ =	swait.ge [sflag:s19], $0x2000  }
0x77: {  	[sflag:s19] =	ssyncset.done $0x0  }
0x78: {  	s8 =	rddreg [dreg:$0x19];
	[sflag:s19] =	ssyncadd.s32 $0xFFFFE000  }
0x79: {  	[tilespmem:s18], [sflag:$0xB] =	stream.linear.gather [spmem:s8], $0x2000, $0x38;
	[tilespmem:$0x1E500] =	vst v63  }
0x7a: {  	_ =	swait.ge [sflag:s19], $0x2000  }
0x7b: {  	[sflag:s19] =	ssyncset.done $0x0  }
0x7c: {  	s9 =	rddreg [dreg:$0xa];
	[sflag:s19] =	ssyncadd.s32 $0xFFFFE000  }
0x7d: {  	[hbm4b:s9+s3] =	stream.linear.scatter [tilespmem:s18], [sflag:$0xB], $0x2000, $0x38;
	[tilespmem:$0x1E500] =	vst v63  }
0x7e: {  	_ =	swait.ge [sflag:s19], $0x2000  }
0x7f: {  	[sflag:s19] =	ssyncset.done $0x0  }
0x80: {  	s10 =	rddreg [dreg:$0x1a];
	[sflag:s19] =	ssyncadd.s32 $0xFFFFE000  }
0x81: {  	[tilespmem:s18], [sflag:$0xB] =	stream.linear.gather [spmem:s10], $0x2000, $0x38;
	[tilespmem:$0x1E500] =	vst v63  }
0x82: {  	_ =	swait.ge [sflag:s19], $0x2000  }
0x83: {  	[sflag:s19] =	ssyncset.done $0x0  }
0x84: {  	s16 =	rddreg [dreg:$0xb];
	[sflag:s19] =	ssyncadd.s32 $0xFFFFE000  }
0x85: {  	[hbm4b:s16+s3] =	stream.linear.scatter [tilespmem:s18], [sflag:$0xB], $0x2000, $0x38;
	[tilespmem:$0x1E500] =	vst v63  }
0x86: {  	_ =	swait.ge [sflag:s19], $0x2000  }
0x87: {  	[sflag:s19] =	ssyncset.done $0x0  }
0x88: {  	s20 =	rddreg [dreg:$0x1b];
	[sflag:s19] =	ssyncadd.s32 $0xFFFFE000  }
0x89: {  	[tilespmem:s18], [sflag:$0xB] =	stream.linear.gather [spmem:s20], $0x2000, $0x38;
	[tilespmem:$0x1E500] =	vst v63  }
0x8a: {  	_ =	swait.ge [sflag:s19], $0x2000  }
0x8b: {  	[sflag:s19] =	ssyncset.done $0x0  }
0x8c: {  	s25 =	rddreg [dreg:$0xc];
	[sflag:s19] =	ssyncadd.s32 $0xFFFFE000  }
0x8d: {  	[hbm4b:s25+s3] =	stream.linear.scatter [tilespmem:s18], [sflag:$0xB], $0x2000, $0x38;
	[tilespmem:$0x1E500] =	vst v63  }
0x8e: {  	_ =	swait.ge [sflag:s19], $0x2000  }
0x8f: {  	s8 =	sld [smem:$0x7F8];
	_ =	sdelay $0x2  }
0x90: {  	s28 =	rddreg [dreg:$0x12];
	s8 =	sadd.s32 $0x1, s8  }
0x91: {  	p0 =	sne.s32 s8, s28  }
.Ltmp1:
0x92: {  	_ = 	snop;
	(pc) =	sbr.rel @!p0 .LBB2_7-.Ltmp1, $3  }
0x93: {  	_ =	sdelay $0x1  }
0x94: {  	[sflag:s19] =	ssyncset.done $0x0  }
0x95: {  	[sflag:s19] =	ssyncadd.s32 $0xFFFFE000  }
.LBB2_1:
0x96: {  	[smem:$0x7F8] =	sst s8  }
0x97: {  	[tilespmem:s11], [sflag:$0x6] =	stream.linear.gather [hbm4b:s15+s3], $0x100, $0x38;
	[tilespmem:$0x1E500] =	vst v63  }
0x98: {  	s6 =	rddreg [dreg:$0xd]  }
0x99: {  	[tilespmem:s12], [sflag:$0x7] =	stream.linear.gather [hbm4b:s6+s3], $0x100, $0x38;
	[tilespmem:$0x1E500] =	vst v63  }
0x9a: {  	s10 =	rddreg [dreg:$0xe];
	s16 =	simm.s32 $0x14200  }
0x9b: {  	[tilespmem:s16], [sflag:$0x8] =	stream.linear.gather [hbm4b:s10+s3], $0x100, $0x38;
	[tilespmem:$0x1E500] =	vst v63  }
0x9c: {  	s20 =	rddreg [dreg:$0xf];
	s25 =	simm.s32 $0x14300  }
0x9d: {  	[tilespmem:s25], [sflag:$0x9] =	stream.linear.gather [hbm4b:s20+s3], $0x100, $0x38;
	[tilespmem:$0x1E500] =	vst v63  }
0x9e: {  	s28 =	rddreg [dreg:$0x10];
	s9 =	simm.s32 $0x0;
	s16 =	simm.s32 $0x200  }
0x9f: {  	[tilespmem:s17], [sflag:$0xA] =	stream.linear.gather [hbm4b:s28+s3], $0x100, $0x38;
	[tilespmem:$0x1E500] =	vst v63  }
.LBB2_2:
0xa0: {  	p0 =	sne.s32 s16, $0x7E00;
	[tilespmem:s9+$0x14570] =	vst v0  }
0xa1: {  	[tilespmem:s9+$0x14500] =	vst v0  }
0xa2: {  	[tilespmem:s9+$0x14510] =	vst v0  }
.Ltmp2:
0xa3: {  	[tilespmem:s9+$0x14520] =	vst v0;
	(pc) =	sbr.rel @p0 .LBB2_2-.Ltmp2, $4  }
0xa4: {  	[tilespmem:s9+$0x14530] =	vst v0  }
0xa5: {  	[tilespmem:s9+$0x14540] =	vst v0  }
0xa6: {  	[tilespmem:s9+$0x14550] =	vst v0  }
0xa7: {  	[tilespmem:s9+$0x14560] =	vst v0;
	s9 =	sshra.s32 s16, $0x2;
	s16 =	sadd.s32 $0x200, s16  }
0xa8: {  	[tilespmem:s9+$0x14570] =	vst v0  }
0xa9: {  	[tilespmem:s9+$0x14500] =	vst v0  }
0xaa: {  	[tilespmem:s9+$0x14510] =	vst v0  }
0xab: {  	[tilespmem:s9+$0x14520] =	vst v0  }
0xac: {  	[tilespmem:s9+$0x14530] =	vst v0  }
0xad: {  	[tilespmem:s9+$0x14540] =	vst v0  }
0xae: {  	[tilespmem:s9+$0x14550] =	vst v0  }
0xaf: {  	[tilespmem:s9+$0x14560] =	vst v0;
	s6 =	rddreg [dreg:$0x11]  }
0xb0: {  	[spmem:s6] =	stream.linear.scatter [tilespmem:s18], [sflag:$0xB], $0x2000, $0x38;
	[tilespmem:$0x1E500] =	vst v63  }
0xb1: {  	_ =	swait.ge [sflag:s19], $0x2000  }
0xb2: {  	[sflag:s19] =	ssyncset.done $0x0  }
0xb3: {  	s9 =	rddreg [dreg:$0x1c];
	[sflag:s19] =	ssyncadd.s32 $0xFFFFE000  }
0xb4: {  	[spmem:s9] =	stream.linear.scatter [tilespmem:s18], [sflag:$0xB], $0x2000, $0x38;
	[tilespmem:$0x1E500] =	vst v63  }
0xb5: {  	_ =	swait.ge [sflag:s19], $0x2000  }
0xb6: {  	[sflag:s19] =	ssyncset.done $0x0  }
0xb7: {  	s10 =	rddreg [dreg:$0x1d];
	[sflag:s19] =	ssyncadd.s32 $0xFFFFE000  }
0xb8: {  	[spmem:s10] =	stream.linear.scatter [tilespmem:s18], [sflag:$0xB], $0x2000, $0x38;
	[tilespmem:$0x1E500] =	vst v63  }
0xb9: {  	_ =	swait.ge [sflag:s19], $0x2000  }
0xba: {  	[sflag:s19] =	ssyncset.done $0x0  }
0xbb: {  	s16 =	rddreg [dreg:$0x1e];
	[sflag:s19] =	ssyncadd.s32 $0xFFFFE000  }
0xbc: {  	[spmem:s16] =	stream.linear.scatter [tilespmem:s18], [sflag:$0xB], $0x2000, $0x38;
	[tilespmem:$0x1E500] =	vst v63  }
0xbd: {  	_ =	swait.ge [sflag:s19], $0x2000  }
0xbe: {  	[sflag:s19] =	ssyncset.done $0x0  }
0xbf: {  	s20 =	rddreg [dreg:$0x1f];
	[sflag:s19] =	ssyncadd.s32 $0xFFFFE000  }
0xc0: {  	[spmem:s20] =	stream.linear.scatter [tilespmem:s18], [sflag:$0xB], $0x2000, $0x38;
	[tilespmem:$0x1E500] =	vst v63  }
0xc1: {  	_ =	swait.ge [sflag:s19], $0x2000  }
0xc2: {  	s25 =	sld [smem:$0x7F9]  }
0xc3: {  	[sflag:s19] =	ssyncset.done $0x0  }
0xc4: {  	[sflag:s19] =	ssyncadd.s32 $0xFFFFE000  }
0xc5: {  	[spmem:s25] =	stream.linear.scatter [tilespmem:s18], [sflag:$0xB], $0x2000, $0x38;
	[tilespmem:$0x1E500] =	vst v63  }
0xc6: {  	_ =	swait.ge [sflag:s19], $0x2000  }
0xc7: {  	s28 =	sld [smem:$0x7FA]  }
0xc8: {  	[sflag:s19] =	ssyncset.done $0x0  }
0xc9: {  	[sflag:s19] =	ssyncadd.s32 $0xFFFFE000  }
0xca: {  	[spmem:s28] =	stream.linear.scatter [tilespmem:s18], [sflag:$0xB], $0x2000, $0x38;
	[tilespmem:$0x1E500] =	vst v63  }
0xcb: {  	_ =	swait.ge [sflag:s19], $0x2000  }
0xcc: {  	s8 =	sld [smem:$0x7FB]  }
0xcd: {  	[sflag:s19] =	ssyncset.done $0x0  }
0xce: {  	[sflag:s19] =	ssyncadd.s32 $0xFFFFE000  }
0xcf: {  	[spmem:s8] =	stream.linear.scatter [tilespmem:s18], [sflag:$0xB], $0x2000, $0x38;
	[tilespmem:$0x1E500] =	vst v63  }
0xd0: {  	_ =	swait.ge [sflag:s19], $0x2000  }
0xd1: {  	s9 =	sld [smem:$0x7FC]  }
0xd2: {  	[sflag:s19] =	ssyncset.done $0x0  }
0xd3: {  	[sflag:s19] =	ssyncadd.s32 $0xFFFFE000  }
0xd4: {  	[spmem:s9] =	stream.linear.scatter [tilespmem:s18], [sflag:$0xB], $0x2000, $0x38;
	[tilespmem:$0x1E500] =	vst v63  }
0xd5: {  	_ =	swait.ge [sflag:s19], $0x2000  }
0xd6: {  	s10 =	sld [smem:$0x7FD]  }
0xd7: {  	[sflag:s19] =	ssyncset.done $0x0  }
0xd8: {  	[sflag:s19] =	ssyncadd.s32 $0xFFFFE000  }
0xd9: {  	[spmem:s10] =	stream.linear.scatter [tilespmem:s18], [sflag:$0xB], $0x2000, $0x38;
	[tilespmem:$0x1E500] =	vst v63  }
0xda: {  	_ =	swait.ge [sflag:s19], $0x2000  }
0xdb: {  	[sflag:s19] =	ssyncset.done $0x0  }
0xdc: {  	[sflag:s19] =	ssyncadd.s32 $0xFFFFE000  }
0xdd: {  	[bflag:$0x0] =	sbarrier.arrive $0xFFFF  }
0xde: {  	_ =	swait.ge [sflag:s21], $0x100  }
0xdf: {  	[sflag:s21] =	ssyncset.done $0x0  }
0xe0: {  	[sflag:s21] =	ssyncadd.s32 $0xFFFFFF00  }
0xe1: {  	[tilespmem:s18], [sflag:$0x1] =	stream.indirect.gather [hbm4b:s14+s22], $0x80, s11, s22, $0xb8;
	[tilespmem:$0x1E500] =	vst v63  }
0xe2: {  	_ =	swait.ge [sflag:s23], $0x100  }
0xe3: {  	[sflag:s23] =	ssyncset.done $0x0  }
0xe4: {  	s16 =	simm.s32 $0x8;
	[sflag:s23] =	ssyncadd.s32 $0xFFFFFF00  }
0xe5: {  	[tilespmem:s24], [sflag:$0x2] =	stream.indirect.gather [hbm4b:s14+s22], $0x80, s12, s22, $0xb8;
	[tilespmem:$0x1E500] =	vst v63  }
0xe6: {  	_ =	swait.ge [sflag:s16], $0x100  }
0xe7: {  	[sflag:s16] =	ssyncset.done $0x0  }
0xe8: {  	s20 =	simm.s32 $0x14200;
	s25 =	simm.s32 $0x9;
	[sflag:s16] =	ssyncadd.s32 $0xFFFFFF00  }
0xe9: {  	[tilespmem:s26], [sflag:$0x3] =	stream.indirect.gather [hbm4b:s14+s22], $0x80, s20, s22, $0xb8;
	[tilespmem:$0x1E500] =	vst v63  }
0xea: {  	_ =	swait.ge [sflag:s25], $0x100  }
0xeb: {  	s28 =	simm.s32 $0x14300;
	s8 =	simm.s32 $0x1A500;
	[sflag:s25] =	ssyncset.done $0x0  }
0xec: {  	s9 =	simm.s32 $0x0;
	s16 =	simm.s32 $0x0;
	[sflag:s25] =	ssyncadd.s32 $0xFFFFFF00  }
0xed: {  	[tilespmem:s8], [sflag:$0x4] =	stream.indirect.gather [hbm4b:s14+s22], $0x80, s28, s22, $0xb8;
	[tilespmem:$0x1E500] =	vst v63  }
.LBB2_4:
0xee: {  	p0 =	seq.s32 s16, $0x1360  }
.Ltmp3:
0xef: {  	_ = 	snop;
	(pc) =	sbr.rel @p0 .LBB2_8-.Ltmp3, $1  }
0xf0: {  	_ =	sdelay $0x3  }
0xf1: {  	_ =	swait.ge [sflag:s2], $0x100  }
0xf2: {  	[sflag:s2] =	ssyncset.done $0x0  }
0xf3: {  	[sflag:s2] =	ssyncadd.s32 $0xFFFFFF00  }
0xf4: {  	[tilespmem:s4], [sflag:$0x5] =	stream.indirect.gather [hbm4b:s14+s22], $0x80, s17, s22, $0xb8;
	[tilespmem:$0x1E500] =	vst v63  }
0xf5: {  	_ =	swait.ge [sflag:s29], $0x2000  }
0xf6: {  	[sflag:s29] =	ssyncset.done $0x0  }
0xf7: {  	[sflag:s29] =	ssyncadd.s32 $0xFFFFE000  }
0xf8: {  	[spmem:s1] =	stream.indirect.scatter.add.f32 [tilespmem:s18], [sflag:$0xB], $0x80, s30, s22, $0xb8;
	[tilespmem:$0x1E500] =	vst v63  }
0xf9: {  	_ =	swait.ge [sflag:s19], $0x2000  }
0xfa: {  	s10 =	sadd.s32 s16, s15;
	[sflag:s19] =	ssyncset.done $0x0  }
0xfb: {  	s25 =	sadd.s32 $0xA0, s10;
	[sflag:s19] =	ssyncadd.s32 $0xFFFFE000  }
0xfc: {  	[tilespmem:s11], [sflag:$0x6] =	stream.linear.gather [hbm4b:s25+s3], $0x100, $0x38;
	[tilespmem:$0x1E500] =	vst v63  }
0xfd: {  	_ =	swait.ge [sflag:s21], $0x100  }
0xfe: {  	[sflag:s21] =	ssyncset.done $0x0  }
0xff: {  	[sflag:s21] =	ssyncadd.s32 $0xFFFFFF00  }
0x100: {  	[tilespmem:s18], [sflag:$0x1] =	stream.indirect.gather [hbm4b:s14+s22], $0x80, s11, s22, $0xb8;
	[tilespmem:$0x1E500] =	vst v63  }
0x101: {  	_ =	swait.ge [sflag:s31], $0x2000  }
0x102: {  	[sflag:s31] =	ssyncset.done $0x0  }
0x103: {  	[sflag:s31] =	ssyncadd.s32 $0xFFFFE000  }
0x104: {  	[spmem:s1] =	stream.indirect.scatter.add.f32 [tilespmem:s24], [sflag:$0xB], $0x80, s0, s22, $0xb8;
	[tilespmem:$0x1E500] =	vst v63  }
0x105: {  	_ =	swait.ge [sflag:s19], $0x2000  }
0x106: {  	[sflag:s19] =	ssyncset.done $0x0  }
0x107: {  	s10 =	sadd.s32 $0xC0, s10;
	[sflag:s19] =	ssyncadd.s32 $0xFFFFE000  }
0x108: {  	[tilespmem:s12], [sflag:$0x7] =	stream.linear.gather [hbm4b:s10+s3], $0x100, $0x38;
	[tilespmem:$0x1E500] =	vst v63  }
0x109: {  	_ =	swait.ge [sflag:s23], $0x100  }
0x10a: {  	[sflag:s23] =	ssyncset.done $0x0  }
0x10b: {  	[sflag:s23] =	ssyncadd.s32 $0xFFFFFF00  }
0x10c: {  	[tilespmem:s24], [sflag:$0x2] =	stream.indirect.gather [hbm4b:s14+s22], $0x80, s12, s22, $0xb8;
	[tilespmem:$0x1E500] =	vst v63  }
0x10d: {  	_ =	swait.ge [sflag:s5], $0x2000  }
0x10e: {  	[sflag:s5] =	ssyncset.done $0x0  }
0x10f: {  	s6 =	simm.s32 $0x14280;
	[sflag:s5] =	ssyncadd.s32 $0xFFFFE000  }
0x110: {  	[spmem:s1] =	stream.indirect.scatter.add.f32 [tilespmem:s26], [sflag:$0xB], $0x80, s6, s22, $0xb8;
	[tilespmem:$0x1E500] =	vst v63  }
0x111: {  	_ =	swait.ge [sflag:s19], $0x2000  }
0x112: {  	p0 =	sgt.u32 s9, $0x1D;
	[sflag:s19] =	ssyncset.done $0x0  }
0x113: {  	s10 =	simm.s32 @p0 $0x4;
	[sflag:s19] =	ssyncadd.s32 $0xFFFFE000  }
0x114: {  	_ =	swait.ge @p0 [sflag:s10], $0x2000  }
0x115: {  	s28 =	simm.s32 @p0 $0x1A500;
	[sflag:s10] =	ssyncset.done @p0 $0x0  }
0x116: {  	s25 =	simm.s32 @p0 $0x14380;
	[sflag:s10] =	ssyncadd.s32 @p0 $0xFFFFE000;
	s10 =	simm.s32 @p0 $0x40  }
0x117: {  	[spmem:s1] =	stream.indirect.scatter.add.f32 @p0 [tilespmem:s28], [sflag:$0xB], $0x80, s25, s10, $0xb8;
	[tilespmem:$0x1E500] =	vst v63  }
0x118: {  	s10 =	simm.s32 @p0 $0xB  }
0x119: {  	_ =	swait.ge @p0 [sflag:s10], $0x2000  }
0x11a: {  	[sflag:s10] =	ssyncset.done @p0 $0x0  }
0x11b: {  	[sflag:s10] =	ssyncadd.s32 @p0 $0xFFFFE000;
	s10 =	sadd.s32 @!p0 s16, s15  }
0x11c: {  	s20 =	simm.s32 @!p0 $0x14200;
	s28 =	simm.s32 @!p0 $0x0;
	s25 =	sadd.s32 @!p0 $0xE0, s10  }
0x11d: {  	[tilespmem:s20], [sflag:$0x8] =	stream.linear.gather @!p0 [hbm4b:s25+s28], $0x100, $0x38;
	[tilespmem:$0x1E500] =	vst v63  }
0x11e: {  	s25 =	simm.s32 @!p0 $0x8  }
0x11f: {  	_ =	swait.ge @!p0 [sflag:s25], $0x100  }
0x120: {  	[sflag:s25] =	ssyncset.done @!p0 $0x0  }
0x121: {  	s8 =	simm.s32 @!p0 $0x18500;
	[sflag:s25] =	ssyncadd.s32 @!p0 $0xFFFFFF00;
	s25 =	simm.s32 @!p0 $0x40  }
0x122: {  	[tilespmem:s8], [sflag:$0x3] =	stream.indirect.gather @!p0 [hbm4b:s14+s25], $0x80, s20, s25, $0xb8;
	[tilespmem:$0x1E500] =	vst v63  }
0x123: {  	s8 =	simm.s32 @!p0 $0x4  }
0x124: {  	_ =	swait.ge @!p0 [sflag:s8], $0x2000  }
0x125: {  	[sflag:s8] =	ssyncset.done @!p0 $0x0  }
0x126: {  	s20 =	simm.s32 @!p0 $0x1A500;
	[sflag:s8] =	ssyncadd.s32 @!p0 $0xFFFFE000;
	s8 =	simm.s32 @!p0 $0x14380  }
0x127: {  	[spmem:s1] =	stream.indirect.scatter.add.f32 @!p0 [tilespmem:s20], [sflag:$0xB], $0x80, s8, s25, $0xb8;
	[tilespmem:$0x1E500] =	vst v63  }
0x128: {  	s8 =	simm.s32 @!p0 $0xB  }
0x129: {  	_ =	swait.ge @!p0 [sflag:s8], $0x2000  }
0x12a: {  	[sflag:s8] =	ssyncset.done @!p0 $0x0  }
0x12b: {  	s6 =	simm.s32 @!p0 $0x14300;
	[sflag:s8] =	ssyncadd.s32 @!p0 $0xFFFFE000;
	s8 =	sadd.s32 @!p0 $0x100, s10  }
0x12c: {  	[tilespmem:s6], [sflag:$0x9] =	stream.linear.gather @!p0 [hbm4b:s8+s28], $0x100, $0x38;
	[tilespmem:$0x1E500] =	vst v63  }
0x12d: {  	s8 =	simm.s32 @!p0 $0x9  }
0x12e: {  	_ =	swait.ge @!p0 [sflag:s8], $0x100  }
0x12f: {  	[sflag:s8] =	ssyncset.done @!p0 $0x0  }
0x130: {  	[sflag:s8] =	ssyncadd.s32 @!p0 $0xFFFFFF00  }
0x131: {  	[tilespmem:s20], [sflag:$0x4] =	stream.indirect.gather @!p0 [hbm4b:s14+s25], $0x80, s6, s25, $0xb8;
	[tilespmem:$0x1E500] =	vst v63  }
0x132: {  	_ =	swait.ge [sflag:s7], $0x2000  }
0x133: {  	[sflag:s7] =	ssyncset.done $0x0  }
0x134: {  	[sflag:s7] =	ssyncadd.s32 $0xFFFFE000  }
0x135: {  	[spmem:s1] =	stream.indirect.scatter.add.f32 [tilespmem:s4], [sflag:$0xB], $0x80, s13, s22, $0xb8;
	[tilespmem:$0x1E500] =	vst v63  }
0x136: {  	_ =	swait.ge [sflag:s19], $0x2000  }
0x137: {  	s16 =	sadd.s32 $0xA0, s16;
	[sflag:s19] =	ssyncset.done $0x0  }
0x138: {  	s8 =	simm.s32 @!p0 $0x14400;
	s6 =	sadd.s32 @!p0 $0x120, s10;
	[sflag:s19] =	ssyncadd.s32 $0xFFFFE000  }
0x139: {  	[tilespmem:s8], [sflag:$0xA] =	stream.linear.gather @!p0 [hbm4b:s6+s28], $0x100, $0x38;
	[tilespmem:$0x1E500] =	vst v63  }
0x13a: {  	p0 =	sne.s32 s16, $0x1400  }
.Ltmp4:
0x13b: {  	_ = 	snop;
	(pc) =	sbr.rel @p0 .LBB2_4-.Ltmp4, $4  }
.Ltmp5:
0x13c: {  	_ = 	snop;
	(pc) =	sbr.rel @!p0 .LBB2_6-.Ltmp5, $4  }
0x13d: {  	_ = 	snop  }
0x13e: {  	_ = 	snop  }
0x13f: {  	s9 =	sadd.s32 $0x1, s9  }
0x140: {  	_ = 	snop  }
.LBB2_7:
0x141: {  	_ =	sfence.sel $0x180000  }
0x142: {  	[bflag:$0x0] =	sbarrier.arrive $0xFFFF  }
0x143: {  	_ =	strace $0x9000004D  }
0x144: {  	s0 =	stileid.u32;
	[bflag:$0x2] =	sbarrier.arrive $0xFFFF  }
0x145: {  	p0 =	sne.s32 s0, $0x0;
	s0 =	rddreg [dreg:$0x2]  }
0x146: {  	s0 =	sadd.s32 @!p0 $0x100000, s0  }
0x147: {  	[sflag:s0] =	ssyncadd.tile.s32 @!p0 $0x1;
	_ =	shalt  }
.Lfunc_end2:
_tile_overlayer_lowered:
.L_overlay_start_2:
0x148: {  	(tag) =	ssettag $0x2  }
0x149: {  	s0 =	rddreg [dreg:$0x0];
	s2 =	stileid.u32  }
0x14a: {  	s1 =	rddreg [dreg:$0x1];
	p0 =	sne.s32 s2, $0x0  }
0x14b: {  	s3 =	rddreg [dreg:$0x2];
	[bflag:$0x3] =	sbarrier.arrive $0xFFFF;
	s2 =	simm.s32 @!p0 $0x1C0B  }
0x14c: {  	[timem:s3], [sflag:s2] =	dma.local @!p0 [hbm:s0], s1  }
0x14d: {  	s0 =	simm.s32 @!p0 $0xB  }
0x14e: {  	_ =	swait.ge @!p0 [sflag:s0], s1  }
0x14f: {  	s1 =	ssub.s32 @!p0 $0x0, s1;
	[sflag:s0] =	ssyncset.done @!p0 $0x0  }
0x150: {  	[sflag:s0] =	ssyncadd.s32 @!p0 s1  }
0x151: {  	[bflag:$0x3] =	sbarrier.arrive $0xFFFF  }
0x152: {  	_ =	shalt  }

// kernel: kernel.7.cloned.1.call-start
scs
__scs_entry_jumppad:
0x0: {  	(pc) =	sbr.rel $0x88, $3  }
0x1: {  	(tag) =	ssettag $0x0;
	lr =	simm.s32 $0x1  }
0x2: {  	[smem:$0x3F97] =	sst lr;
	_ =	strace $0xD0000000  }
0x3: {  	_ = 	snop  }
0x4: {  	_ = 	snop  }
0x5: {  	_ = 	snop  }
0x6: {  	_ = 	snop  }
0x7: {  	_ = 	snop  }
__scs_overlays_trampoline_lowered:
0x8: {  	[smem:$0x3FA6] =	sst s0  }
0x9: {  	[smem:$0x3FA7] =	sst s1  }
0xa: {  	[smem:$0x3FA8] =	sst s2  }
0xb: {  	[smem:$0x3FA9] =	sst s3  }
0xc: {  	[smem:$0x3FAA] =	sst s4  }
0xd: {  	[smem:$0x3FAB] =	sst s5  }
0xe: {  	[smem:$0x3FAC] =	sst s6  }
0xf: {  	[smem:$0x3FAD] =	sst s7  }
0x10: {  	[smem:$0x3FAE] =	sst s8  }
0x11: {  	[smem:$0x3FAF] =	sst s9;
	s0 =	simm.s32 @!p0 $0x0  }
0x12: {  	s1 =	sld [smem:$0x3F95];
	s0 =	simm.s32 @p0 $0x1  }
0x13: {  	[smem:$0x3FB0] =	sst s0;
	s0 =	simm.s32 @!p1 $0x0  }
0x14: {  	s2 =	sld [smem:$0x3F94];
	s0 =	simm.s32 @p1 $0x1  }
0x15: {  	[smem:$0x3FB1] =	sst s0;
	s0 =	simm.s32 @!p2 $0x0  }
0x16: {  	s3 =	sld [smem:$0x3FDB];
	s0 =	simm.s32 @p2 $0x1  }
0x17: {  	s4 =	simm.s32 $0x1BF5;
	[smem:$0x3FB3] =	sst s0  }
0x18: {  	s0 =	sld [smem:$0x3F96];
	_ =	swait.ge [sflag:s4], $0x0  }
0x19: {  	s7 =	sld [smem:$0x3F97]  }
0x1a: {  	s8 =	sadd.s32 $0xFFFFE003, lr  }
0x1b: {  	s9 =	sadd.s32 $0xFFFFFEF7, lr;
	s5 =	simm.s32 $0xFFFFFFFF;
	p2 =	slt.u32 s8, $0xFFFFF086  }
0x1c: {  	p1 =	slt.u32 s9, $0xF7A;
	s5 =	simm.s32 @!p2 $0x0  }
0x1d: {  	s5 =	simm.s32 @p1 $0x1;
	p0 =	seq.s32 s7, s2  }
0x1e: {  	s7 =	smul.u32 @!p0 $0xF7A, s2;
	p2 =	seq.s32 @!p0 s5, $0x0  }
0x1f: {  	s9 =	smul.u32 $0xF7A, s1;
	s8 =	simm.s32 @!p0 $0x1BF5;
	p2 =	por !p2, p0  }
0x20: {  	[sflag:s8] =	ssyncset.s32 @!p0 $0xFFFFF086;
	s6 =	sadd.s32 @!p0 s3, s7;
	s7 =	simm.s32 @!p0 $0x108  }
0x21: {  	s3 =	sadd.s32 s3, s9;
	s6 =	sadd.s32 @!p0 $0x88, s6;
	s7 =	simm.s32 @p2 $0x1082  }
0x22: {  	[simem:s7], [sflag:s8] =	dma.local @!p0 [hbm:s6], $0xF7A  }
0x23: {  	s9 =	sor.u32 $0xD0000000, s2;
	s6 =	simm.s32 $0x108;
	_ =	swait.ge @!p0 [sflag:s8], $0x0  }
0x24: {  	s3 =	sadd.s32 $0x88, s3;
	s6 =	simm.s32 @!p1 $0x1082;
	[sflag:s4] =	ssyncset.s32 $0xFFFFF086  }
0x25: {  	[simem:s6], [sflag:s4] =	dma.local [hbm:s3], $0xF7A  }
0x26: {  	[smem:$0x3F97] =	sst s1;
	(tag) =	ssettag s2;
	_ =	strace s9  }
0x27: {  	s1 =	sld [smem:$0x3FA7]  }
0x28: {  	s2 =	sld [smem:$0x3FA8]  }
0x29: {  	s4 =	sld [smem:$0x3FAA]  }
0x2a: {  	p0 =	seq.s32 s5, $0x0;
	s5 =	sld [smem:$0x3FAB]  }
0x2b: {  	s6 =	sld [smem:$0x3FAC]  }
0x2c: {  	s7 =	sld [smem:$0x3FAD]  }
0x2d: {  	s3 =	simm.s32 $0x108;
	s8 =	sld [smem:$0x3FAE]  }
0x2e: {  	s3 =	simm.s32 @!p0 $0x1082;
	s9 =	sld [smem:$0x3FAF]  }
0x2f: {  	lr =	sadd.s32 s0, s3;
	s0 =	sld [smem:$0x3FA6]  }
0x30: {  	s3 =	sld [smem:$0x3FA9]  }
0x31: {  	[smem:$0x3FB2] =	sst s10  }
0x32: {  	s10 =	sld [smem:$0x3FB0];
	_ =	sdelay $0x3  }
0x33: {  	p0 =	seq.s32 s10, $0x1;
	s10 =	sld [smem:$0x3FB2];
	_ =	sdelay $0x3  }
0x34: {  	[smem:$0x3FB2] =	sst s10  }
0x35: {  	s10 =	sld [smem:$0x3FB1];
	_ =	sdelay $0x3  }
0x36: {  	p1 =	seq.s32 s10, $0x1;
	s10 =	sld [smem:$0x3FB2];
	_ =	sdelay $0x3  }
0x37: {  	[smem:$0x3FB2] =	sst s10  }
0x38: {  	s10 =	sld [smem:$0x3FB3]  }
0x39: {  	_ = 	snop;
	(pc) =	sbr.ind lr, $3  }
0x3a: {  	_ = 	snop  }
0x3b: {  	_ = 	snop  }
0x3c: {  	p2 =	seq.s32 s10, $0x1;
	s10 =	sld [smem:$0x3FB2]  }
0x3d: {  	_ =	shalt  }
0x3e: {  	_ =	shalt  }
0x3f: {  	_ =	shalt  }
0x40: {  	_ =	shalt  }
0x41: {  	_ =	shalt  }
0x42: {  	_ =	shalt  }
0x43: {  	_ =	shalt  }
0x44: {  	_ =	shalt  }
0x45: {  	_ =	shalt  }
0x46: {  	_ =	shalt  }
0x47: {  	_ =	shalt  }
0x48: {  	_ =	shalt  }
0x49: {  	_ =	shalt  }
0x4a: {  	_ =	shalt  }
0x4b: {  	_ =	shalt  }
0x4c: {  	_ =	shalt  }
0x4d: {  	_ =	shalt  }
0x4e: {  	_ =	shalt  }
0x4f: {  	_ =	shalt  }
0x50: {  	_ =	shalt  }
0x51: {  	_ =	shalt  }
0x52: {  	_ =	shalt  }
0x53: {  	_ =	shalt  }
0x54: {  	_ =	shalt  }
0x55: {  	_ =	shalt  }
0x56: {  	_ =	shalt  }
0x57: {  	_ =	shalt  }
0x58: {  	_ =	shalt  }
0x59: {  	_ =	shalt  }
0x5a: {  	_ =	shalt  }
0x5b: {  	_ =	shalt  }
0x5c: {  	_ =	shalt  }
0x5d: {  	_ =	shalt  }
0x5e: {  	_ =	shalt  }
0x5f: {  	_ =	shalt  }
0x60: {  	_ =	shalt  }
0x61: {  	_ =	shalt  }
0x62: {  	_ =	shalt  }
0x63: {  	_ =	shalt  }
0x64: {  	_ =	shalt  }
0x65: {  	_ =	shalt  }
0x66: {  	_ =	shalt  }
0x67: {  	_ =	shalt  }
0x68: {  	_ =	shalt  }
0x69: {  	_ =	shalt  }
0x6a: {  	_ =	shalt  }
0x6b: {  	_ =	shalt  }
0x6c: {  	_ =	shalt  }
0x6d: {  	_ =	shalt  }
0x6e: {  	_ =	shalt  }
0x6f: {  	_ =	shalt  }
0x70: {  	_ =	shalt  }
0x71: {  	_ =	shalt  }
0x72: {  	_ =	shalt  }
0x73: {  	_ =	shalt  }
0x74: {  	_ =	shalt  }
0x75: {  	_ =	shalt  }
0x76: {  	_ =	shalt  }
0x77: {  	_ =	shalt  }
0x78: {  	_ =	shalt  }
0x79: {  	_ =	shalt  }
0x7a: {  	_ =	shalt  }
0x7b: {  	_ =	shalt  }
0x7c: {  	_ =	shalt  }
0x7d: {  	_ =	shalt  }
0x7e: {  	_ =	shalt  }
0x7f: {  	_ =	shalt  }
0x80: {  	_ =	shalt  }
0x81: {  	_ =	shalt  }
0x82: {  	_ =	shalt  }
0x83: {  	_ =	shalt  }
0x84: {  	_ =	shalt  }
0x85: {  	_ =	shalt  }
0x86: {  	_ =	shalt  }
0x87: {  	_ =	shalt  }
.Lfunc_end0:
.L_simem_size_0:
called_computation_lowered:
.L_overlay_start_0:
0x88: {  	s2 =	sld [smem:$0x3FD9]  }
0x89: {  	s3 =	sld [smem:$0x3FFE];
	_ =	sdelay $0x1  }
0x8a: {  	s1 =	srdreg.scid  }
0x8b: {  	s0 =	sand.u32 $0x1, s1  }
0x8c: {  	s16 =	sshll.u32 s0, $0xA;
	s2 =	sadd.s32 s3, s2  }
0x8d: {  	s2 =	sadd.s32 s2, s16  }
0x8e: {  	[smem:$0x3FBE] =	sst s2  }
0x8f: {  	_ = 	snop  }
0x90: {  	(tm) =	ssettm $0x1  }
0x91: {  	s17 =	sld [smem:$0x3FFB];
	_ =	sdelay $0x3  }
0x92: {  	_ =	strace s17  }
0x93: {  	s2 =	sld [smem:$0x3FFC];
	_ =	sdelay $0x3  }
0x94: {  	_ =	strace s2  }
0x95: {  	s2 =	sld [smem:$0x3FFD];
	_ =	sdelay $0x3  }
0x96: {  	_ =	strace s2  }
0x97: {  	_ =	strace $0x8FFFFFFF  }
0x98: {  	s18 =	sld [smem:$0x3FDB];
	_ =	sdelay $0x1  }
0x99: {  	s19 =	simm.s32 $_scs_section_size  }
0x9a: {  	s4 =	simm.s32 $_size__tile_overlayer_lowered;
	s5 =	simm.s32 $_tile_overlayer_lowered  }
0x9b: {  	s22 =	simm.s32 $0x1BFF;
	s21 =	sshll.u32 s5, $0x1;
	s2 =	sadd.s32 s19, s18  }
0x9c: {  	s6 =	simm.s32 $0x0;
	s20 =	sshll.u32 s4, $0x1;
	s4 =	sadd.s32 s21, s2  }
0x9d: {  	[timem:s6], [sflag:s22] =	dma.local [hbm:s4], s20  }
0x9e: {  	_ =	swait.ge [sflag:s22], s20  }
0x9f: {  	s3 =	ssub.s32 $0x0, s20;
	[sflag:s22] =	ssyncset.done $0x0  }
0xa0: {  	[sflag:s22] =	ssyncadd.s32 s3;
	_ =	sdelay $0x1  }
0xa1: {  	s23 =	simm.s32 $0x1B8B  }
0xa2: {  	_ =	swait.ge [sflag:s23], $0x1  }
0xa3: {  	[sflag:s23] =	ssyncset.done $0x0  }
0xa4: {  	s25 =	simm.s32 $0x1B8E;
	s24 =	sld [smem:$0x3FFE];
	[sflag:s23] =	ssyncadd.s32 $0xFFFFFFFF  }
0xa5: {  	s26 =	simm.s32 $execute0_lowered;
	[smem:$0x3FD2] =	sst s25  }
0xa6: {  	s4 =	sshll.u32 s26, $0x1;
	_ =	strace $0x80000046;
	[dreg:$0x1] =	wrdreg $0xFFFFFFFF  }
0xa7: {  	s28 =	simm.s32 $_size_execute0_lowered;
	s2 =	sadd.s32 s2, s4;
	[dreg:$0x0] =	wrdreg $0x0  }
0xa8: {  	s4 =	sshll.u32 s28, $0x1;
	[dreg:$0x2] =	wrdreg s2  }
0xa9: {  	[dreg:$0x3] =	wrdreg s4  }
0xaa: {  	[dreg:$0x4] =	wrdreg $0xC0  }
0xab: {  	_ =	task [dreg:s6], $0x5FFFF  }
0xac: {  	[dreg:$0x1] =	wrdreg $0xFFFFFFFF  }
0xad: {  	[dreg:$0x0] =	wrdreg $0x60  }
0xae: {  	[dreg:$0x2] =	wrdreg s24  }
0xaf: {  	[dreg:$0x3] =	wrdreg $0x9  }
0xb0: {  	_ =	task.clear_ibuf [dreg:s6], $0x4FFFF;
	_ =	strace $0x90000046  }
0xb1: {  	s29 =	simm.s32 $0x9;
	_ =	strace $0x80000048  }
0xb2: {  	_ =	swait.ge [sflag:s29], $0x1  }
0xb3: {  	[sflag:s29] =	ssyncadd.s32 $0xFFFFFFFF  }
0xb4: {  	_ =	strace $0x90000048  }
0xb5: {  	_ =	sfence  }
0xb6: {  	s30 =	sld [smem:$0x0];
	_ =	sdelay $0x2  }
0xb7: {  	s31 =	sshll.u32 s1, $0xD;
	s1 =	sshrl.u32 s1, $0x2  }
0xb8: {  	s3 =	sand.u32 $0x4000, s31;
	s1 =	sadd.s32 s1, s30  }
0xb9: {  	s0 =	sor.u32 s3, s0;
	s1 =	sshll.u32 s1, $0x11  }
0xba: {  	s0 =	sor.u32 s1, s0  }
0xbb: {  	s0 =	sadd.s32 $0x8F2B, s0  }
0xbc: {  	[sflag:s0] =	ssyncadd.remote.s32 $0x1  }
0xbd: {  	_ =	sfence.sel $0xFFFF  }
0xbe: {  	[dreg:$0x0] =	wrdreg $0xFFFFFFFF;
	(pc) =	sbr.abs _section_cstart, $3  }
0xbf: {  	[dreg:$0x1] =	wrdreg $0xFFFFFFFF  }
0xc0: {  	_ =	task.clear_ibuf [dreg:s6], $0x2FFFF;
	_ =	strace $0x9FFFFFFF  }
0xc1: {  	(tm) =	ssettm $0x7FFFFFFF  }
tec
execute0_lowered:
.L_overlay_start_1:
0x0: {  	(tag) =	ssettag $0x1  }
0x1: {  	s0 =	srdreg.scid  }
0x2: {  	s4 =	rddreg [dreg:$0x0];
	s3 =	sand.u32 $0x1, s0  }
0x3: {  	s2 =	simm.s32 $0x0;
	s0 =	stileid.u32;
	s1 =	sshll.u32 s3, $0x4  }
0x4: {  	s8 =	simm.s32 $0x2;
	s9 =	simm.s32 $0x0;
	s5 =	sor.u32 s0, s1  }
0x5: {  	[smem:$0x7FF] =	sst s2;
	s3 =	ssub.s32 $0x2, s3;
	s6 =	smul.u32 $0x13A0, s5  }
0x6: {  	s1 =	rddreg [dreg:$0x1];
	s7 =	sshrl.u32 s3, $0x1;
	s5 =	smul.u32 $0x500, s5  }
0x7: {  	_ =	strace $0x80000047;
	s31 =	ssub.s32 s3, s7;
	s7 =	simm.s32 $0x9D00  }
0x8: {  	s6 =	sadd.s32 s6, s4;
	s4 =	sadd.s32 s5, s4;
	s5 =	smax.u32 s31, $0x1  }
0x9: {  	v0 =	vimm.f32 $0.0e+00;
	v1 =	vimm.f32 $1.000000000e+00;
	s3 =	sadd.s32 $0x2000, s6;
	s4 =	sadd.s32 $0x29400, s4;
	s6 =	simm.s32 $0x1  }
.LBB2_1:
0xa: {  	[tilespmem:s2], [sflag:$0x1] =	stream.linear.gather [hbm4b:s3+s2], $0x9D00, $0x38;
	[tilespmem:$0xC500] =	vst v63  }
0xb: {  	s10 =	simm.s32 $0x40;
	s11 =	simm.s32 $0x0  }
.LBB2_2:
0xc: {  	p0 =	sne.s32 s10, $0x9FC0;
	[tilespmem:s11+$0x9D00] =	vst v0;
	s11 =	smov.u32 s10;
	s10 =	sadd.s32 $0x40, s10  }
.Ltmp0:
0xd: {  	(pc) =	sbr.rel @p0 .LBB2_2-.Ltmp0, $2  }
0xe: {  	_ =	sdelay $0x2  }
0xf: {  	s11 =	sshra.s32 s11, $0x2  }
0x10: {  	[tilespmem:s11+$0x9D00] =	vst v0  }
0x11: {  	_ =	swait.ge [sflag:s6], $0x9D00  }
0x12: {  	[sflag:s6] =	ssyncset.done $0x0  }
0x13: {  	s10 =	simm.s32 $0xFFFD8C00;
	[sflag:s6] =	ssyncadd.s32 $0xFFFF6300  }
.LBB2_4:
0x14: {  	s11 =	sshra.s32 s10, $0x2  }
0x15: {  	v2 =	vld [tilespmem:s11+$0x9D80];
	_ =	sdelay $0x7  }
0x16: {  	[tilespmem:v2+s7+$0x0] =	vst.idx.add.f32.msk $0xffff, v1  }
0x17: {  	v2 =	vld [tilespmem:s11+$0x9D90];
	_ =	sdelay $0x7  }
0x18: {  	[tilespmem:v2+s7+$0x0] =	vst.idx.add.f32.msk $0xffff, v1  }
0x19: {  	v2 =	vld [tilespmem:s11+$0x9DA0];
	_ =	sdelay $0x7  }
0x1a: {  	[tilespmem:v2+s7+$0x0] =	vst.idx.add.f32.msk $0xffff, v1  }
0x1b: {  	v2 =	vld [tilespmem:s11+$0x9DB0];
	_ =	sdelay $0x2  }
0x1c: {  	p0 =	sne.s32 s10, $0xFFFFFC00  }
.Ltmp1:
0x1d: {  	_ = 	snop;
	(pc) =	sbr.rel @p0 .LBB2_4-.Ltmp1, $2  }
0x1e: {  	_ =	sdelay $0x2  }
0x1f: {  	s10 =	sadd.s32 $0x400, s10;
	[tilespmem:v2+s7+$0x0] =	vst.idx.add.f32.msk $0xffff, v1  }
0x20: {  	s9 =	sadd.s32 $0x1, s9  }
0x21: {  	p0 =	sne.s32 s9, s5  }
.Ltmp2:
0x22: {  	_ = 	snop;
	(pc) =	sbr.rel @p0 .LBB2_1-.Ltmp2, $4  }
0x23: {  	[hbm4b:s4+s2] =	stream.linear.scatter [tilespmem:s7], [sflag:$0x2], $0x2800, $0x38;
	[tilespmem:$0xC500] =	vst v63  }
0x24: {  	_ =	swait.ge [sflag:s8], $0x2800  }
0x25: {  	[sflag:s8] =	ssyncset.done $0x0  }
0x26: {  	[sflag:s8] =	ssyncadd.s32 $0xFFFFD800  }
0x27: {  	_ =	sfence.sel $0x180000  }
0x28: {  	[bflag:$0x0] =	sbarrier.arrive $0xFFFF  }
0x29: {  	p0 =	sne.s32 s0, $0x0;
	_ =	strace $0x90000047  }
0x2a: {  	s0 =	sadd.s32 @!p0 $0x100000, s1;
	[bflag:$0x2] =	sbarrier.arrive $0xFFFF  }
0x2b: {  	[sflag:s0] =	ssyncadd.tile.s32 @!p0 $0x1;
	_ =	shalt  }
.Lfunc_end2:
_tile_overlayer_lowered:
.L_overlay_start_2:
0x2c: {  	(tag) =	ssettag $0x2  }
0x2d: {  	s0 =	rddreg [dreg:$0x0];
	s2 =	stileid.u32  }
0x2e: {  	s1 =	rddreg [dreg:$0x1];
	p0 =	sne.s32 s2, $0x0  }
0x2f: {  	s3 =	rddreg [dreg:$0x2];
	[bflag:$0x3] =	sbarrier.arrive $0xFFFF;
	s2 =	simm.s32 @!p0 $0x1C02  }
0x30: {  	[timem:s3], [sflag:s2] =	dma.local @!p0 [hbm:s0], s1  }
0x31: {  	s0 =	simm.s32 @!p0 $0x2  }
0x32: {  	_ =	swait.ge @!p0 [sflag:s0], s1  }
0x33: {  	s1 =	ssub.s32 @!p0 $0x0, s1;
	[sflag:s0] =	ssyncset.done @!p0 $0x0  }
0x34: {  	[sflag:s0] =	ssyncadd.s32 @!p0 s1  }
0x35: {  	[bflag:$0x3] =	sbarrier.arrive $0xFFFF  }
0x36: {  	_ =	shalt  }

</sc_bundles>
